<compile_context>
chip_gen: v7x
topology: tpu7x:2x2x1
jax: 0.10.2.dev20260603
libtpu: 0.0.44.dev20260713+nightly
codegen_flags: <defaults>
</compile_context>

<pallas_src>
import jax
import jax.numpy as jnp
from jax import lax
from jax.experimental import pallas as pl
from jax.experimental.pallas import tpu as pltpu

EPS = 1e-5
NNODES = 50000
NEDGES = 1600000
NGRAPH = 30
NF = 7
EF = 6
H = 64
GF = 64
N_MP = 3

TE = 3200
NB = 256
CHUNK = TE
NBLK = (NNODES + NB - 1) // NB
NPAD = NBLK * NB
EGRID = -(-NEDGES // TE) + 1
EPAD = EGRID * TE
TN = 3584
NGRID = NPAD // TN


def _lrelu(x):
    return jnp.where(x >= 0, x, 0.01 * x)


def _bnvec(stats, n):
    s1 = jnp.sum(stats[0:8], axis=0)
    s2 = jnp.sum(stats[8:16], axis=0)
    m = s1 / n
    v = s2 / n - m * m
    return m.reshape(1, -1), jnp.sqrt(v + EPS).reshape(1, -1)


def _padcols(a, w):
    return jnp.pad(a, ((0, 0), (0, w - a.shape[1])))


def _stats16(a):
    n8 = a.shape[0] // 8
    a3 = a.reshape(n8, 8, a.shape[1])
    return jnp.concatenate([jnp.sum(a3, axis=0), jnp.sum(a3 * a3, axis=0)], axis=0)


def _estats_body(xs_ref, xd_ref, ea_ref, W_ref, b_ref, out_ref):
    i = pl.program_id(0)
    feats = jnp.concatenate([xs_ref[...], xd_ref[...], ea_ref[...]], axis=1)
    z = jnp.dot(feats, W_ref[...], preferred_element_type=jnp.float32) + b_ref[...]
    a = _lrelu(z)
    eidx = i * TE + lax.broadcasted_iota(jnp.int32, (TE, 1), 0)
    a = jnp.where(eidx < NEDGES, a, 0.0)

    @pl.when(i == 0)
    def _():
        out_ref[...] = jnp.zeros_like(out_ref)

    out_ref[...] += _stats16(a)


def _edge_stats(xs, xd, ea, W, b):
    return pl.pallas_call(
        _estats_body,
        grid=(EGRID,),
        in_specs=[
            pl.BlockSpec((TE, 8), lambda i: (i, 0)),
            pl.BlockSpec((TE, 8), lambda i: (i, 0)),
            pl.BlockSpec((TE, 8), lambda i: (i, 0)),
            pl.BlockSpec((24, H), lambda i: (0, 0)),
            pl.BlockSpec((1, H), lambda i: (0, 0)),
        ],
        out_specs=pl.BlockSpec((16, H), lambda i: (0, 0)),
        out_shape=jax.ShapeDtypeStruct((16, H), jnp.float32),
    )(xs, xd, ea, W, b)


def _etrans_body(xs_ref, xd_ref, ea_ref, W1_ref, b1_ref, m_ref, s_ref,
                 g_ref, bb_ref, W2_ref, b2_ref, Wh_ref, bh_ref, ean_ref, st_ref):
    i = pl.program_id(0)
    xs = xs_ref[...]
    feats = jnp.concatenate([xs, xd_ref[...], ea_ref[...]], axis=1)
    z = jnp.dot(feats, W1_ref[...], preferred_element_type=jnp.float32) + b1_ref[...]
    a1 = (_lrelu(z) - m_ref[...]) / s_ref[...] * g_ref[...] + bb_ref[...]
    ean = jnp.dot(a1, W2_ref[...], preferred_element_type=jnp.float32) + b2_ref[...]
    ean_ref[...] = ean
    zh = jnp.dot(jnp.concatenate([xs, ean], axis=1), Wh_ref[...],
                 preferred_element_type=jnp.float32) + bh_ref[...]
    ah = _lrelu(zh)
    eidx = i * TE + lax.broadcasted_iota(jnp.int32, (TE, 1), 0)
    ah = jnp.where(eidx < NEDGES, ah, 0.0)

    @pl.when(i == 0)
    def _():
        st_ref[...] = jnp.zeros_like(st_ref)

    st_ref[...] += _stats16(ah)


def _edge_transform(xs, xd, ea, W1, b1, m, sv, g, bb, W2, b2, Wh, bh):
    return pl.pallas_call(
        _etrans_body,
        grid=(EGRID,),
        in_specs=[
            pl.BlockSpec((TE, 8), lambda i: (i, 0)),
            pl.BlockSpec((TE, 8), lambda i: (i, 0)),
            pl.BlockSpec((TE, 8), lambda i: (i, 0)),
            pl.BlockSpec((24, H), lambda i: (0, 0)),
            pl.BlockSpec((1, H), lambda i: (0, 0)),
            pl.BlockSpec((1, H), lambda i: (0, 0)),
            pl.BlockSpec((1, H), lambda i: (0, 0)),
            pl.BlockSpec((1, H), lambda i: (0, 0)),
            pl.BlockSpec((1, H), lambda i: (0, 0)),
            pl.BlockSpec((H, 8), lambda i: (0, 0)),
            pl.BlockSpec((1, 8), lambda i: (0, 0)),
            pl.BlockSpec((16, H), lambda i: (0, 0)),
            pl.BlockSpec((1, H), lambda i: (0, 0)),
        ],
        out_specs=[
            pl.BlockSpec((TE, 8), lambda i: (i, 0)),
            pl.BlockSpec((16, H), lambda i: (0, 0)),
        ],
        out_shape=[
            jax.ShapeDtypeStruct((EPAD, 8), jnp.float32),
            jax.ShapeDtypeStruct((16, H), jnp.float32),
        ],
    )(xs, xd, ea, W1, b1, m, sv, g, bb, W2, b2, Wh, bh)


def _agg_body(ptr_ref, xs_hbm, ean_hbm, col_hbm, Wh_ref, bh_ref, m_ref, s_ref,
              g_ref, bb_ref, Wp_ref, bp_ref, batch_ref, agg_ref, pooled_ref,
              xs_v, ean_v, col_v, s0_, s1_, s2_):
    b = pl.program_id(0)
    start = ptr_ref[b]
    end = ptr_ref[b + 1]
    s0 = (start // 8) * 8
    trips = (end - s0 + CHUNK - 1) // CHUNK

    def body(t, acc):
        off = pl.multiple_of(s0 + t * CHUNK, 8)
        c1 = pltpu.make_async_copy(xs_hbm.at[pl.ds(off, CHUNK), :], xs_v, s0_)
        c2 = pltpu.make_async_copy(ean_hbm.at[pl.ds(off, CHUNK), :], ean_v, s1_)
        c3 = pltpu.make_async_copy(col_hbm.at[pl.ds(off, CHUNK), :], col_v, s2_)
        c1.start(); c2.start(); c3.start()
        c1.wait(); c2.wait(); c3.wait()
        zh = jnp.dot(jnp.concatenate([xs_v[...], ean_v[...]], axis=1), Wh_ref[...],
                     preferred_element_type=jnp.float32) + bh_ref[...]
        ah = (_lrelu(zh) - m_ref[...]) / s_ref[...] * g_ref[...] + bb_ref[...]
        h = jnp.dot(ah, Wp_ref[...], preferred_element_type=jnp.float32) + bp_ref[...]
        eidx = off + lax.broadcasted_iota(jnp.int32, (CHUNK, 1), 0)
        h = jnp.where((eidx >= start) & (eidx < end), h, 0.0)
        lc = jnp.clip(col_v[...] - b * NB, 0, NB - 1)
        oh = (lc == lax.broadcasted_iota(jnp.int32, (1, NB), 1)).astype(jnp.float32)
        return acc + lax.dot_general(oh, h, (((0,), (0,)), ((), ())),
                                     precision=lax.Precision.HIGHEST,
                                     preferred_element_type=jnp.float32)

    acc = lax.fori_loop(0, trips, body, jnp.zeros((NB, H), jnp.float32))
    agg_ref[...] = acc
    bo = (batch_ref[...] == lax.broadcasted_iota(jnp.int32, (1, 32), 1)
          ).astype(jnp.float32)
    pc = lax.dot_general(bo, acc, (((0,), (0,)), ((), ())),
                         precision=lax.Precision.HIGHEST,
                         preferred_element_type=jnp.float32)

    @pl.when(b == 0)
    def _():
        pooled_ref[...] = jnp.zeros_like(pooled_ref)

    pooled_ref[...] += pc


def _aggregate(block_ptr, xs, ean, colp, Wh, bh, m, sv, g, bb, Wp, bp, batch_pad):
    grid_spec = pltpu.PrefetchScalarGridSpec(
        num_scalar_prefetch=1,
        grid=(NBLK,),
        in_specs=[
            pl.BlockSpec(memory_space=pl.ANY),
            pl.BlockSpec(memory_space=pl.ANY),
            pl.BlockSpec(memory_space=pl.ANY),
            pl.BlockSpec((16, H), lambda b, p: (0, 0)),
            pl.BlockSpec((1, H), lambda b, p: (0, 0)),
            pl.BlockSpec((1, H), lambda b, p: (0, 0)),
            pl.BlockSpec((1, H), lambda b, p: (0, 0)),
            pl.BlockSpec((1, H), lambda b, p: (0, 0)),
            pl.BlockSpec((1, H), lambda b, p: (0, 0)),
            pl.BlockSpec((H, H), lambda b, p: (0, 0)),
            pl.BlockSpec((1, H), lambda b, p: (0, 0)),
            pl.BlockSpec((NB, 1), lambda b, p: (b, 0)),
        ],
        out_specs=[
            pl.BlockSpec((NB, H), lambda b, p: (b, 0)),
            pl.BlockSpec((32, H), lambda b, p: (0, 0)),
        ],
        scratch_shapes=[
            pltpu.VMEM((CHUNK, 8), jnp.float32),
            pltpu.VMEM((CHUNK, 8), jnp.float32),
            pltpu.VMEM((CHUNK, 1), jnp.int32),
            pltpu.SemaphoreType.DMA,
            pltpu.SemaphoreType.DMA,
            pltpu.SemaphoreType.DMA,
        ],
    )
    return pl.pallas_call(
        _agg_body,
        grid_spec=grid_spec,
        out_shape=[
            jax.ShapeDtypeStruct((NPAD, H), jnp.float32),
            jax.ShapeDtypeStruct((32, H), jnp.float32),
        ],
    )(block_ptr, xs, ean, colp, Wh, bh, m, sv, g, bb, Wp, bp, batch_pad)


def _nstats_body(x_ref, agg_ref, W_ref, b_ref, out_ref):
    i = pl.program_id(0)
    feats = jnp.concatenate([x_ref[...], agg_ref[...]], axis=1)
    z = jnp.dot(feats, W_ref[...], preferred_element_type=jnp.float32) + b_ref[...]
    a = _lrelu(z)
    nidx = i * TN + lax.broadcasted_iota(jnp.int32, (TN, 1), 0)
    a = jnp.where(nidx < NNODES, a, 0.0)

    @pl.when(i == 0)
    def _():
        out_ref[...] = jnp.zeros_like(out_ref)

    out_ref[...] += _stats16(a)


def _node_stats(xp, agg, W, b):
    return pl.pallas_call(
        _nstats_body,
        grid=(NGRID,),
        in_specs=[
            pl.BlockSpec((TN, 8), lambda i: (i, 0)),
            pl.BlockSpec((TN, H), lambda i: (i, 0)),
            pl.BlockSpec((72, H), lambda i: (0, 0)),
            pl.BlockSpec((1, H), lambda i: (0, 0)),
        ],
        out_specs=pl.BlockSpec((16, H), lambda i: (0, 0)),
        out_shape=jax.ShapeDtypeStruct((16, H), jnp.float32),
    )(xp, agg, W, b)


def _ntrans_body(x_ref, agg_ref, W_ref, b_ref, m_ref, s_ref, g_ref, bb_ref,
                 Wp_ref, bp_ref, batch_ref, xn_ref, px_ref):
    i = pl.program_id(0)
    feats = jnp.concatenate([x_ref[...], agg_ref[...]], axis=1)
    z = jnp.dot(feats, W_ref[...], preferred_element_type=jnp.float32) + b_ref[...]
    an = (_lrelu(z) - m_ref[...]) / s_ref[...] * g_ref[...] + bb_ref[...]
    xn = jnp.dot(an, Wp_ref[...], preferred_element_type=jnp.float32) + bp_ref[...]
    xn_ref[...] = xn
    bo = (batch_ref[...] == lax.broadcasted_iota(jnp.int32, (1, 32), 1)
          ).astype(jnp.float32)
    pc = lax.dot_general(bo, xn, (((0,), (0,)), ((), ())),
                         precision=lax.Precision.HIGHEST,
                         preferred_element_type=jnp.float32)

    @pl.when(i == 0)
    def _():
        px_ref[...] = jnp.zeros_like(px_ref)

    px_ref[...] += pc


def _node_transform(xp, agg, W, b, m, sv, g, bb, Wp, bp, batch_pad):
    return pl.pallas_call(
        _ntrans_body,
        grid=(NGRID,),
        in_specs=[
            pl.BlockSpec((TN, 8), lambda i: (i, 0)),
            pl.BlockSpec((TN, H), lambda i: (i, 0)),
            pl.BlockSpec((72, H), lambda i: (0, 0)),
            pl.BlockSpec((1, H), lambda i: (0, 0)),
            pl.BlockSpec((1, H), lambda i: (0, 0)),
            pl.BlockSpec((1, H), lambda i: (0, 0)),
            pl.BlockSpec((1, H), lambda i: (0, 0)),
            pl.BlockSpec((1, H), lambda i: (0, 0)),
            pl.BlockSpec((H, 8), lambda i: (0, 0)),
            pl.BlockSpec((1, 8), lambda i: (0, 0)),
            pl.BlockSpec((TN, 1), lambda i: (i, 0)),
        ],
        out_specs=[
            pl.BlockSpec((TN, 8), lambda i: (i, 0)),
            pl.BlockSpec((32, 8), lambda i: (0, 0)),
        ],
        out_shape=[
            jax.ShapeDtypeStruct((NPAD, 8), jnp.float32),
            jax.ShapeDtypeStruct((32, 8), jnp.float32),
        ],
    )(xp, agg, W, b, m, sv, g, bb, Wp, bp, batch_pad)


def _global_body(px_ref, pg_ref, Wa_ref, ba_ref, ga_ref, bba_ref,
                 Wb_ref, bb_ref, gb_ref, bbb_ref,
                 Wc_ref, bc_ref, gc_ref, bbc_ref,
                 Wd_ref, bd_ref, u_ref):
    p = jnp.concatenate([px_ref[...], pg_ref[...]], axis=1)
    valid = lax.broadcasted_iota(jnp.int32, (32, 1), 0) < NGRAPH

    def layer(p, W, b, g, bb):
        z = jnp.dot(p, W[...], preferred_element_type=jnp.float32) + b[...]
        a = _lrelu(z)
        am = jnp.where(valid, a, 0.0)
        m = jnp.sum(am, axis=0, keepdims=True) / NGRAPH
        v = jnp.sum(am * am, axis=0, keepdims=True) / NGRAPH - m * m
        return (a - m) / jnp.sqrt(v + EPS) * g[...] + bb[...]

    p = layer(p, Wa_ref, ba_ref, ga_ref, bba_ref)
    p = layer(p, Wb_ref, bb_ref, gb_ref, bbb_ref)
    p = layer(p, Wc_ref, bc_ref, gc_ref, bbc_ref)
    u_ref[...] = jnp.dot(p, Wd_ref[...], preferred_element_type=jnp.float32) + bd_ref[...]


def _global_mlp(px, pg, Wa, ba, ga, bba, Wb, bb, gb, bbb, Wc, bc, gc, bbc, Wd, bd):
    args = (px, pg, Wa, ba, ga, bba, Wb, bb, gb, bbb, Wc, bc, gc, bbc, Wd, bd)
    return pl.pallas_call(
        _global_body,
        out_shape=jax.ShapeDtypeStruct((32, GF), jnp.float32),
    )(*args)


def kernel(x, edge_index, edge_attr, batch, params):
    p = params
    row = edge_index[0]
    col = edge_index[1]

    perm = jnp.argsort(col)
    rowp = row[perm]
    colp = col[perm]
    eap = jnp.pad(edge_attr, ((0, EPAD - NEDGES), (0, 2)))[
        jnp.concatenate([perm, jnp.arange(NEDGES, EPAD, dtype=perm.dtype)])]
    colp2 = jnp.pad(colp, (0, EPAD - NEDGES)).reshape(EPAD, 1)
    block_ptr = jnp.searchsorted(
        colp, jnp.arange(NBLK + 1, dtype=jnp.int32) * NB).astype(jnp.int32)

    W1e = jnp.concatenate([
        _padcols(p['We1'][:NF].T, 8).T, _padcols(p['We1'][NF:2 * NF].T, 8).T,
        _padcols(p['We1'][2 * NF:].T, 8).T], axis=0)
    b1e = p['be1'].reshape(1, H)
    Wn1 = jnp.concatenate([
        _padcols(p['Wn1'][:NF].T, 8).T, _padcols(p['Wn1'][NF:].T, 8).T], axis=0)
    bn1 = p['bn1'].reshape(1, H)
    Wg1 = jnp.concatenate([
        _padcols(p['Wg1'][:NF].T, 8).T, _padcols(p['Wg1'][NF:].T, 8).T], axis=0)
    bg1 = p['bg1'].reshape(1, H)
    Wn2 = jnp.concatenate([p['Wn2'][:NF], jnp.zeros((1, H), jnp.float32),
                           p['Wn2'][NF:]], axis=0)
    bn2 = p['bn2'].reshape(1, H)

    xp = jnp.zeros((NPAD, 8), jnp.float32).at[:NNODES, :NF].set(x)
    batch_pad = jnp.concatenate(
        [batch, jnp.full((NPAD - NNODES,), NGRAPH, jnp.int32)]).reshape(NPAD, 1)

    u = None
    for it in range(N_MP):
        xs = jnp.take(xp, rowp, axis=0)
        xs = jnp.pad(xs, ((0, EPAD - NEDGES), (0, 0)))
        xd = jnp.take(xp, colp, axis=0)
        xd = jnp.pad(xd, ((0, EPAD - NEDGES), (0, 0)))

        st1 = _edge_stats(xs, xd, eap, W1e, b1e)
        m1, s1v = _bnvec(st1, NEDGES)
        We2 = _padcols(p['We2'], 8)
        be2 = _padcols(p['be2'].reshape(1, EF), 8)

        ean, sth = _edge_transform(xs, xd, eap, W1e, b1e, m1, s1v,
                                   p['ge1'].reshape(1, H), p['bbe1'].reshape(1, H),
                                   We2, be2, Wn1, bn1)
        mh, shv = _bnvec(sth, NEDGES)

        agg, _ = _aggregate(block_ptr, xs, ean, colp2, Wn1, bn1, mh, shv,
                            p['gn1'].reshape(1, H), p['bbn1'].reshape(1, H),
                            p['Wn1b'], p['bn1b'].reshape(1, H), batch_pad)

        stn = _node_stats(xp, agg, Wn2, bn2)
        mn, snv = _bnvec(stn, NNODES)
        Wn2b = _padcols(p['Wn2b'], 8)
        bn2b = _padcols(p['bn2b'].reshape(1, NF), 8)

        xp, px = _node_transform(xp, agg, Wn2, bn2, mn, snv,
                                 p['gn2'].reshape(1, H), p['bbn2'].reshape(1, H),
                                 Wn2b, bn2b, batch_pad)

        if it == N_MP - 1:
            xs2 = jnp.take(xp, rowp, axis=0)
            xs2 = jnp.pad(xs2, ((0, EPAD - NEDGES), (0, 0)))
            stg = _edge_stats(xs2, jnp.zeros_like(xs2), ean,
                              jnp.concatenate([Wg1[:8], jnp.zeros((8, H), jnp.float32),
                                               Wg1[8:]], axis=0), bg1)
            mg, sgv = _bnvec(stg, NEDGES)
            _, pg = _aggregate(block_ptr, xs2, ean, colp2, Wg1, bg1, mg, sgv,
                               p['gg1'].reshape(1, H), p['bbg1'].reshape(1, H),
                               p['Wg1b'], p['bg1b'].reshape(1, H), batch_pad)
            Wg2a = jnp.concatenate(
                [p['Wg2a'][:NF], jnp.zeros((1, H), jnp.float32), p['Wg2a'][NF:]],
                axis=0)
            u = _global_mlp(
                px, pg,
                Wg2a, p['bg2a'].reshape(1, H), p['gg2a'].reshape(1, H),
                p['bbg2a'].reshape(1, H),
                p['Wg2b'], p['bg2b'].reshape(1, H), p['gg2b'].reshape(1, H),
                p['bbg2b'].reshape(1, H),
                p['Wg2c'], p['bg2c'].reshape(1, H), p['gg2c'].reshape(1, H),
                p['bbg2c'].reshape(1, H),
                p['Wg2d'], p['bg2d'].reshape(1, GF))[:NGRAPH]
        eap = ean

    x_out = xp[:NNODES, :NF]
    ea_out = jnp.zeros((NEDGES, EF), jnp.float32).at[perm].set(eap[:NEDGES, :EF])
    return (x_out, ea_out, u)

# --- scband reference (transcript-rebuilt; emitter-appended) ---
"""Pipeline reference for scband-gnn-20839181320253 (READ-ONLY COPY).

The authoritative reference and input builder live on the scoring server;
editing this copy changes nothing except your own understanding.
"""

import jax, jax.numpy as jnp
import numpy as np

N_NODES = 50000
N_EDGES = 1600000
B = 30
NF = 7
EF = 6
H = 64
GF = 64
N_MP = 3
EPS = 1e-5


def _lrelu(x):
    return jnp.where(x >= 0, x, 0.01 * x)


def _bn(x, g, b):
    m = x.mean(axis=0)
    v = x.var(axis=0)
    return (x - m) / jnp.sqrt(v + EPS) * g + b


def _mlp4(h, W1, b1, g1, bb1, W2, b2):
    h = _bn(_lrelu(h @ W1 + b1), g1, bb1)
    return h @ W2 + b2


def _make_params(key):
    ks = jax.random.split(key, 12)

    def lin(k, i, o):
        return 0.1 * jax.random.normal(k, (i, o), jnp.float32)

    def bias(o):
        return jnp.full((o,), 0.01, jnp.float32)

    p = {}
    p['We1'] = lin(ks[0], EF + 2 * NF, H); p['be1'] = bias(H)
    p['ge1'] = jnp.ones((H,), jnp.float32); p['bbe1'] = jnp.zeros((H,), jnp.float32)
    p['We2'] = lin(ks[1], H, EF); p['be2'] = bias(EF)
    p['Wn1'] = lin(ks[2], NF + EF, H); p['bn1'] = bias(H)
    p['gn1'] = jnp.ones((H,), jnp.float32); p['bbn1'] = jnp.zeros((H,), jnp.float32)
    p['Wn1b'] = lin(ks[3], H, H); p['bn1b'] = bias(H)
    p['Wn2'] = lin(ks[4], H + NF, H); p['bn2'] = bias(H)
    p['gn2'] = jnp.ones((H,), jnp.float32); p['bbn2'] = jnp.zeros((H,), jnp.float32)
    p['Wn2b'] = lin(ks[5], H, NF); p['bn2b'] = bias(NF)
    p['Wg1'] = lin(ks[6], NF + EF, H); p['bg1'] = bias(H)
    p['gg1'] = jnp.ones((H,), jnp.float32); p['bbg1'] = jnp.zeros((H,), jnp.float32)
    p['Wg1b'] = lin(ks[7], H, H); p['bg1b'] = bias(H)
    p['Wg2a'] = lin(ks[8], H + NF, H); p['bg2a'] = bias(H)
    p['gg2a'] = jnp.ones((H,), jnp.float32); p['bbg2a'] = jnp.zeros((H,), jnp.float32)
    p['Wg2b'] = lin(ks[9], H, H); p['bg2b'] = bias(H)
    p['gg2b'] = jnp.ones((H,), jnp.float32); p['bbg2b'] = jnp.zeros((H,), jnp.float32)
    p['Wg2c'] = lin(ks[10], H, H); p['bg2c'] = bias(H)
    p['gg2c'] = jnp.ones((H,), jnp.float32); p['bbg2c'] = jnp.zeros((H,), jnp.float32)
    p['Wg2d'] = lin(ks[11], H, GF); p['bg2d'] = bias(GF)
    return p


def _meta(x, ea, u, row, col, batch, p):
    src = x[row]
    dst = x[col]
    ea = _mlp4(jnp.concatenate([src, dst, ea], axis=1), p['We1'], p['be1'], p['ge1'], p['bbe1'], p['We2'], p['be2'])
    h = _mlp4(jnp.concatenate([x[row], ea], axis=1), p['Wn1'], p['bn1'], p['gn1'], p['bbn1'], p['Wn1b'], p['bn1b'])
    agg = jax.ops.segment_sum(h, col, num_segments=N_NODES)
    x = _mlp4(jnp.concatenate([x, agg], axis=1), p['Wn2'], p['bn2'], p['gn2'], p['bbn2'], p['Wn2b'], p['bn2b'])
    hg = _mlp4(jnp.concatenate([x[row], ea], axis=1), p['Wg1'], p['bg1'], p['gg1'], p['bbg1'], p['Wg1b'], p['bg1b'])
    aggg = jax.ops.segment_sum(hg, col, num_segments=N_NODES)
    pooled = jnp.concatenate([jax.ops.segment_sum(x, batch, num_segments=B), jax.ops.segment_sum(aggg, batch, num_segments=B)], axis=1)
    h2 = _bn(_lrelu(pooled @ p['Wg2a'] + p['bg2a']), p['gg2a'], p['bbg2a'])
    h2 = _bn(_lrelu(h2 @ p['Wg2b'] + p['bg2b']), p['gg2b'], p['bbg2b'])
    h2 = _bn(_lrelu(h2 @ p['Wg2c'] + p['bg2c']), p['gg2c'], p['bbg2c'])
    u = h2 @ p['Wg2d'] + p['bg2d']
    return x, ea, u


def setup_inputs(seed: int = 0):
    key = jax.random.key(seed)
    k1, k2, k3, k4, k5 = jax.random.split(key, 5)
    x = jax.random.normal(k1, (N_NODES, NF), jnp.float32)
    edge_index = jax.random.randint(k2, (2, N_EDGES), 0, N_NODES, dtype=jnp.int32)
    edge_attr = jax.random.normal(k3, (N_EDGES, EF), jnp.float32)
    batch = jnp.sort(jax.random.randint(k4, (N_NODES,), 0, B, dtype=jnp.int32))
    params = _make_params(k5)
    return {'x': x, 'edge_index': edge_index, 'edge_attr': edge_attr, 'batch': batch, 'params': params}


def reference(x, edge_index, edge_attr, batch, params):
    row = edge_index[0]
    col = edge_index[1]
    u = jnp.full((B, GF), 0.1, jnp.float32)
    ea = edge_attr
    for _ in range(N_MP):
        x, ea, u = _meta(x, ea, u, row, col, batch, params)
    return (x, ea, u)

if __name__ == "__main__":
    import jax
    _d = setup_inputs()
    print(jax.jit(kernel)(*tuple(_d.values())))

</pallas_src>

<mosaic_0001>
module attributes {stable_mosaic.version = 14 : i64} {
  func.func @_estats_body(%arg0: i32, %arg1: memref<3200x8xf32, #tpu.memory_space<vmem>>, %arg2: memref<3200x8xf32, #tpu.memory_space<vmem>>, %arg3: memref<3200x8xf32, #tpu.memory_space<vmem>>, %arg4: memref<24x64xf32, #tpu.memory_space<vmem>>, %arg5: memref<1x64xf32, #tpu.memory_space<vmem>>, %arg6: memref<16x64xf32, #tpu.memory_space<vmem>>) attributes {dimension_semantics = [#tpu.dimension_semantics<arbitrary>], iteration_bounds = array<i64: 501>, scalar_prefetch = 0 : i64, scratch_operands = 0 : i64, tpu.core_type = #tpu.core_type<tc>, window_params = [{transform_indices = @transform_0, window_bounds = array<i64: 3200, 8>}, {transform_indices = @transform_1, window_bounds = array<i64: 3200, 8>}, {transform_indices = @transform_2, window_bounds = array<i64: 3200, 8>}, {pipeline_mode = #tpu.pipeline_mode<synchronous>, transform_indices = @transform_3, window_bounds = array<i64: 24, 64>}, {pipeline_mode = #tpu.pipeline_mode<synchronous>, transform_indices = @transform_4, window_bounds = array<i64: 1, 64>}, {pipeline_mode = #tpu.pipeline_mode<synchronous>, transform_indices = @transform_5, window_bounds = array<i64: 16, 64>}]} {
    %get3A = arith.constant 0 : index
    %get3A_0 = arith.constant 0 : index
    %get3A_1 = vector.load %arg1[%get3A, %get3A_0] : memref<3200x8xf32, #tpu.memory_space<vmem>>, vector<3200x8xf32>
    %get3A_2 = arith.constant 0 : index
    %get3A_3 = arith.constant 0 : index
    %get3A_4 = vector.load %arg2[%get3A_2, %get3A_3] : memref<3200x8xf32, #tpu.memory_space<vmem>>, vector<3200x8xf32>
    %get3A_5 = arith.constant 0 : index
    %get3A_6 = arith.constant 0 : index
    %get3A_7 = vector.load %arg3[%get3A_5, %get3A_6] : memref<3200x8xf32, #tpu.memory_space<vmem>>, vector<3200x8xf32>
    %concatenate3A = tpu.concatenate %get3A_1, %get3A_4, %get3A_7 in 1 : vector<3200x8xf32>, vector<3200x8xf32>, vector<3200x8xf32> -> vector<3200x24xf32>
    %get3A_8 = arith.constant 0 : index
    %get3A_9 = arith.constant 0 : index
    %get3A_10 = vector.load %arg4[%get3A_8, %get3A_9] : memref<24x64xf32, #tpu.memory_space<vmem>>, vector<24x64xf32>
    %dot_general3A = arith.constant dense<0.000000e+00> : vector<3200x64xf32>
    %dot_general3A_11 = tpu.matmul %concatenate3A, %get3A_10, %dot_general3A {dimension_numbers = #tpu.dot_dimension_numbers<[1], [0], [0], [1], [0, 0, 1, 1], [], []>, transpose_lhs_hint = false} : vector<3200x24xf32>, vector<24x64xf32>, vector<3200x64xf32> -> vector<3200x64xf32>
    %get3A_12 = arith.constant 0 : index
    %get3A_13 = arith.constant 0 : index
    %get3A_14 = vector.load %arg5[%get3A_12, %get3A_13] : memref<1x64xf32, #tpu.memory_space<vmem>>, vector<1x64xf32>
    %add3A = vector.broadcast %get3A_14 : vector<1x64xf32> to vector<3200x64xf32>
    %add3A_15 = arith.addf %dot_general3A_11, %add3A : vector<3200x64xf32>
    %ge3A = arith.constant 0.000000e+00 : f32
    %ge3A_16 = vector.broadcast %ge3A : f32 to vector<3200x64xf32>
    %ge3A_17 = arith.cmpf oge, %add3A_15, %ge3A_16 : vector<3200x64xf32>
    %mul3A = arith.constant 0.00999999977 : f32
    %mul3A_18 = vector.broadcast %mul3A : f32 to vector<3200x64xf32>
    %mul3A_19 = arith.mulf %mul3A_18, %add3A_15 : vector<3200x64xf32>
    %select_n3A = arith.select %ge3A_17, %add3A_15, %mul3A_19 : vector<3200x64xi1>, vector<3200x64xf32>
    %mul3A_20 = arith.constant 3200 : i32
    %mul3A_21 = arith.muli %arg0, %mul3A_20 : i32
    %iota3A = tpu.iota {dimensions = array<i32: 0>} : vector<3200x1xi32>
    %add3A_22 = vector.broadcast %mul3A_21 : i32 to vector<3200x1xi32>
    %add3A_23 = arith.addi %add3A_22, %iota3A : vector<3200x1xi32>
    %lt3A = arith.constant 1600000 : i32
    %lt3A_24 = vector.broadcast %lt3A : i32 to vector<3200x1xi32>
    %lt3A_25 = arith.cmpi slt, %add3A_23, %lt3A_24 : vector<3200x1xi32>
    %jit3A = arith.constant 0.000000e+00 : f32
    %broadcast_in_dim3A = vector.shape_cast %lt3A_25 : vector<3200x1xi1> to vector<3200x1xi1>
    %broadcast_in_dim3A_26 = vector.broadcast %broadcast_in_dim3A : vector<3200x1xi1> to vector<3200x64xi1>
    %broadcast_in_dim3A_27 = vector.broadcast %jit3A : f32 to vector<3200x64xf32>
    %select_n3A_28 = arith.select %broadcast_in_dim3A_26, %select_n3A, %broadcast_in_dim3A_27 : vector<3200x64xi1>, vector<3200x64xf32>
    %eq3A = arith.constant 0 : i32
    %eq3A_29 = arith.cmpi eq, %arg0, %eq3A : i32
    %convert_element_type3A = arith.extui %eq3A_29 : i1 to i32
    %cond3A = arith.constant 0 : i32
    %cond3A_30 = arith.cmpi ne, %convert_element_type3A, %cond3A : i32
    scf.if %cond3A_30 {
      %broadcast_in_dim3A_42 = arith.constant 0.000000e+00 : f32
      %broadcast_in_dim3A_43 = vector.broadcast %broadcast_in_dim3A_42 : f32 to vector<16x64xf32>
      %swap3A_44 = arith.constant 0 : index
      %swap3A_45 = arith.constant 0 : index
      %swap3A_46 = vector.load %arg6[%swap3A_44, %swap3A_45] : memref<16x64xf32, #tpu.memory_space<vmem>>, vector<16x64xf32>
      tpu.vector_store %arg6[%swap3A_44, %swap3A_45], %broadcast_in_dim3A_43 {strides = array<i32>} : memref<16x64xf32, #tpu.memory_space<vmem>>, vector<16x64xf32>,
    } else {
    }
    %get3A_31 = arith.constant 0 : index
    %get3A_32 = arith.constant 0 : index
    %get3A_33 = vector.load %arg6[%get3A_31, %get3A_32] : memref<16x64xf32, #tpu.memory_space<vmem>>, vector<16x64xf32>
    %reshape3A = vector.shape_cast %select_n3A_28 : vector<3200x64xf32> to vector<400x8x64xf32>
    %reduce_sum3A = arith.constant dense<0.000000e+00> : vector<8x64xf32>
    %reduce_sum3A_34 = vector.multi_reduction <add>, %reshape3A, %reduce_sum3A [0] : vector<400x8x64xf32> to vector<8x64xf32>
    %mul3A_35 = arith.mulf %reshape3A, %reshape3A : vector<400x8x64xf32>
    %reduce_sum3A_36 = arith.constant dense<0.000000e+00> : vector<8x64xf32>
    %reduce_sum3A_37 = vector.multi_reduction <add>, %mul3A_35, %reduce_sum3A_36 [0] : vector<400x8x64xf32> to vector<8x64xf32>
    %concatenate3A_38 = tpu.concatenate %reduce_sum3A_34, %reduce_sum3A_37 in 0 : vector<8x64xf32>, vector<8x64xf32> -> vector<16x64xf32>
    %add3A_39 = arith.addf %get3A_33, %concatenate3A_38 : vector<16x64xf32>
    %swap3A = arith.constant 0 : index
    %swap3A_40 = arith.constant 0 : index
    %swap3A_41 = vector.load %arg6[%swap3A, %swap3A_40] : memref<16x64xf32, #tpu.memory_space<vmem>>, vector<16x64xf32>
    tpu.vector_store %arg6[%swap3A, %swap3A_40], %add3A_39 {strides = array<i32>} : memref<16x64xf32, #tpu.memory_space<vmem>>, vector<16x64xf32>,
    return
  }
  func.func @transform_0(%arg0: i32) -> (i32, i32) {
    %c0_i32 = arith.constant 0 : i32
    %c0_i32_0 = arith.constant 0 : i32
    return %arg0, %c0_i32 : i32, i32
  }
  func.func @transform_1(%arg0: i32) -> (i32, i32) {
    %c0_i32 = arith.constant 0 : i32
    %c0_i32_0 = arith.constant 0 : i32
    return %arg0, %c0_i32 : i32, i32
  }
  func.func @transform_2(%arg0: i32) -> (i32, i32) {
    %c0_i32 = arith.constant 0 : i32
    %c0_i32_0 = arith.constant 0 : i32
    return %arg0, %c0_i32 : i32, i32
  }
  func.func @transform_3(%arg0: i32) -> (i32, i32) {
    %c0_i32 = arith.constant 0 : i32
    %c0_i32_0 = arith.constant 0 : i32
    %c0_i32_1 = arith.constant 0 : i32
    return %c0_i32, %c0_i32_0 : i32, i32
  }
  func.func @transform_4(%arg0: i32) -> (i32, i32) {
    %c0_i32 = arith.constant 0 : i32
    %c0_i32_0 = arith.constant 0 : i32
    %c0_i32_1 = arith.constant 0 : i32
    return %c0_i32, %c0_i32_0 : i32, i32
  }
  func.func @transform_5(%arg0: i32) -> (i32, i32) {
    %c0_i32 = arith.constant 0 : i32
    %c0_i32_0 = arith.constant 0 : i32
    %c0_i32_1 = arith.constant 0 : i32
    return %c0_i32, %c0_i32_0 : i32, i32
  }
}

module attributes {stable_mosaic.version = 14 : i64} {
  func.func @_etrans_body(%arg0: i32, %arg1: memref<3200x8xf32, #tpu.memory_space<vmem>>, %arg2: memref<3200x8xf32, #tpu.memory_space<vmem>>, %arg3: memref<3200x8xf32, #tpu.memory_space<vmem>>, %arg4: memref<24x64xf32, #tpu.memory_space<vmem>>, %arg5: memref<1x64xf32, #tpu.memory_space<vmem>>, %arg6: memref<1x64xf32, #tpu.memory_space<vmem>>, %arg7: memref<1x64xf32, #tpu.memory_space<vmem>>, %arg8: memref<1x64xf32, #tpu.memory_space<vmem>>, %arg9: memref<1x64xf32, #tpu.memory_space<vmem>>, %arg10: memref<64x8xf32, #tpu.memory_space<vmem>>, %arg11: memref<1x8xf32, #tpu.memory_space<vmem>>, %arg12: memref<16x64xf32, #tpu.memory_space<vmem>>, %arg13: memref<1x64xf32, #tpu.memory_space<vmem>>, %arg14: memref<3200x8xf32, #tpu.memory_space<vmem>>, %arg15: memref<16x64xf32, #tpu.memory_space<vmem>>) attributes {dimension_semantics = [#tpu.dimension_semantics<arbitrary>], iteration_bounds = array<i64: 501>, scalar_prefetch = 0 : i64, scratch_operands = 0 : i64, tpu.core_type = #tpu.core_type<tc>, window_params = [{transform_indices = @transform_0, window_bounds = array<i64: 3200, 8>}, {transform_indices = @transform_1, window_bounds = array<i64: 3200, 8>}, {transform_indices = @transform_2, window_bounds = array<i64: 3200, 8>}, {pipeline_mode = #tpu.pipeline_mode<synchronous>, transform_indices = @transform_3, window_bounds = array<i64: 24, 64>}, {pipeline_mode = #tpu.pipeline_mode<synchronous>, transform_indices = @transform_4, window_bounds = array<i64: 1, 64>}, {pipeline_mode = #tpu.pipeline_mode<synchronous>, transform_indices = @transform_5, window_bounds = array<i64: 1, 64>}, {pipeline_mode = #tpu.pipeline_mode<synchronous>, transform_indices = @transform_6, window_bounds = array<i64: 1, 64>}, {pipeline_mode = #tpu.pipeline_mode<synchronous>, transform_indices = @transform_7, window_bounds = array<i64: 1, 64>}, {pipeline_mode = #tpu.pipeline_mode<synchronous>, transform_indices = @transform_8, window_bounds = array<i64: 1, 64>}, {pipeline_mode = #tpu.pipeline_mode<synchronous>, transform_indices = @transform_9, window_bounds = array<i64: 64, 8>}, {pipeline_mode = #tpu.pipeline_mode<synchronous>, transform_indices = @transform_10, window_bounds = array<i64: 1, 8>}, {pipeline_mode = #tpu.pipeline_mode<synchronous>, transform_indices = @transform_11, window_bounds = array<i64: 16, 64>}, {pipeline_mode = #tpu.pipeline_mode<synchronous>, transform_indices = @transform_12, window_bounds = array<i64: 1, 64>}, {transform_indices = @transform_13, window_bounds = array<i64: 3200, 8>}, {pipeline_mode = #tpu.pipeline_mode<synchronous>, transform_indices = @transform_14, window_bounds = array<i64: 16, 64>}]} {
    %get3A = arith.constant 0 : index
    %get3A_0 = arith.constant 0 : index
    %get3A_1 = vector.load %arg1[%get3A, %get3A_0] : memref<3200x8xf32, #tpu.memory_space<vmem>>, vector<3200x8xf32>
    %get3A_2 = arith.constant 0 : index
    %get3A_3 = arith.constant 0 : index
    %get3A_4 = vector.load %arg2[%get3A_2, %get3A_3] : memref<3200x8xf32, #tpu.memory_space<vmem>>, vector<3200x8xf32>
    %get3A_5 = arith.constant 0 : index
    %get3A_6 = arith.constant 0 : index
    %get3A_7 = vector.load %arg3[%get3A_5, %get3A_6] : memref<3200x8xf32, #tpu.memory_space<vmem>>, vector<3200x8xf32>
    %concatenate3A = tpu.concatenate %get3A_1, %get3A_4, %get3A_7 in 1 : vector<3200x8xf32>, vector<3200x8xf32>, vector<3200x8xf32> -> vector<3200x24xf32>
    %get3A_8 = arith.constant 0 : index
    %get3A_9 = arith.constant 0 : index
    %get3A_10 = vector.load %arg4[%get3A_8, %get3A_9] : memref<24x64xf32, #tpu.memory_space<vmem>>, vector<24x64xf32>
    %dot_general3A = arith.constant dense<0.000000e+00> : vector<3200x64xf32>
    %dot_general3A_11 = tpu.matmul %concatenate3A, %get3A_10, %dot_general3A {dimension_numbers = #tpu.dot_dimension_numbers<[1], [0], [0], [1], [0, 0, 1, 1], [], []>, transpose_lhs_hint = false} : vector<3200x24xf32>, vector<24x64xf32>, vector<3200x64xf32> -> vector<3200x64xf32>
    %get3A_12 = arith.constant 0 : index
    %get3A_13 = arith.constant 0 : index
    %get3A_14 = vector.load %arg5[%get3A_12, %get3A_13] : memref<1x64xf32, #tpu.memory_space<vmem>>, vector<1x64xf32>
    %add3A = vector.broadcast %get3A_14 : vector<1x64xf32> to vector<3200x64xf32>
    %add3A_15 = arith.addf %dot_general3A_11, %add3A : vector<3200x64xf32>
    %ge3A = arith.constant 0.000000e+00 : f32
    %ge3A_16 = vector.broadcast %ge3A : f32 to vector<3200x64xf32>
    %ge3A_17 = arith.cmpf oge, %add3A_15, %ge3A_16 : vector<3200x64xf32>
    %mul3A = arith.constant 0.00999999977 : f32
    %mul3A_18 = vector.broadcast %mul3A : f32 to vector<3200x64xf32>
    %mul3A_19 = arith.mulf %mul3A_18, %add3A_15 : vector<3200x64xf32>
    %select_n3A = arith.select %ge3A_17, %add3A_15, %mul3A_19 : vector<3200x64xi1>, vector<3200x64xf32>
    %get3A_20 = arith.constant 0 : index
    %get3A_21 = arith.constant 0 : index
    %get3A_22 = vector.load %arg6[%get3A_20, %get3A_21] : memref<1x64xf32, #tpu.memory_space<vmem>>, vector<1x64xf32>
    %sub3A = vector.broadcast %get3A_22 : vector<1x64xf32> to vector<3200x64xf32>
    %sub3A_23 = arith.subf %select_n3A, %sub3A : vector<3200x64xf32>
    %get3A_24 = arith.constant 0 : index
    %get3A_25 = arith.constant 0 : index
    %get3A_26 = vector.load %arg7[%get3A_24, %get3A_25] : memref<1x64xf32, #tpu.memory_space<vmem>>, vector<1x64xf32>
    %div3A = vector.broadcast %get3A_26 : vector<1x64xf32> to vector<3200x64xf32>
    %div3A_27 = arith.divf %sub3A_23, %div3A : vector<3200x64xf32>
    %get3A_28 = arith.constant 0 : index
    %get3A_29 = arith.constant 0 : index
    %get3A_30 = vector.load %arg8[%get3A_28, %get3A_29] : memref<1x64xf32, #tpu.memory_space<vmem>>, vector<1x64xf32>
    %mul3A_31 = vector.broadcast %get3A_30 : vector<1x64xf32> to vector<3200x64xf32>
    %mul3A_32 = arith.mulf %div3A_27, %mul3A_31 : vector<3200x64xf32>
    %get3A_33 = arith.constant 0 : index
    %get3A_34 = arith.constant 0 : index
    %get3A_35 = vector.load %arg9[%get3A_33, %get3A_34] : memref<1x64xf32, #tpu.memory_space<vmem>>, vector<1x64xf32>
    %add3A_36 = vector.broadcast %get3A_35 : vector<1x64xf32> to vector<3200x64xf32>
    %add3A_37 = arith.addf %mul3A_32, %add3A_36 : vector<3200x64xf32>
    %get3A_38 = arith.constant 0 : index
    %get3A_39 = arith.constant 0 : index
    %get3A_40 = vector.load %arg10[%get3A_38, %get3A_39] : memref<64x8xf32, #tpu.memory_space<vmem>>, vector<64x8xf32>
    %dot_general3A_41 = arith.constant dense<0.000000e+00> : vector<3200x8xf32>
    %dot_general3A_42 = tpu.matmul %add3A_37, %get3A_40, %dot_general3A_41 {dimension_numbers = #tpu.dot_dimension_numbers<[1], [0], [0], [1], [0, 0, 1, 1], [], []>, transpose_lhs_hint = false} : vector<3200x64xf32>, vector<64x8xf32>, vector<3200x8xf32> -> vector<3200x8xf32>
    %get3A_43 = arith.constant 0 : index
    %get3A_44 = arith.constant 0 : index
    %get3A_45 = vector.load %arg11[%get3A_43, %get3A_44] : memref<1x8xf32, #tpu.memory_space<vmem>>, vector<1x8xf32>
    %add3A_46 = vector.broadcast %get3A_45 : vector<1x8xf32> to vector<3200x8xf32>
    %add3A_47 = arith.addf %dot_general3A_42, %add3A_46 : vector<3200x8xf32>
    %swap3A = arith.constant 0 : index
    %swap3A_48 = arith.constant 0 : index
    %swap3A_49 = vector.load %arg14[%swap3A, %swap3A_48] : memref<3200x8xf32, #tpu.memory_space<vmem>>, vector<3200x8xf32>
    tpu.vector_store %arg14[%swap3A, %swap3A_48], %add3A_47 {strides = array<i32>} : memref<3200x8xf32, #tpu.memory_space<vmem>>, vector<3200x8xf32>,
    %concatenate3A_50 = tpu.concatenate %get3A_1, %add3A_47 in 1 : vector<3200x8xf32>, vector<3200x8xf32> -> vector<3200x16xf32>
    %get3A_51 = arith.constant 0 : index
    %get3A_52 = arith.constant 0 : index
    %get3A_53 = vector.load %arg12[%get3A_51, %get3A_52] : memref<16x64xf32, #tpu.memory_space<vmem>>, vector<16x64xf32>
    %dot_general3A_54 = arith.constant dense<0.000000e+00> : vector<3200x64xf32>
    %dot_general3A_55 = tpu.matmul %concatenate3A_50, %get3A_53, %dot_general3A_54 {dimension_numbers = #tpu.dot_dimension_numbers<[1], [0], [0], [1], [0, 0, 1, 1], [], []>, transpose_lhs_hint = false} : vector<3200x16xf32>, vector<16x64xf32>, vector<3200x64xf32> -> vector<3200x64xf32>
    %get3A_56 = arith.constant 0 : index
    %get3A_57 = arith.constant 0 : index
    %get3A_58 = vector.load %arg13[%get3A_56, %get3A_57] : memref<1x64xf32, #tpu.memory_space<vmem>>, vector<1x64xf32>
    %add3A_59 = vector.broadcast %get3A_58 : vector<1x64xf32> to vector<3200x64xf32>
    %add3A_60 = arith.addf %dot_general3A_55, %add3A_59 : vector<3200x64xf32>
    %ge3A_61 = arith.constant 0.000000e+00 : f32
    %ge3A_62 = vector.broadcast %ge3A_61 : f32 to vector<3200x64xf32>
    %ge3A_63 = arith.cmpf oge, %add3A_60, %ge3A_62 : vector<3200x64xf32>
    %mul3A_64 = arith.constant 0.00999999977 : f32
    %mul3A_65 = vector.broadcast %mul3A_64 : f32 to vector<3200x64xf32>
    %mul3A_66 = arith.mulf %mul3A_65, %add3A_60 : vector<3200x64xf32>
    %select_n3A_67 = arith.select %ge3A_63, %add3A_60, %mul3A_66 : vector<3200x64xi1>, vector<3200x64xf32>
    %mul3A_68 = arith.constant 3200 : i32
    %mul3A_69 = arith.muli %arg0, %mul3A_68 : i32
    %iota3A = tpu.iota {dimensions = array<i32: 0>} : vector<3200x1xi32>
    %add3A_70 = vector.broadcast %mul3A_69 : i32 to vector<3200x1xi32>
    %add3A_71 = arith.addi %add3A_70, %iota3A : vector<3200x1xi32>
    %lt3A = arith.constant 1600000 : i32
    %lt3A_72 = vector.broadcast %lt3A : i32 to vector<3200x1xi32>
    %lt3A_73 = arith.cmpi slt, %add3A_71, %lt3A_72 : vector<3200x1xi32>
    %jit3A = arith.constant 0.000000e+00 : f32
    %broadcast_in_dim3A = vector.shape_cast %lt3A_73 : vector<3200x1xi1> to vector<3200x1xi1>
    %broadcast_in_dim3A_74 = vector.broadcast %broadcast_in_dim3A : vector<3200x1xi1> to vector<3200x64xi1>
    %broadcast_in_dim3A_75 = vector.broadcast %jit3A : f32 to vector<3200x64xf32>
    %select_n3A_76 = arith.select %broadcast_in_dim3A_74, %select_n3A_67, %broadcast_in_dim3A_75 : vector<3200x64xi1>, vector<3200x64xf32>
    %eq3A = arith.constant 0 : i32
    %eq3A_77 = arith.cmpi eq, %arg0, %eq3A : i32
    %convert_element_type3A = arith.extui %eq3A_77 : i1 to i32
    %cond3A = arith.constant 0 : i32
    %cond3A_78 = arith.cmpi ne, %convert_element_type3A, %cond3A : i32
    scf.if %cond3A_78 {
      %broadcast_in_dim3A_91 = arith.constant 0.000000e+00 : f32
      %broadcast_in_dim3A_92 = vector.broadcast %broadcast_in_dim3A_91 : f32 to vector<16x64xf32>
      %swap3A_93 = arith.constant 0 : index
      %swap3A_94 = arith.constant 0 : index
      %swap3A_95 = vector.load %arg15[%swap3A_93, %swap3A_94] : memref<16x64xf32, #tpu.memory_space<vmem>>, vector<16x64xf32>
      tpu.vector_store %arg15[%swap3A_93, %swap3A_94], %broadcast_in_dim3A_92 {strides = array<i32>} : memref<16x64xf32, #tpu.memory_space<vmem>>, vector<16x64xf32>,
    } else {
    }
    %get3A_79 = arith.constant 0 : index
    %get3A_80 = arith.constant 0 : index
    %get3A_81 = vector.load %arg15[%get3A_79, %get3A_80] : memref<16x64xf32, #tpu.memory_space<vmem>>, vector<16x64xf32>
    %reshape3A = vector.shape_cast %select_n3A_76 : vector<3200x64xf32> to vector<400x8x64xf32>
    %reduce_sum3A = arith.constant dense<0.000000e+00> : vector<8x64xf32>
    %reduce_sum3A_82 = vector.multi_reduction <add>, %reshape3A, %reduce_sum3A [0] : vector<400x8x64xf32> to vector<8x64xf32>
    %mul3A_83 = arith.mulf %reshape3A, %reshape3A : vector<400x8x64xf32>
    %reduce_sum3A_84 = arith.constant dense<0.000000e+00> : vector<8x64xf32>
    %reduce_sum3A_85 = vector.multi_reduction <add>, %mul3A_83, %reduce_sum3A_84 [0] : vector<400x8x64xf32> to vector<8x64xf32>
    %concatenate3A_86 = tpu.concatenate %reduce_sum3A_82, %reduce_sum3A_85 in 0 : vector<8x64xf32>, vector<8x64xf32> -> vector<16x64xf32>
    %add3A_87 = arith.addf %get3A_81, %concatenate3A_86 : vector<16x64xf32>
    %swap3A_88 = arith.constant 0 : index
    %swap3A_89 = arith.constant 0 : index
    %swap3A_90 = vector.load %arg15[%swap3A_88, %swap3A_89] : memref<16x64xf32, #tpu.memory_space<vmem>>, vector<16x64xf32>
    tpu.vector_store %arg15[%swap3A_88, %swap3A_89], %add3A_87 {strides = array<i32>} : memref<16x64xf32, #tpu.memory_space<vmem>>, vector<16x64xf32>,
    return
  }
  func.func @transform_0(%arg0: i32) -> (i32, i32) {
    %c0_i32 = arith.constant 0 : i32
    %c0_i32_0 = arith.constant 0 : i32
    return %arg0, %c0_i32 : i32, i32
  }
  func.func @transform_1(%arg0: i32) -> (i32, i32) {
    %c0_i32 = arith.constant 0 : i32
    %c0_i32_0 = arith.constant 0 : i32
    return %arg0, %c0_i32 : i32, i32
  }
  func.func @transform_2(%arg0: i32) -> (i32, i32) {
    %c0_i32 = arith.constant 0 : i32
    %c0_i32_0 = arith.constant 0 : i32
    return %arg0, %c0_i32 : i32, i32
  }
  func.func @transform_3(%arg0: i32) -> (i32, i32) {
    %c0_i32 = arith.constant 0 : i32
    %c0_i32_0 = arith.constant 0 : i32
    %c0_i32_1 = arith.constant 0 : i32
    return %c0_i32, %c0_i32_0 : i32, i32
  }
  func.func @transform_4(%arg0: i32) -> (i32, i32) {
    %c0_i32 = arith.constant 0 : i32
    %c0_i32_0 = arith.constant 0 : i32
    %c0_i32_1 = arith.constant 0 : i32
    return %c0_i32, %c0_i32_0 : i32, i32
  }
  func.func @transform_5(%arg0: i32) -> (i32, i32) {
    %c0_i32 = arith.constant 0 : i32
    %c0_i32_0 = arith.constant 0 : i32
    %c0_i32_1 = arith.constant 0 : i32
    return %c0_i32, %c0_i32_0 : i32, i32
  }
  func.func @transform_6(%arg0: i32) -> (i32, i32) {
    %c0_i32 = arith.constant 0 : i32
    %c0_i32_0 = arith.constant 0 : i32
    %c0_i32_1 = arith.constant 0 : i32
    return %c0_i32, %c0_i32_0 : i32, i32
  }
  func.func @transform_7(%arg0: i32) -> (i32, i32) {
    %c0_i32 = arith.constant 0 : i32
    %c0_i32_0 = arith.constant 0 : i32
    %c0_i32_1 = arith.constant 0 : i32
    return %c0_i32, %c0_i32_0 : i32, i32
  }
  func.func @transform_8(%arg0: i32) -> (i32, i32) {
    %c0_i32 = arith.constant 0 : i32
    %c0_i32_0 = arith.constant 0 : i32
    %c0_i32_1 = arith.constant 0 : i32
    return %c0_i32, %c0_i32_0 : i32, i32
  }
  func.func @transform_9(%arg0: i32) -> (i32, i32) {
    %c0_i32 = arith.constant 0 : i32
    %c0_i32_0 = arith.constant 0 : i32
    %c0_i32_1 = arith.constant 0 : i32
    return %c0_i32, %c0_i32_0 : i32, i32
  }
  func.func @transform_10(%arg0: i32) -> (i32, i32) {
    %c0_i32 = arith.constant 0 : i32
    %c0_i32_0 = arith.constant 0 : i32
    %c0_i32_1 = arith.constant 0 : i32
    return %c0_i32, %c0_i32_0 : i32, i32
  }
  func.func @transform_11(%arg0: i32) -> (i32, i32) {
    %c0_i32 = arith.constant 0 : i32
    %c0_i32_0 = arith.constant 0 : i32
    %c0_i32_1 = arith.constant 0 : i32
    return %c0_i32, %c0_i32_0 : i32, i32
  }
  func.func @transform_12(%arg0: i32) -> (i32, i32) {
    %c0_i32 = arith.constant 0 : i32
    %c0_i32_0 = arith.constant 0 : i32
    %c0_i32_1 = arith.constant 0 : i32
    return %c0_i32, %c0_i32_0 : i32, i32
  }
  func.func @transform_13(%arg0: i32) -> (i32, i32) {
    %c0_i32 = arith.constant 0 : i32
    %c0_i32_0 = arith.constant 0 : i32
    return %arg0, %c0_i32 : i32, i32
  }
  func.func @transform_14(%arg0: i32) -> (i32, i32) {
    %c0_i32 = arith.constant 0 : i32
    %c0_i32_0 = arith.constant 0 : i32
    %c0_i32_1 = arith.constant 0 : i32
    return %c0_i32, %c0_i32_0 : i32, i32
  }
}

module attributes {stable_mosaic.version = 14 : i64} {
  func.func @_agg_body(%arg0: i32, %arg1: memref<197xi32, #tpu.memory_space<smem>>, %arg2: memref<1603200x8xf32, #tpu.memory_space<any>>, %arg3: memref<1603200x8xf32, #tpu.memory_space<any>>, %arg4: memref<1603200x1xi32, #tpu.memory_space<any>>, %arg5: memref<16x64xf32, #tpu.memory_space<vmem>>, %arg6: memref<1x64xf32, #tpu.memory_space<vmem>>, %arg7: memref<1x64xf32, #tpu.memory_space<vmem>>, %arg8: memref<1x64xf32, #tpu.memory_space<vmem>>, %arg9: memref<1x64xf32, #tpu.memory_space<vmem>>, %arg10: memref<1x64xf32, #tpu.memory_space<vmem>>, %arg11: memref<64x64xf32, #tpu.memory_space<vmem>>, %arg12: memref<1x64xf32, #tpu.memory_space<vmem>>, %arg13: memref<256x1xi32, #tpu.memory_space<vmem>>, %arg14: memref<256x64xf32, #tpu.memory_space<vmem>>, %arg15: memref<32x64xf32, #tpu.memory_space<vmem>>, %arg16: memref<3200x8xf32, #tpu.memory_space<vmem>>, %arg17: memref<3200x8xf32, #tpu.memory_space<vmem>>, %arg18: memref<3200x1xi32, #tpu.memory_space<vmem>>, %arg19: memref<!tpu.dma_semaphore, #tpu.memory_space<semaphore_mem>>, %arg20: memref<!tpu.dma_semaphore, #tpu.memory_space<semaphore_mem>>, %arg21: memref<!tpu.dma_semaphore, #tpu.memory_space<semaphore_mem>>) attributes {dimension_semantics = [#tpu.dimension_semantics<arbitrary>], iteration_bounds = array<i64: 196>, scalar_prefetch = 1 : i64, scratch_operands = 6 : i64, tpu.core_type = #tpu.core_type<tc>, window_params = [{}, {}, {}, {pipeline_mode = #tpu.pipeline_mode<synchronous>, transform_indices = @transform_3, window_bounds = array<i64: 16, 64>}, {pipeline_mode = #tpu.pipeline_mode<synchronous>, transform_indices = @transform_4, window_bounds = array<i64: 1, 64>}, {pipeline_mode = #tpu.pipeline_mode<synchronous>, transform_indices = @transform_5, window_bounds = array<i64: 1, 64>}, {pipeline_mode = #tpu.pipeline_mode<synchronous>, transform_indices = @transform_6, window_bounds = array<i64: 1, 64>}, {pipeline_mode = #tpu.pipeline_mode<synchronous>, transform_indices = @transform_7, window_bounds = array<i64: 1, 64>}, {pipeline_mode = #tpu.pipeline_mode<synchronous>, transform_indices = @transform_8, window_bounds = array<i64: 1, 64>}, {pipeline_mode = #tpu.pipeline_mode<synchronous>, transform_indices = @transform_9, window_bounds = array<i64: 64, 64>}, {pipeline_mode = #tpu.pipeline_mode<synchronous>, transform_indices = @transform_10, window_bounds = array<i64: 1, 64>}, {transform_indices = @transform_11, window_bounds = array<i64: 256, 1>}, {transform_indices = @transform_12, window_bounds = array<i64: 256, 64>}, {pipeline_mode = #tpu.pipeline_mode<synchronous>, transform_indices = @transform_13, window_bounds = array<i64: 32, 64>}]} {
    %get3A = arith.index_cast %arg0 : i32 to index
    %get3A_0 = memref.load %arg1[%get3A] : memref<197xi32, #tpu.memory_space<smem>>
    %add3A = arith.constant 1 : i32
    %add3A_1 = arith.addi %arg0, %add3A : i32
    %get3A_2 = arith.index_cast %add3A_1 : i32 to index
    %get3A_3 = memref.load %arg1[%get3A_2] : memref<197xi32, #tpu.memory_space<smem>>
    %jit3A = arith.constant 8 : i32
    %div3A = arith.divsi %get3A_0, %jit3A : i32
    %sign3A = arith.constant 0 : i32
    %sign3A_4 = arith.cmpi sgt, %get3A_0, %sign3A : i32
    %sign3A_5 = arith.extui %sign3A_4 : i1 to i32
    %sign3A_6 = arith.constant 0 : i32
    %sign3A_7 = arith.cmpi slt, %get3A_0, %sign3A_6 : i32
    %sign3A_8 = arith.extui %sign3A_7 : i1 to i32
    %sign3A_9 = arith.subi %sign3A_5, %sign3A_8 : i32
    %sign3A_10 = arith.constant 0 : i32
    %sign3A_11 = arith.cmpi sgt, %jit3A, %sign3A_10 : i32
    %sign3A_12 = arith.extui %sign3A_11 : i1 to i32
    %sign3A_13 = arith.constant 0 : i32
    %sign3A_14 = arith.cmpi slt, %jit3A, %sign3A_13 : i32
    %sign3A_15 = arith.extui %sign3A_14 : i1 to i32
    %sign3A_16 = arith.subi %sign3A_12, %sign3A_15 : i32
    %ne3A = arith.cmpi ne, %sign3A_9, %sign3A_16 : i32
    %rem3A = arith.remsi %get3A_0, %jit3A : i32
    %ne3A_17 = arith.constant 0 : i32
    %ne3A_18 = arith.cmpi ne, %rem3A, %ne3A_17 : i32
    %and3A = arith.andi %ne3A, %ne3A_18 : i1
    %sub3A = arith.constant 1 : i32
    %sub3A_19 = arith.subi %div3A, %sub3A : i32
    %select_n3A = arith.select %and3A, %sub3A_19, %div3A : i32
    %mul3A = arith.constant 8 : i32
    %mul3A_20 = arith.muli %select_n3A, %mul3A : i32
    %sub3A_21 = arith.subi %get3A_3, %mul3A_20 : i32
    %add3A_22 = arith.constant 3200 : i32
    %add3A_23 = arith.addi %sub3A_21, %add3A_22 : i32
    %sub3A_24 = arith.constant 1 : i32
    %sub3A_25 = arith.subi %add3A_23, %sub3A_24 : i32
    %jit3A_26 = arith.constant 3200 : i32
    %div3A_27 = arith.divsi %sub3A_25, %jit3A_26 : i32
    %sign3A_28 = arith.constant 0 : i32
    %sign3A_29 = arith.cmpi sgt, %sub3A_25, %sign3A_28 : i32
    %sign3A_30 = arith.extui %sign3A_29 : i1 to i32
    %sign3A_31 = arith.constant 0 : i32
    %sign3A_32 = arith.cmpi slt, %sub3A_25, %sign3A_31 : i32
    %sign3A_33 = arith.extui %sign3A_32 : i1 to i32
    %sign3A_34 = arith.subi %sign3A_30, %sign3A_33 : i32
    %sign3A_35 = arith.constant 0 : i32
    %sign3A_36 = arith.cmpi sgt, %jit3A_26, %sign3A_35 : i32
    %sign3A_37 = arith.extui %sign3A_36 : i1 to i32
    %sign3A_38 = arith.constant 0 : i32
    %sign3A_39 = arith.cmpi slt, %jit3A_26, %sign3A_38 : i32
    %sign3A_40 = arith.extui %sign3A_39 : i1 to i32
    %sign3A_41 = arith.subi %sign3A_37, %sign3A_40 : i32
    %ne3A_42 = arith.cmpi ne, %sign3A_34, %sign3A_41 : i32
    %rem3A_43 = arith.remsi %sub3A_25, %jit3A_26 : i32
    %ne3A_44 = arith.constant 0 : i32
    %ne3A_45 = arith.cmpi ne, %rem3A_43, %ne3A_44 : i32
    %and3A_46 = arith.andi %ne3A_42, %ne3A_45 : i1
    %sub3A_47 = arith.constant 1 : i32
    %sub3A_48 = arith.subi %div3A_27, %sub3A_47 : i32
    %select_n3A_49 = arith.select %and3A_46, %sub3A_48, %div3A_27 : i32
    %broadcast_in_dim3A = arith.constant 0.000000e+00 : f32
    %broadcast_in_dim3A_50 = vector.broadcast %broadcast_in_dim3A : f32 to vector<256x64xf32>
    %while3A = arith.constant 0 : i32
    %while3A_51 = arith.subi %select_n3A_49, %while3A : i32
    %while3A_52 = arith.addi %while3A, %while3A_51 : i32
    %while3A_53 = arith.constant 1 : i32
    %while3A_54 = arith.divsi %while3A_51, %while3A_53 : i32
    %while3A_55 = arith.muli %while3A_54, %while3A_53 : i32
    %while3A_56 = arith.addi %while3A, %while3A_55 : i32
    %while3A_57 = arith.constant 1 : i32
    %while3A_58 = scf.for %while3A_81 = %while3A to %while3A_56 step %while3A_57 iter_args(%while3A_82 = %broadcast_in_dim3A_50) -> (vector<256x64xf32>)  : i32 {
      %mul3A_83 = arith.constant 3200 : i32
      %mul3A_84 = arith.muli %while3A_81, %mul3A_83 : i32
      %add3A_85 = arith.addi %mul3A_20, %mul3A_84 : i32
      %multiple_of3A = tpu.assume_multiple %add3A_85, 8 : i32
      %dma_start3A = arith.constant 0 : i32
      %dma_start3A_86 = tpu.memref_slice %arg2[%multiple_of3A, %dma_start3A] : memref<1603200x8xf32, #tpu.memory_space<any>> -> memref<3200x8xf32, #tpu.memory_space<any>>
      tpu.enqueue_dma source(%dma_start3A_86 : memref<3200x8xf32, #tpu.memory_space<any>>) target(%arg16 : memref<3200x8xf32, #tpu.memory_space<vmem>>) target_semaphore(%arg19 : memref<!tpu.dma_semaphore, #tpu.memory_space<semaphore_mem>>)
      %dma_start3A_87 = arith.constant 0 : i32
      %dma_start3A_88 = tpu.memref_slice %arg3[%multiple_of3A, %dma_start3A_87] : memref<1603200x8xf32, #tpu.memory_space<any>> -> memref<3200x8xf32, #tpu.memory_space<any>>
      tpu.enqueue_dma source(%dma_start3A_88 : memref<3200x8xf32, #tpu.memory_space<any>>) target(%arg17 : memref<3200x8xf32, #tpu.memory_space<vmem>>) target_semaphore(%arg20 : memref<!tpu.dma_semaphore, #tpu.memory_space<semaphore_mem>>)
      %dma_start3A_89 = arith.constant 0 : i32
      %dma_start3A_90 = tpu.memref_slice %arg4[%multiple_of3A, %dma_start3A_89] : memref<1603200x1xi32, #tpu.memory_space<any>> -> memref<3200x1xi32, #tpu.memory_space<any>>
      tpu.enqueue_dma source(%dma_start3A_90 : memref<3200x1xi32, #tpu.memory_space<any>>) target(%arg18 : memref<3200x1xi32, #tpu.memory_space<vmem>>) target_semaphore(%arg21 : memref<!tpu.dma_semaphore, #tpu.memory_space<semaphore_mem>>)
      %dma_wait3A = arith.constant 0 : i32
      %dma_wait3A_91 = tpu.memref_slice %arg2[%multiple_of3A, %dma_wait3A] : memref<1603200x8xf32, #tpu.memory_space<any>> -> memref<3200x8xf32, #tpu.memory_space<any>>
      tpu.wait_dma2 semaphore(%arg19 : memref<!tpu.dma_semaphore, #tpu.memory_space<semaphore_mem>>) src(%dma_wait3A_91 : memref<3200x8xf32, #tpu.memory_space<any>>) dst(%arg16 : memref<3200x8xf32, #tpu.memory_space<vmem>>)
      %dma_wait3A_92 = arith.constant 0 : i32
      %dma_wait3A_93 = tpu.memref_slice %arg3[%multiple_of3A, %dma_wait3A_92] : memref<1603200x8xf32, #tpu.memory_space<any>> -> memref<3200x8xf32, #tpu.memory_space<any>>
      tpu.wait_dma2 semaphore(%arg20 : memref<!tpu.dma_semaphore, #tpu.memory_space<semaphore_mem>>) src(%dma_wait3A_93 : memref<3200x8xf32, #tpu.memory_space<any>>) dst(%arg17 : memref<3200x8xf32, #tpu.memory_space<vmem>>)
      %dma_wait3A_94 = arith.constant 0 : i32
      %dma_wait3A_95 = tpu.memref_slice %arg4[%multiple_of3A, %dma_wait3A_94] : memref<1603200x1xi32, #tpu.memory_space<any>> -> memref<3200x1xi32, #tpu.memory_space<any>>
      tpu.wait_dma2 semaphore(%arg21 : memref<!tpu.dma_semaphore, #tpu.memory_space<semaphore_mem>>) src(%dma_wait3A_95 : memref<3200x1xi32, #tpu.memory_space<any>>) dst(%arg18 : memref<3200x1xi32, #tpu.memory_space<vmem>>)
      %get3A_96 = arith.constant 0 : index
      %get3A_97 = arith.constant 0 : index
      %get3A_98 = vector.load %arg16[%get3A_96, %get3A_97] : memref<3200x8xf32, #tpu.memory_space<vmem>>, vector<3200x8xf32>
      %get3A_99 = arith.constant 0 : index
      %get3A_100 = arith.constant 0 : index
      %get3A_101 = vector.load %arg17[%get3A_99, %get3A_100] : memref<3200x8xf32, #tpu.memory_space<vmem>>, vector<3200x8xf32>
      %concatenate3A = tpu.concatenate %get3A_98, %get3A_101 in 1 : vector<3200x8xf32>, vector<3200x8xf32> -> vector<3200x16xf32>
      %get3A_102 = arith.constant 0 : index
      %get3A_103 = arith.constant 0 : index
      %get3A_104 = vector.load %arg5[%get3A_102, %get3A_103] : memref<16x64xf32, #tpu.memory_space<vmem>>, vector<16x64xf32>
      %dot_general3A_105 = arith.constant dense<0.000000e+00> : vector<3200x64xf32>
      %dot_general3A_106 = tpu.matmul %concatenate3A, %get3A_104, %dot_general3A_105 {dimension_numbers = #tpu.dot_dimension_numbers<[1], [0], [0], [1], [0, 0, 1, 1], [], []>, transpose_lhs_hint = false} : vector<3200x16xf32>, vector<16x64xf32>, vector<3200x64xf32> -> vector<3200x64xf32>
      %get3A_107 = arith.constant 0 : index
      %get3A_108 = arith.constant 0 : index
      %get3A_109 = vector.load %arg6[%get3A_107, %get3A_108] : memref<1x64xf32, #tpu.memory_space<vmem>>, vector<1x64xf32>
      %add3A_110 = vector.broadcast %get3A_109 : vector<1x64xf32> to vector<3200x64xf32>
      %add3A_111 = arith.addf %dot_general3A_106, %add3A_110 : vector<3200x64xf32>
      %ge3A = arith.constant 0.000000e+00 : f32
      %ge3A_112 = vector.broadcast %ge3A : f32 to vector<3200x64xf32>
      %ge3A_113 = arith.cmpf oge, %add3A_111, %ge3A_112 : vector<3200x64xf32>
      %mul3A_114 = arith.constant 0.00999999977 : f32
      %mul3A_115 = vector.broadcast %mul3A_114 : f32 to vector<3200x64xf32>
      %mul3A_116 = arith.mulf %mul3A_115, %add3A_111 : vector<3200x64xf32>
      %select_n3A_117 = arith.select %ge3A_113, %add3A_111, %mul3A_116 : vector<3200x64xi1>, vector<3200x64xf32>
      %get3A_118 = arith.constant 0 : index
      %get3A_119 = arith.constant 0 : index
      %get3A_120 = vector.load %arg7[%get3A_118, %get3A_119] : memref<1x64xf32, #tpu.memory_space<vmem>>, vector<1x64xf32>
      %sub3A_121 = vector.broadcast %get3A_120 : vector<1x64xf32> to vector<3200x64xf32>
      %sub3A_122 = arith.subf %select_n3A_117, %sub3A_121 : vector<3200x64xf32>
      %get3A_123 = arith.constant 0 : index
      %get3A_124 = arith.constant 0 : index
      %get3A_125 = vector.load %arg8[%get3A_123, %get3A_124] : memref<1x64xf32, #tpu.memory_space<vmem>>, vector<1x64xf32>
      %div3A_126 = vector.broadcast %get3A_125 : vector<1x64xf32> to vector<3200x64xf32>
      %div3A_127 = arith.divf %sub3A_122, %div3A_126 : vector<3200x64xf32>
      %get3A_128 = arith.constant 0 : index
      %get3A_129 = arith.constant 0 : index
      %get3A_130 = vector.load %arg9[%get3A_128, %get3A_129] : memref<1x64xf32, #tpu.memory_space<vmem>>, vector<1x64xf32>
      %mul3A_131 = vector.broadcast %get3A_130 : vector<1x64xf32> to vector<3200x64xf32>
      %mul3A_132 = arith.mulf %div3A_127, %mul3A_131 : vector<3200x64xf32>
      %get3A_133 = arith.constant 0 : index
      %get3A_134 = arith.constant 0 : index
      %get3A_135 = vector.load %arg10[%get3A_133, %get3A_134] : memref<1x64xf32, #tpu.memory_space<vmem>>, vector<1x64xf32>
      %add3A_136 = vector.broadcast %get3A_135 : vector<1x64xf32> to vector<3200x64xf32>
      %add3A_137 = arith.addf %mul3A_132, %add3A_136 : vector<3200x64xf32>
      %get3A_138 = arith.constant 0 : index
      %get3A_139 = arith.constant 0 : index
      %get3A_140 = vector.load %arg11[%get3A_138, %get3A_139] : memref<64x64xf32, #tpu.memory_space<vmem>>, vector<64x64xf32>
      %dot_general3A_141 = arith.constant dense<0.000000e+00> : vector<3200x64xf32>
      %dot_general3A_142 = tpu.matmul %add3A_137, %get3A_140, %dot_general3A_141 {dimension_numbers = #tpu.dot_dimension_numbers<[1], [0], [0], [1], [0, 0, 1, 1], [], []>, transpose_lhs_hint = false} : vector<3200x64xf32>, vector<64x64xf32>, vector<3200x64xf32> -> vector<3200x64xf32>
      %get3A_143 = arith.constant 0 : index
      %get3A_144 = arith.constant 0 : index
      %get3A_145 = vector.load %arg12[%get3A_143, %get3A_144] : memref<1x64xf32, #tpu.memory_space<vmem>>, vector<1x64xf32>
      %add3A_146 = vector.broadcast %get3A_145 : vector<1x64xf32> to vector<3200x64xf32>
      %add3A_147 = arith.addf %dot_general3A_142, %add3A_146 : vector<3200x64xf32>
      %iota3A_148 = tpu.iota {dimensions = array<i32: 0>} : vector<3200x1xi32>
      %add3A_149 = vector.broadcast %multiple_of3A : i32 to vector<3200x1xi32>
      %add3A_150 = arith.addi %add3A_149, %iota3A_148 : vector<3200x1xi32>
      %ge3A_151 = vector.broadcast %get3A_0 : i32 to vector<3200x1xi32>
      %ge3A_152 = arith.cmpi sge, %add3A_150, %ge3A_151 : vector<3200x1xi32>
      %lt3A = vector.broadcast %get3A_3 : i32 to vector<3200x1xi32>
      %lt3A_153 = arith.cmpi slt, %add3A_150, %lt3A : vector<3200x1xi32>
      %and3A_154 = arith.andi %ge3A_152, %lt3A_153 : vector<3200x1xi1>
      %jit3A_155 = arith.constant 0.000000e+00 : f32
      %broadcast_in_dim3A_156 = vector.shape_cast %and3A_154 : vector<3200x1xi1> to vector<3200x1xi1>
      %broadcast_in_dim3A_157 = vector.broadcast %broadcast_in_dim3A_156 : vector<3200x1xi1> to vector<3200x64xi1>
      %broadcast_in_dim3A_158 = vector.broadcast %jit3A_155 : f32 to vector<3200x64xf32>
      %select_n3A_159 = arith.select %broadcast_in_dim3A_157, %add3A_147, %broadcast_in_dim3A_158 : vector<3200x64xi1>, vector<3200x64xf32>
      %get3A_160 = arith.constant 0 : index
      %get3A_161 = arith.constant 0 : index
      %get3A_162 = vector.load %arg18[%get3A_160, %get3A_161] : memref<3200x1xi32, #tpu.memory_space<vmem>>, vector<3200x1xi32>
      %mul3A_163 = arith.constant 256 : i32
      %mul3A_164 = arith.muli %arg0, %mul3A_163 : i32
      %sub3A_165 = vector.broadcast %mul3A_164 : i32 to vector<3200x1xi32>
      %sub3A_166 = arith.subi %get3A_162, %sub3A_165 : vector<3200x1xi32>
      %jit3A_167 = arith.constant 0 : i32
      %jit3A_168 = arith.constant 255 : i32
      %max3A = vector.broadcast %jit3A_167 : i32 to vector<3200x1xi32>
      %max3A_169 = arith.maxsi %max3A, %sub3A_166 : vector<3200x1xi32>
      %min3A = vector.broadcast %jit3A_168 : i32 to vector<3200x1xi32>
      %min3A_170 = arith.minsi %min3A, %max3A_169 : vector<3200x1xi32>
      %iota3A_171 = tpu.iota {dimensions = array<i32: 1>} : vector<1x256xi32>
      %eq3A_172 = vector.broadcast %min3A_170 : vector<3200x1xi32> to vector<3200x256xi32>
      %eq3A_173 = vector.broadcast %iota3A_171 : vector<1x256xi32> to vector<3200x256xi32>
      %eq3A_174 = arith.cmpi eq, %eq3A_172, %eq3A_173 : vector<3200x256xi32>
      %convert_element_type3A_175 = arith.extui %eq3A_174 : vector<3200x256xi1> to vector<3200x256xi32>
      %convert_element_type3A_176 = arith.sitofp %convert_element_type3A_175 : vector<3200x256xi32> to vector<3200x256xf32>
      %dot_general3A_177 = arith.constant dense<0.000000e+00> : vector<256x64xf32>
      %dot_general3A_178 = tpu.matmul %convert_element_type3A_176, %select_n3A_159, %dot_general3A_177 {dimension_numbers = #tpu.dot_dimension_numbers<[0], [0], [1], [1], [0, 1, 1, 1], [], []>, precision = #tpu.contract_precision<fp32>, transpose_lhs_hint = false} : vector<3200x256xf32>, vector<3200x64xf32>, vector<256x64xf32> -> vector<256x64xf32>
      %add3A_179 = arith.addf %while3A_82, %dot_general3A_178 : vector<256x64xf32>
      scf.yield %add3A_179 : vector<256x64xf32>
    }
    %while3A_59 = arith.constant 1 : i32
    %while3A_60 = scf.for %while3A_81 = %while3A_56 to %while3A_52 step %while3A_59 iter_args(%while3A_82 = %while3A_58) -> (vector<256x64xf32>)  : i32 {
      %mul3A_83 = arith.constant 3200 : i32
      %mul3A_84 = arith.muli %while3A_81, %mul3A_83 : i32
      %add3A_85 = arith.addi %mul3A_20, %mul3A_84 : i32
      %multiple_of3A = tpu.assume_multiple %add3A_85, 8 : i32
      %dma_start3A = arith.constant 0 : i32
      %dma_start3A_86 = tpu.memref_slice %arg2[%multiple_of3A, %dma_start3A] : memref<1603200x8xf32, #tpu.memory_space<any>> -> memref<3200x8xf32, #tpu.memory_space<any>>
      tpu.enqueue_dma source(%dma_start3A_86 : memref<3200x8xf32, #tpu.memory_space<any>>) target(%arg16 : memref<3200x8xf32, #tpu.memory_space<vmem>>) target_semaphore(%arg19 : memref<!tpu.dma_semaphore, #tpu.memory_space<semaphore_mem>>)
      %dma_start3A_87 = arith.constant 0 : i32
      %dma_start3A_88 = tpu.memref_slice %arg3[%multiple_of3A, %dma_start3A_87] : memref<1603200x8xf32, #tpu.memory_space<any>> -> memref<3200x8xf32, #tpu.memory_space<any>>
      tpu.enqueue_dma source(%dma_start3A_88 : memref<3200x8xf32, #tpu.memory_space<any>>) target(%arg17 : memref<3200x8xf32, #tpu.memory_space<vmem>>) target_semaphore(%arg20 : memref<!tpu.dma_semaphore, #tpu.memory_space<semaphore_mem>>)
      %dma_start3A_89 = arith.constant 0 : i32
      %dma_start3A_90 = tpu.memref_slice %arg4[%multiple_of3A, %dma_start3A_89] : memref<1603200x1xi32, #tpu.memory_space<any>> -> memref<3200x1xi32, #tpu.memory_space<any>>
      tpu.enqueue_dma source(%dma_start3A_90 : memref<3200x1xi32, #tpu.memory_space<any>>) target(%arg18 : memref<3200x1xi32, #tpu.memory_space<vmem>>) target_semaphore(%arg21 : memref<!tpu.dma_semaphore, #tpu.memory_space<semaphore_mem>>)
      %dma_wait3A = arith.constant 0 : i32
      %dma_wait3A_91 = tpu.memref_slice %arg2[%multiple_of3A, %dma_wait3A] : memref<1603200x8xf32, #tpu.memory_space<any>> -> memref<3200x8xf32, #tpu.memory_space<any>>
      tpu.wait_dma2 semaphore(%arg19 : memref<!tpu.dma_semaphore, #tpu.memory_space<semaphore_mem>>) src(%dma_wait3A_91 : memref<3200x8xf32, #tpu.memory_space<any>>) dst(%arg16 : memref<3200x8xf32, #tpu.memory_space<vmem>>)
      %dma_wait3A_92 = arith.constant 0 : i32
      %dma_wait3A_93 = tpu.memref_slice %arg3[%multiple_of3A, %dma_wait3A_92] : memref<1603200x8xf32, #tpu.memory_space<any>> -> memref<3200x8xf32, #tpu.memory_space<any>>
      tpu.wait_dma2 semaphore(%arg20 : memref<!tpu.dma_semaphore, #tpu.memory_space<semaphore_mem>>) src(%dma_wait3A_93 : memref<3200x8xf32, #tpu.memory_space<any>>) dst(%arg17 : memref<3200x8xf32, #tpu.memory_space<vmem>>)
      %dma_wait3A_94 = arith.constant 0 : i32
      %dma_wait3A_95 = tpu.memref_slice %arg4[%multiple_of3A, %dma_wait3A_94] : memref<1603200x1xi32, #tpu.memory_space<any>> -> memref<3200x1xi32, #tpu.memory_space<any>>
      tpu.wait_dma2 semaphore(%arg21 : memref<!tpu.dma_semaphore, #tpu.memory_space<semaphore_mem>>) src(%dma_wait3A_95 : memref<3200x1xi32, #tpu.memory_space<any>>) dst(%arg18 : memref<3200x1xi32, #tpu.memory_space<vmem>>)
      %get3A_96 = arith.constant 0 : index
      %get3A_97 = arith.constant 0 : index
      %get3A_98 = vector.load %arg16[%get3A_96, %get3A_97] : memref<3200x8xf32, #tpu.memory_space<vmem>>, vector<3200x8xf32>
      %get3A_99 = arith.constant 0 : index
      %get3A_100 = arith.constant 0 : index
      %get3A_101 = vector.load %arg17[%get3A_99, %get3A_100] : memref<3200x8xf32, #tpu.memory_space<vmem>>, vector<3200x8xf32>
      %concatenate3A = tpu.concatenate %get3A_98, %get3A_101 in 1 : vector<3200x8xf32>, vector<3200x8xf32> -> vector<3200x16xf32>
      %get3A_102 = arith.constant 0 : index
      %get3A_103 = arith.constant 0 : index
      %get3A_104 = vector.load %arg5[%get3A_102, %get3A_103] : memref<16x64xf32, #tpu.memory_space<vmem>>, vector<16x64xf32>
      %dot_general3A_105 = arith.constant dense<0.000000e+00> : vector<3200x64xf32>
      %dot_general3A_106 = tpu.matmul %concatenate3A, %get3A_104, %dot_general3A_105 {dimension_numbers = #tpu.dot_dimension_numbers<[1], [0], [0], [1], [0, 0, 1, 1], [], []>, transpose_lhs_hint = false} : vector<3200x16xf32>, vector<16x64xf32>, vector<3200x64xf32> -> vector<3200x64xf32>
      %get3A_107 = arith.constant 0 : index
      %get3A_108 = arith.constant 0 : index
      %get3A_109 = vector.load %arg6[%get3A_107, %get3A_108] : memref<1x64xf32, #tpu.memory_space<vmem>>, vector<1x64xf32>
      %add3A_110 = vector.broadcast %get3A_109 : vector<1x64xf32> to vector<3200x64xf32>
      %add3A_111 = arith.addf %dot_general3A_106, %add3A_110 : vector<3200x64xf32>
      %ge3A = arith.constant 0.000000e+00 : f32
      %ge3A_112 = vector.broadcast %ge3A : f32 to vector<3200x64xf32>
      %ge3A_113 = arith.cmpf oge, %add3A_111, %ge3A_112 : vector<3200x64xf32>
      %mul3A_114 = arith.constant 0.00999999977 : f32
      %mul3A_115 = vector.broadcast %mul3A_114 : f32 to vector<3200x64xf32>
      %mul3A_116 = arith.mulf %mul3A_115, %add3A_111 : vector<3200x64xf32>
      %select_n3A_117 = arith.select %ge3A_113, %add3A_111, %mul3A_116 : vector<3200x64xi1>, vector<3200x64xf32>
      %get3A_118 = arith.constant 0 : index
      %get3A_119 = arith.constant 0 : index
      %get3A_120 = vector.load %arg7[%get3A_118, %get3A_119] : memref<1x64xf32, #tpu.memory_space<vmem>>, vector<1x64xf32>
      %sub3A_121 = vector.broadcast %get3A_120 : vector<1x64xf32> to vector<3200x64xf32>
      %sub3A_122 = arith.subf %select_n3A_117, %sub3A_121 : vector<3200x64xf32>
      %get3A_123 = arith.constant 0 : index
      %get3A_124 = arith.constant 0 : index
      %get3A_125 = vector.load %arg8[%get3A_123, %get3A_124] : memref<1x64xf32, #tpu.memory_space<vmem>>, vector<1x64xf32>
      %div3A_126 = vector.broadcast %get3A_125 : vector<1x64xf32> to vector<3200x64xf32>
      %div3A_127 = arith.divf %sub3A_122, %div3A_126 : vector<3200x64xf32>
      %get3A_128 = arith.constant 0 : index
      %get3A_129 = arith.constant 0 : index
      %get3A_130 = vector.load %arg9[%get3A_128, %get3A_129] : memref<1x64xf32, #tpu.memory_space<vmem>>, vector<1x64xf32>
      %mul3A_131 = vector.broadcast %get3A_130 : vector<1x64xf32> to vector<3200x64xf32>
      %mul3A_132 = arith.mulf %div3A_127, %mul3A_131 : vector<3200x64xf32>
      %get3A_133 = arith.constant 0 : index
      %get3A_134 = arith.constant 0 : index
      %get3A_135 = vector.load %arg10[%get3A_133, %get3A_134] : memref<1x64xf32, #tpu.memory_space<vmem>>, vector<1x64xf32>
      %add3A_136 = vector.broadcast %get3A_135 : vector<1x64xf32> to vector<3200x64xf32>
      %add3A_137 = arith.addf %mul3A_132, %add3A_136 : vector<3200x64xf32>
      %get3A_138 = arith.constant 0 : index
      %get3A_139 = arith.constant 0 : index
      %get3A_140 = vector.load %arg11[%get3A_138, %get3A_139] : memref<64x64xf32, #tpu.memory_space<vmem>>, vector<64x64xf32>
      %dot_general3A_141 = arith.constant dense<0.000000e+00> : vector<3200x64xf32>
      %dot_general3A_142 = tpu.matmul %add3A_137, %get3A_140, %dot_general3A_141 {dimension_numbers = #tpu.dot_dimension_numbers<[1], [0], [0], [1], [0, 0, 1, 1], [], []>, transpose_lhs_hint = false} : vector<3200x64xf32>, vector<64x64xf32>, vector<3200x64xf32> -> vector<3200x64xf32>
      %get3A_143 = arith.constant 0 : index
      %get3A_144 = arith.constant 0 : index
      %get3A_145 = vector.load %arg12[%get3A_143, %get3A_144] : memref<1x64xf32, #tpu.memory_space<vmem>>, vector<1x64xf32>
      %add3A_146 = vector.broadcast %get3A_145 : vector<1x64xf32> to vector<3200x64xf32>
      %add3A_147 = arith.addf %dot_general3A_142, %add3A_146 : vector<3200x64xf32>
      %iota3A_148 = tpu.iota {dimensions = array<i32: 0>} : vector<3200x1xi32>
      %add3A_149 = vector.broadcast %multiple_of3A : i32 to vector<3200x1xi32>
      %add3A_150 = arith.addi %add3A_149, %iota3A_148 : vector<3200x1xi32>
      %ge3A_151 = vector.broadcast %get3A_0 : i32 to vector<3200x1xi32>
      %ge3A_152 = arith.cmpi sge, %add3A_150, %ge3A_151 : vector<3200x1xi32>
      %lt3A = vector.broadcast %get3A_3 : i32 to vector<3200x1xi32>
      %lt3A_153 = arith.cmpi slt, %add3A_150, %lt3A : vector<3200x1xi32>
      %and3A_154 = arith.andi %ge3A_152, %lt3A_153 : vector<3200x1xi1>
      %jit3A_155 = arith.constant 0.000000e+00 : f32
      %broadcast_in_dim3A_156 = vector.shape_cast %and3A_154 : vector<3200x1xi1> to vector<3200x1xi1>
      %broadcast_in_dim3A_157 = vector.broadcast %broadcast_in_dim3A_156 : vector<3200x1xi1> to vector<3200x64xi1>
      %broadcast_in_dim3A_158 = vector.broadcast %jit3A_155 : f32 to vector<3200x64xf32>
      %select_n3A_159 = arith.select %broadcast_in_dim3A_157, %add3A_147, %broadcast_in_dim3A_158 : vector<3200x64xi1>, vector<3200x64xf32>
      %get3A_160 = arith.constant 0 : index
      %get3A_161 = arith.constant 0 : index
      %get3A_162 = vector.load %arg18[%get3A_160, %get3A_161] : memref<3200x1xi32, #tpu.memory_space<vmem>>, vector<3200x1xi32>
      %mul3A_163 = arith.constant 256 : i32
      %mul3A_164 = arith.muli %arg0, %mul3A_163 : i32
      %sub3A_165 = vector.broadcast %mul3A_164 : i32 to vector<3200x1xi32>
      %sub3A_166 = arith.subi %get3A_162, %sub3A_165 : vector<3200x1xi32>
      %jit3A_167 = arith.constant 0 : i32
      %jit3A_168 = arith.constant 255 : i32
      %max3A = vector.broadcast %jit3A_167 : i32 to vector<3200x1xi32>
      %max3A_169 = arith.maxsi %max3A, %sub3A_166 : vector<3200x1xi32>
      %min3A = vector.broadcast %jit3A_168 : i32 to vector<3200x1xi32>
      %min3A_170 = arith.minsi %min3A, %max3A_169 : vector<3200x1xi32>
      %iota3A_171 = tpu.iota {dimensions = array<i32: 1>} : vector<1x256xi32>
      %eq3A_172 = vector.broadcast %min3A_170 : vector<3200x1xi32> to vector<3200x256xi32>
      %eq3A_173 = vector.broadcast %iota3A_171 : vector<1x256xi32> to vector<3200x256xi32>
      %eq3A_174 = arith.cmpi eq, %eq3A_172, %eq3A_173 : vector<3200x256xi32>
      %convert_element_type3A_175 = arith.extui %eq3A_174 : vector<3200x256xi1> to vector<3200x256xi32>
      %convert_element_type3A_176 = arith.sitofp %convert_element_type3A_175 : vector<3200x256xi32> to vector<3200x256xf32>
      %dot_general3A_177 = arith.constant dense<0.000000e+00> : vector<256x64xf32>
      %dot_general3A_178 = tpu.matmul %convert_element_type3A_176, %select_n3A_159, %dot_general3A_177 {dimension_numbers = #tpu.dot_dimension_numbers<[0], [0], [1], [1], [0, 1, 1, 1], [], []>, precision = #tpu.contract_precision<fp32>, transpose_lhs_hint = false} : vector<3200x256xf32>, vector<3200x64xf32>, vector<256x64xf32> -> vector<256x64xf32>
      %add3A_179 = arith.addf %while3A_82, %dot_general3A_178 : vector<256x64xf32>
      scf.yield %add3A_179 : vector<256x64xf32>
    }
    %swap3A = arith.constant 0 : index
    %swap3A_61 = arith.constant 0 : index
    %swap3A_62 = vector.load %arg14[%swap3A, %swap3A_61] : memref<256x64xf32, #tpu.memory_space<vmem>>, vector<256x64xf32>
    tpu.vector_store %arg14[%swap3A, %swap3A_61], %while3A_60 {strides = array<i32>} : memref<256x64xf32, #tpu.memory_space<vmem>>, vector<256x64xf32>,
    %get3A_63 = arith.constant 0 : index
    %get3A_64 = arith.constant 0 : index
    %get3A_65 = vector.load %arg13[%get3A_63, %get3A_64] : memref<256x1xi32, #tpu.memory_space<vmem>>, vector<256x1xi32>
    %iota3A = tpu.iota {dimensions = array<i32: 1>} : vector<1x32xi32>
    %eq3A = vector.broadcast %get3A_65 : vector<256x1xi32> to vector<256x32xi32>
    %eq3A_66 = vector.broadcast %iota3A : vector<1x32xi32> to vector<256x32xi32>
    %eq3A_67 = arith.cmpi eq, %eq3A, %eq3A_66 : vector<256x32xi32>
    %convert_element_type3A = arith.extui %eq3A_67 : vector<256x32xi1> to vector<256x32xi32>
    %convert_element_type3A_68 = arith.sitofp %convert_element_type3A : vector<256x32xi32> to vector<256x32xf32>
    %dot_general3A = arith.constant dense<0.000000e+00> : vector<32x64xf32>
    %dot_general3A_69 = tpu.matmul %convert_element_type3A_68, %while3A_60, %dot_general3A {dimension_numbers = #tpu.dot_dimension_numbers<[0], [0], [1], [1], [0, 1, 1, 1], [], []>, precision = #tpu.contract_precision<fp32>, transpose_lhs_hint = false} : vector<256x32xf32>, vector<256x64xf32>, vector<32x64xf32> -> vector<32x64xf32>
    %eq3A_70 = arith.constant 0 : i32
    %eq3A_71 = arith.cmpi eq, %arg0, %eq3A_70 : i32
    %convert_element_type3A_72 = arith.extui %eq3A_71 : i1 to i32
    %cond3A = arith.constant 0 : i32
    %cond3A_73 = arith.cmpi ne, %convert_element_type3A_72, %cond3A : i32
    scf.if %cond3A_73 {
      %broadcast_in_dim3A_81 = arith.constant 0.000000e+00 : f32
      %broadcast_in_dim3A_82 = vector.broadcast %broadcast_in_dim3A_81 : f32 to vector<32x64xf32>
      %swap3A_83 = arith.constant 0 : index
      %swap3A_84 = arith.constant 0 : index
      %swap3A_85 = vector.load %arg15[%swap3A_83, %swap3A_84] : memref<32x64xf32, #tpu.memory_space<vmem>>, vector<32x64xf32>
      tpu.vector_store %arg15[%swap3A_83, %swap3A_84], %broadcast_in_dim3A_82 {strides = array<i32>} : memref<32x64xf32, #tpu.memory_space<vmem>>, vector<32x64xf32>,
    } else {
    }
    %get3A_74 = arith.constant 0 : index
    %get3A_75 = arith.constant 0 : index
    %get3A_76 = vector.load %arg15[%get3A_74, %get3A_75] : memref<32x64xf32, #tpu.memory_space<vmem>>, vector<32x64xf32>
    %add3A_77 = arith.addf %get3A_76, %dot_general3A_69 : vector<32x64xf32>
    %swap3A_78 = arith.constant 0 : index
    %swap3A_79 = arith.constant 0 : index
    %swap3A_80 = vector.load %arg15[%swap3A_78, %swap3A_79] : memref<32x64xf32, #tpu.memory_space<vmem>>, vector<32x64xf32>
    tpu.vector_store %arg15[%swap3A_78, %swap3A_79], %add3A_77 {strides = array<i32>} : memref<32x64xf32, #tpu.memory_space<vmem>>, vector<32x64xf32>,
    return
  }
  func.func @transform_3(%arg0: i32, %arg1: memref<197xi32, #tpu.memory_space<smem>>) -> (i32, i32) {
    %c0_i32 = arith.constant 0 : i32
    %c0_i32_0 = arith.constant 0 : i32
    %c0_i32_1 = arith.constant 0 : i32
    return %c0_i32, %c0_i32_0 : i32, i32
  }
  func.func @transform_4(%arg0: i32, %arg1: memref<197xi32, #tpu.memory_space<smem>>) -> (i32, i32) {
    %c0_i32 = arith.constant 0 : i32
    %c0_i32_0 = arith.constant 0 : i32
    %c0_i32_1 = arith.constant 0 : i32
    return %c0_i32, %c0_i32_0 : i32, i32
  }
  func.func @transform_5(%arg0: i32, %arg1: memref<197xi32, #tpu.memory_space<smem>>) -> (i32, i32) {
    %c0_i32 = arith.constant 0 : i32
    %c0_i32_0 = arith.constant 0 : i32
    %c0_i32_1 = arith.constant 0 : i32
    return %c0_i32, %c0_i32_0 : i32, i32
  }
  func.func @transform_6(%arg0: i32, %arg1: memref<197xi32, #tpu.memory_space<smem>>) -> (i32, i32) {
    %c0_i32 = arith.constant 0 : i32
    %c0_i32_0 = arith.constant 0 : i32
    %c0_i32_1 = arith.constant 0 : i32
    return %c0_i32, %c0_i32_0 : i32, i32
  }
  func.func @transform_7(%arg0: i32, %arg1: memref<197xi32, #tpu.memory_space<smem>>) -> (i32, i32) {
    %c0_i32 = arith.constant 0 : i32
    %c0_i32_0 = arith.constant 0 : i32
    %c0_i32_1 = arith.constant 0 : i32
    return %c0_i32, %c0_i32_0 : i32, i32
  }
  func.func @transform_8(%arg0: i32, %arg1: memref<197xi32, #tpu.memory_space<smem>>) -> (i32, i32) {
    %c0_i32 = arith.constant 0 : i32
    %c0_i32_0 = arith.constant 0 : i32
    %c0_i32_1 = arith.constant 0 : i32
    return %c0_i32, %c0_i32_0 : i32, i32
  }
  func.func @transform_9(%arg0: i32, %arg1: memref<197xi32, #tpu.memory_space<smem>>) -> (i32, i32) {
    %c0_i32 = arith.constant 0 : i32
    %c0_i32_0 = arith.constant 0 : i32
    %c0_i32_1 = arith.constant 0 : i32
    return %c0_i32, %c0_i32_0 : i32, i32
  }
  func.func @transform_10(%arg0: i32, %arg1: memref<197xi32, #tpu.memory_space<smem>>) -> (i32, i32) {
    %c0_i32 = arith.constant 0 : i32
    %c0_i32_0 = arith.constant 0 : i32
    %c0_i32_1 = arith.constant 0 : i32
    return %c0_i32, %c0_i32_0 : i32, i32
  }
  func.func @transform_11(%arg0: i32, %arg1: memref<197xi32, #tpu.memory_space<smem>>) -> (i32, i32) {
    %c0_i32 = arith.constant 0 : i32
    %c0_i32_0 = arith.constant 0 : i32
    return %arg0, %c0_i32 : i32, i32
  }
  func.func @transform_12(%arg0: i32, %arg1: memref<197xi32, #tpu.memory_space<smem>>) -> (i32, i32) {
    %c0_i32 = arith.constant 0 : i32
    %c0_i32_0 = arith.constant 0 : i32
    return %arg0, %c0_i32 : i32, i32
  }
  func.func @transform_13(%arg0: i32, %arg1: memref<197xi32, #tpu.memory_space<smem>>) -> (i32, i32) {
    %c0_i32 = arith.constant 0 : i32
    %c0_i32_0 = arith.constant 0 : i32
    %c0_i32_1 = arith.constant 0 : i32
    return %c0_i32, %c0_i32_0 : i32, i32
  }
}

module attributes {stable_mosaic.version = 14 : i64} {
  func.func @_nstats_body(%arg0: i32, %arg1: memref<3584x8xf32, #tpu.memory_space<vmem>>, %arg2: memref<3584x64xf32, #tpu.memory_space<vmem>>, %arg3: memref<72x64xf32, #tpu.memory_space<vmem>>, %arg4: memref<1x64xf32, #tpu.memory_space<vmem>>, %arg5: memref<16x64xf32, #tpu.memory_space<vmem>>) attributes {dimension_semantics = [#tpu.dimension_semantics<arbitrary>], iteration_bounds = array<i64: 14>, scalar_prefetch = 0 : i64, scratch_operands = 0 : i64, tpu.core_type = #tpu.core_type<tc>, window_params = [{transform_indices = @transform_0, window_bounds = array<i64: 3584, 8>}, {transform_indices = @transform_1, window_bounds = array<i64: 3584, 64>}, {pipeline_mode = #tpu.pipeline_mode<synchronous>, transform_indices = @transform_2, window_bounds = array<i64: 72, 64>}, {pipeline_mode = #tpu.pipeline_mode<synchronous>, transform_indices = @transform_3, window_bounds = array<i64: 1, 64>}, {pipeline_mode = #tpu.pipeline_mode<synchronous>, transform_indices = @transform_4, window_bounds = array<i64: 16, 64>}]} {
    %get3A = arith.constant 0 : index
    %get3A_0 = arith.constant 0 : index
    %get3A_1 = vector.load %arg1[%get3A, %get3A_0] : memref<3584x8xf32, #tpu.memory_space<vmem>>, vector<3584x8xf32>
    %get3A_2 = arith.constant 0 : index
    %get3A_3 = arith.constant 0 : index
    %get3A_4 = vector.load %arg2[%get3A_2, %get3A_3] : memref<3584x64xf32, #tpu.memory_space<vmem>>, vector<3584x64xf32>
    %concatenate3A = tpu.concatenate %get3A_1, %get3A_4 in 1 : vector<3584x8xf32>, vector<3584x64xf32> -> vector<3584x72xf32>
    %get3A_5 = arith.constant 0 : index
    %get3A_6 = arith.constant 0 : index
    %get3A_7 = vector.load %arg3[%get3A_5, %get3A_6] : memref<72x64xf32, #tpu.memory_space<vmem>>, vector<72x64xf32>
    %dot_general3A = arith.constant dense<0.000000e+00> : vector<3584x64xf32>
    %dot_general3A_8 = tpu.matmul %concatenate3A, %get3A_7, %dot_general3A {dimension_numbers = #tpu.dot_dimension_numbers<[1], [0], [0], [1], [0, 0, 1, 1], [], []>, transpose_lhs_hint = false} : vector<3584x72xf32>, vector<72x64xf32>, vector<3584x64xf32> -> vector<3584x64xf32>
    %get3A_9 = arith.constant 0 : index
    %get3A_10 = arith.constant 0 : index
    %get3A_11 = vector.load %arg4[%get3A_9, %get3A_10] : memref<1x64xf32, #tpu.memory_space<vmem>>, vector<1x64xf32>
    %add3A = vector.broadcast %get3A_11 : vector<1x64xf32> to vector<3584x64xf32>
    %add3A_12 = arith.addf %dot_general3A_8, %add3A : vector<3584x64xf32>
    %ge3A = arith.constant 0.000000e+00 : f32
    %ge3A_13 = vector.broadcast %ge3A : f32 to vector<3584x64xf32>
    %ge3A_14 = arith.cmpf oge, %add3A_12, %ge3A_13 : vector<3584x64xf32>
    %mul3A = arith.constant 0.00999999977 : f32
    %mul3A_15 = vector.broadcast %mul3A : f32 to vector<3584x64xf32>
    %mul3A_16 = arith.mulf %mul3A_15, %add3A_12 : vector<3584x64xf32>
    %select_n3A = arith.select %ge3A_14, %add3A_12, %mul3A_16 : vector<3584x64xi1>, vector<3584x64xf32>
    %mul3A_17 = arith.constant 3584 : i32
    %mul3A_18 = arith.muli %arg0, %mul3A_17 : i32
    %iota3A = tpu.iota {dimensions = array<i32: 0>} : vector<3584x1xi32>
    %add3A_19 = vector.broadcast %mul3A_18 : i32 to vector<3584x1xi32>
    %add3A_20 = arith.addi %add3A_19, %iota3A : vector<3584x1xi32>
    %lt3A = arith.constant 50000 : i32
    %lt3A_21 = vector.broadcast %lt3A : i32 to vector<3584x1xi32>
    %lt3A_22 = arith.cmpi slt, %add3A_20, %lt3A_21 : vector<3584x1xi32>
    %jit3A = arith.constant 0.000000e+00 : f32
    %broadcast_in_dim3A = vector.shape_cast %lt3A_22 : vector<3584x1xi1> to vector<3584x1xi1>
    %broadcast_in_dim3A_23 = vector.broadcast %broadcast_in_dim3A : vector<3584x1xi1> to vector<3584x64xi1>
    %broadcast_in_dim3A_24 = vector.broadcast %jit3A : f32 to vector<3584x64xf32>
    %select_n3A_25 = arith.select %broadcast_in_dim3A_23, %select_n3A, %broadcast_in_dim3A_24 : vector<3584x64xi1>, vector<3584x64xf32>
    %eq3A = arith.constant 0 : i32
    %eq3A_26 = arith.cmpi eq, %arg0, %eq3A : i32
    %convert_element_type3A = arith.extui %eq3A_26 : i1 to i32
    %cond3A = arith.constant 0 : i32
    %cond3A_27 = arith.cmpi ne, %convert_element_type3A, %cond3A : i32
    scf.if %cond3A_27 {
      %broadcast_in_dim3A_39 = arith.constant 0.000000e+00 : f32
      %broadcast_in_dim3A_40 = vector.broadcast %broadcast_in_dim3A_39 : f32 to vector<16x64xf32>
      %swap3A_41 = arith.constant 0 : index
      %swap3A_42 = arith.constant 0 : index
      %swap3A_43 = vector.load %arg5[%swap3A_41, %swap3A_42] : memref<16x64xf32, #tpu.memory_space<vmem>>, vector<16x64xf32>
      tpu.vector_store %arg5[%swap3A_41, %swap3A_42], %broadcast_in_dim3A_40 {strides = array<i32>} : memref<16x64xf32, #tpu.memory_space<vmem>>, vector<16x64xf32>,
    } else {
    }
    %get3A_28 = arith.constant 0 : index
    %get3A_29 = arith.constant 0 : index
    %get3A_30 = vector.load %arg5[%get3A_28, %get3A_29] : memref<16x64xf32, #tpu.memory_space<vmem>>, vector<16x64xf32>
    %reshape3A = vector.shape_cast %select_n3A_25 : vector<3584x64xf32> to vector<448x8x64xf32>
    %reduce_sum3A = arith.constant dense<0.000000e+00> : vector<8x64xf32>
    %reduce_sum3A_31 = vector.multi_reduction <add>, %reshape3A, %reduce_sum3A [0] : vector<448x8x64xf32> to vector<8x64xf32>
    %mul3A_32 = arith.mulf %reshape3A, %reshape3A : vector<448x8x64xf32>
    %reduce_sum3A_33 = arith.constant dense<0.000000e+00> : vector<8x64xf32>
    %reduce_sum3A_34 = vector.multi_reduction <add>, %mul3A_32, %reduce_sum3A_33 [0] : vector<448x8x64xf32> to vector<8x64xf32>
    %concatenate3A_35 = tpu.concatenate %reduce_sum3A_31, %reduce_sum3A_34 in 0 : vector<8x64xf32>, vector<8x64xf32> -> vector<16x64xf32>
    %add3A_36 = arith.addf %get3A_30, %concatenate3A_35 : vector<16x64xf32>
    %swap3A = arith.constant 0 : index
    %swap3A_37 = arith.constant 0 : index
    %swap3A_38 = vector.load %arg5[%swap3A, %swap3A_37] : memref<16x64xf32, #tpu.memory_space<vmem>>, vector<16x64xf32>
    tpu.vector_store %arg5[%swap3A, %swap3A_37], %add3A_36 {strides = array<i32>} : memref<16x64xf32, #tpu.memory_space<vmem>>, vector<16x64xf32>,
    return
  }
  func.func @transform_0(%arg0: i32) -> (i32, i32) {
    %c0_i32 = arith.constant 0 : i32
    %c0_i32_0 = arith.constant 0 : i32
    return %arg0, %c0_i32 : i32, i32
  }
  func.func @transform_1(%arg0: i32) -> (i32, i32) {
    %c0_i32 = arith.constant 0 : i32
    %c0_i32_0 = arith.constant 0 : i32
    return %arg0, %c0_i32 : i32, i32
  }
  func.func @transform_2(%arg0: i32) -> (i32, i32) {
    %c0_i32 = arith.constant 0 : i32
    %c0_i32_0 = arith.constant 0 : i32
    %c0_i32_1 = arith.constant 0 : i32
    return %c0_i32, %c0_i32_0 : i32, i32
  }
  func.func @transform_3(%arg0: i32) -> (i32, i32) {
    %c0_i32 = arith.constant 0 : i32
    %c0_i32_0 = arith.constant 0 : i32
    %c0_i32_1 = arith.constant 0 : i32
    return %c0_i32, %c0_i32_0 : i32, i32
  }
  func.func @transform_4(%arg0: i32) -> (i32, i32) {
    %c0_i32 = arith.constant 0 : i32
    %c0_i32_0 = arith.constant 0 : i32
    %c0_i32_1 = arith.constant 0 : i32
    return %c0_i32, %c0_i32_0 : i32, i32
  }
}

module attributes {stable_mosaic.version = 14 : i64} {
  func.func @_ntrans_body(%arg0: i32, %arg1: memref<3584x8xf32, #tpu.memory_space<vmem>>, %arg2: memref<3584x64xf32, #tpu.memory_space<vmem>>, %arg3: memref<72x64xf32, #tpu.memory_space<vmem>>, %arg4: memref<1x64xf32, #tpu.memory_space<vmem>>, %arg5: memref<1x64xf32, #tpu.memory_space<vmem>>, %arg6: memref<1x64xf32, #tpu.memory_space<vmem>>, %arg7: memref<1x64xf32, #tpu.memory_space<vmem>>, %arg8: memref<1x64xf32, #tpu.memory_space<vmem>>, %arg9: memref<64x8xf32, #tpu.memory_space<vmem>>, %arg10: memref<1x8xf32, #tpu.memory_space<vmem>>, %arg11: memref<3584x1xi32, #tpu.memory_space<vmem>>, %arg12: memref<3584x8xf32, #tpu.memory_space<vmem>>, %arg13: memref<32x8xf32, #tpu.memory_space<vmem>>) attributes {dimension_semantics = [#tpu.dimension_semantics<arbitrary>], iteration_bounds = array<i64: 14>, scalar_prefetch = 0 : i64, scratch_operands = 0 : i64, tpu.core_type = #tpu.core_type<tc>, window_params = [{transform_indices = @transform_0, window_bounds = array<i64: 3584, 8>}, {transform_indices = @transform_1, window_bounds = array<i64: 3584, 64>}, {pipeline_mode = #tpu.pipeline_mode<synchronous>, transform_indices = @transform_2, window_bounds = array<i64: 72, 64>}, {pipeline_mode = #tpu.pipeline_mode<synchronous>, transform_indices = @transform_3, window_bounds = array<i64: 1, 64>}, {pipeline_mode = #tpu.pipeline_mode<synchronous>, transform_indices = @transform_4, window_bounds = array<i64: 1, 64>}, {pipeline_mode = #tpu.pipeline_mode<synchronous>, transform_indices = @transform_5, window_bounds = array<i64: 1, 64>}, {pipeline_mode = #tpu.pipeline_mode<synchronous>, transform_indices = @transform_6, window_bounds = array<i64: 1, 64>}, {pipeline_mode = #tpu.pipeline_mode<synchronous>, transform_indices = @transform_7, window_bounds = array<i64: 1, 64>}, {pipeline_mode = #tpu.pipeline_mode<synchronous>, transform_indices = @transform_8, window_bounds = array<i64: 64, 8>}, {pipeline_mode = #tpu.pipeline_mode<synchronous>, transform_indices = @transform_9, window_bounds = array<i64: 1, 8>}, {transform_indices = @transform_10, window_bounds = array<i64: 3584, 1>}, {transform_indices = @transform_11, window_bounds = array<i64: 3584, 8>}, {pipeline_mode = #tpu.pipeline_mode<synchronous>, transform_indices = @transform_12, window_bounds = array<i64: 32, 8>}]} {
    %get3A = arith.constant 0 : index
    %get3A_0 = arith.constant 0 : index
    %get3A_1 = vector.load %arg1[%get3A, %get3A_0] : memref<3584x8xf32, #tpu.memory_space<vmem>>, vector<3584x8xf32>
    %get3A_2 = arith.constant 0 : index
    %get3A_3 = arith.constant 0 : index
    %get3A_4 = vector.load %arg2[%get3A_2, %get3A_3] : memref<3584x64xf32, #tpu.memory_space<vmem>>, vector<3584x64xf32>
    %concatenate3A = tpu.concatenate %get3A_1, %get3A_4 in 1 : vector<3584x8xf32>, vector<3584x64xf32> -> vector<3584x72xf32>
    %get3A_5 = arith.constant 0 : index
    %get3A_6 = arith.constant 0 : index
    %get3A_7 = vector.load %arg3[%get3A_5, %get3A_6] : memref<72x64xf32, #tpu.memory_space<vmem>>, vector<72x64xf32>
    %dot_general3A = arith.constant dense<0.000000e+00> : vector<3584x64xf32>
    %dot_general3A_8 = tpu.matmul %concatenate3A, %get3A_7, %dot_general3A {dimension_numbers = #tpu.dot_dimension_numbers<[1], [0], [0], [1], [0, 0, 1, 1], [], []>, transpose_lhs_hint = false} : vector<3584x72xf32>, vector<72x64xf32>, vector<3584x64xf32> -> vector<3584x64xf32>
    %get3A_9 = arith.constant 0 : index
    %get3A_10 = arith.constant 0 : index
    %get3A_11 = vector.load %arg4[%get3A_9, %get3A_10] : memref<1x64xf32, #tpu.memory_space<vmem>>, vector<1x64xf32>
    %add3A = vector.broadcast %get3A_11 : vector<1x64xf32> to vector<3584x64xf32>
    %add3A_12 = arith.addf %dot_general3A_8, %add3A : vector<3584x64xf32>
    %ge3A = arith.constant 0.000000e+00 : f32
    %ge3A_13 = vector.broadcast %ge3A : f32 to vector<3584x64xf32>
    %ge3A_14 = arith.cmpf oge, %add3A_12, %ge3A_13 : vector<3584x64xf32>
    %mul3A = arith.constant 0.00999999977 : f32
    %mul3A_15 = vector.broadcast %mul3A : f32 to vector<3584x64xf32>
    %mul3A_16 = arith.mulf %mul3A_15, %add3A_12 : vector<3584x64xf32>
    %select_n3A = arith.select %ge3A_14, %add3A_12, %mul3A_16 : vector<3584x64xi1>, vector<3584x64xf32>
    %get3A_17 = arith.constant 0 : index
    %get3A_18 = arith.constant 0 : index
    %get3A_19 = vector.load %arg5[%get3A_17, %get3A_18] : memref<1x64xf32, #tpu.memory_space<vmem>>, vector<1x64xf32>
    %sub3A = vector.broadcast %get3A_19 : vector<1x64xf32> to vector<3584x64xf32>
    %sub3A_20 = arith.subf %select_n3A, %sub3A : vector<3584x64xf32>
    %get3A_21 = arith.constant 0 : index
    %get3A_22 = arith.constant 0 : index
    %get3A_23 = vector.load %arg6[%get3A_21, %get3A_22] : memref<1x64xf32, #tpu.memory_space<vmem>>, vector<1x64xf32>
    %div3A = vector.broadcast %get3A_23 : vector<1x64xf32> to vector<3584x64xf32>
    %div3A_24 = arith.divf %sub3A_20, %div3A : vector<3584x64xf32>
    %get3A_25 = arith.constant 0 : index
    %get3A_26 = arith.constant 0 : index
    %get3A_27 = vector.load %arg7[%get3A_25, %get3A_26] : memref<1x64xf32, #tpu.memory_space<vmem>>, vector<1x64xf32>
    %mul3A_28 = vector.broadcast %get3A_27 : vector<1x64xf32> to vector<3584x64xf32>
    %mul3A_29 = arith.mulf %div3A_24, %mul3A_28 : vector<3584x64xf32>
    %get3A_30 = arith.constant 0 : index
    %get3A_31 = arith.constant 0 : index
    %get3A_32 = vector.load %arg8[%get3A_30, %get3A_31] : memref<1x64xf32, #tpu.memory_space<vmem>>, vector<1x64xf32>
    %add3A_33 = vector.broadcast %get3A_32 : vector<1x64xf32> to vector<3584x64xf32>
    %add3A_34 = arith.addf %mul3A_29, %add3A_33 : vector<3584x64xf32>
    %get3A_35 = arith.constant 0 : index
    %get3A_36 = arith.constant 0 : index
    %get3A_37 = vector.load %arg9[%get3A_35, %get3A_36] : memref<64x8xf32, #tpu.memory_space<vmem>>, vector<64x8xf32>
    %dot_general3A_38 = arith.constant dense<0.000000e+00> : vector<3584x8xf32>
    %dot_general3A_39 = tpu.matmul %add3A_34, %get3A_37, %dot_general3A_38 {dimension_numbers = #tpu.dot_dimension_numbers<[1], [0], [0], [1], [0, 0, 1, 1], [], []>, transpose_lhs_hint = false} : vector<3584x64xf32>, vector<64x8xf32>, vector<3584x8xf32> -> vector<3584x8xf32>
    %get3A_40 = arith.constant 0 : index
    %get3A_41 = arith.constant 0 : index
    %get3A_42 = vector.load %arg10[%get3A_40, %get3A_41] : memref<1x8xf32, #tpu.memory_space<vmem>>, vector<1x8xf32>
    %add3A_43 = vector.broadcast %get3A_42 : vector<1x8xf32> to vector<3584x8xf32>
    %add3A_44 = arith.addf %dot_general3A_39, %add3A_43 : vector<3584x8xf32>
    %swap3A = arith.constant 0 : index
    %swap3A_45 = arith.constant 0 : index
    %swap3A_46 = vector.load %arg12[%swap3A, %swap3A_45] : memref<3584x8xf32, #tpu.memory_space<vmem>>, vector<3584x8xf32>
    tpu.vector_store %arg12[%swap3A, %swap3A_45], %add3A_44 {strides = array<i32>} : memref<3584x8xf32, #tpu.memory_space<vmem>>, vector<3584x8xf32>,
    %get3A_47 = arith.constant 0 : index
    %get3A_48 = arith.constant 0 : index
    %get3A_49 = vector.load %arg11[%get3A_47, %get3A_48] : memref<3584x1xi32, #tpu.memory_space<vmem>>, vector<3584x1xi32>
    %iota3A = tpu.iota {dimensions = array<i32: 1>} : vector<1x32xi32>
    %eq3A = vector.broadcast %get3A_49 : vector<3584x1xi32> to vector<3584x32xi32>
    %eq3A_50 = vector.broadcast %iota3A : vector<1x32xi32> to vector<3584x32xi32>
    %eq3A_51 = arith.cmpi eq, %eq3A, %eq3A_50 : vector<3584x32xi32>
    %convert_element_type3A = arith.extui %eq3A_51 : vector<3584x32xi1> to vector<3584x32xi32>
    %convert_element_type3A_52 = arith.sitofp %convert_element_type3A : vector<3584x32xi32> to vector<3584x32xf32>
    %dot_general3A_53 = arith.constant dense<0.000000e+00> : vector<32x8xf32>
    %dot_general3A_54 = tpu.matmul %convert_element_type3A_52, %add3A_44, %dot_general3A_53 {dimension_numbers = #tpu.dot_dimension_numbers<[0], [0], [1], [1], [0, 1, 1, 1], [], []>, precision = #tpu.contract_precision<fp32>, transpose_lhs_hint = false} : vector<3584x32xf32>, vector<3584x8xf32>, vector<32x8xf32> -> vector<32x8xf32>
    %eq3A_55 = arith.constant 0 : i32
    %eq3A_56 = arith.cmpi eq, %arg0, %eq3A_55 : i32
    %convert_element_type3A_57 = arith.extui %eq3A_56 : i1 to i32
    %cond3A = arith.constant 0 : i32
    %cond3A_58 = arith.cmpi ne, %convert_element_type3A_57, %cond3A : i32
    scf.if %cond3A_58 {
      %broadcast_in_dim3A = arith.constant 0.000000e+00 : f32
      %broadcast_in_dim3A_66 = vector.broadcast %broadcast_in_dim3A : f32 to vector<32x8xf32>
      %swap3A_67 = arith.constant 0 : index
      %swap3A_68 = arith.constant 0 : index
      %swap3A_69 = vector.load %arg13[%swap3A_67, %swap3A_68] : memref<32x8xf32, #tpu.memory_space<vmem>>, vector<32x8xf32>
      tpu.vector_store %arg13[%swap3A_67, %swap3A_68], %broadcast_in_dim3A_66 {strides = array<i32>} : memref<32x8xf32, #tpu.memory_space<vmem>>, vector<32x8xf32>,
    } else {
    }
    %get3A_59 = arith.constant 0 : index
    %get3A_60 = arith.constant 0 : index
    %get3A_61 = vector.load %arg13[%get3A_59, %get3A_60] : memref<32x8xf32, #tpu.memory_space<vmem>>, vector<32x8xf32>
    %add3A_62 = arith.addf %get3A_61, %dot_general3A_54 : vector<32x8xf32>
    %swap3A_63 = arith.constant 0 : index
    %swap3A_64 = arith.constant 0 : index
    %swap3A_65 = vector.load %arg13[%swap3A_63, %swap3A_64] : memref<32x8xf32, #tpu.memory_space<vmem>>, vector<32x8xf32>
    tpu.vector_store %arg13[%swap3A_63, %swap3A_64], %add3A_62 {strides = array<i32>} : memref<32x8xf32, #tpu.memory_space<vmem>>, vector<32x8xf32>,
    return
  }
  func.func @transform_0(%arg0: i32) -> (i32, i32) {
    %c0_i32 = arith.constant 0 : i32
    %c0_i32_0 = arith.constant 0 : i32
    return %arg0, %c0_i32 : i32, i32
  }
  func.func @transform_1(%arg0: i32) -> (i32, i32) {
    %c0_i32 = arith.constant 0 : i32
    %c0_i32_0 = arith.constant 0 : i32
    return %arg0, %c0_i32 : i32, i32
  }
  func.func @transform_2(%arg0: i32) -> (i32, i32) {
    %c0_i32 = arith.constant 0 : i32
    %c0_i32_0 = arith.constant 0 : i32
    %c0_i32_1 = arith.constant 0 : i32
    return %c0_i32, %c0_i32_0 : i32, i32
  }
  func.func @transform_3(%arg0: i32) -> (i32, i32) {
    %c0_i32 = arith.constant 0 : i32
    %c0_i32_0 = arith.constant 0 : i32
    %c0_i32_1 = arith.constant 0 : i32
    return %c0_i32, %c0_i32_0 : i32, i32
  }
  func.func @transform_4(%arg0: i32) -> (i32, i32) {
    %c0_i32 = arith.constant 0 : i32
    %c0_i32_0 = arith.constant 0 : i32
    %c0_i32_1 = arith.constant 0 : i32
    return %c0_i32, %c0_i32_0 : i32, i32
  }
  func.func @transform_5(%arg0: i32) -> (i32, i32) {
    %c0_i32 = arith.constant 0 : i32
    %c0_i32_0 = arith.constant 0 : i32
    %c0_i32_1 = arith.constant 0 : i32
    return %c0_i32, %c0_i32_0 : i32, i32
  }
  func.func @transform_6(%arg0: i32) -> (i32, i32) {
    %c0_i32 = arith.constant 0 : i32
    %c0_i32_0 = arith.constant 0 : i32
    %c0_i32_1 = arith.constant 0 : i32
    return %c0_i32, %c0_i32_0 : i32, i32
  }
  func.func @transform_7(%arg0: i32) -> (i32, i32) {
    %c0_i32 = arith.constant 0 : i32
    %c0_i32_0 = arith.constant 0 : i32
    %c0_i32_1 = arith.constant 0 : i32
    return %c0_i32, %c0_i32_0 : i32, i32
  }
  func.func @transform_8(%arg0: i32) -> (i32, i32) {
    %c0_i32 = arith.constant 0 : i32
    %c0_i32_0 = arith.constant 0 : i32
    %c0_i32_1 = arith.constant 0 : i32
    return %c0_i32, %c0_i32_0 : i32, i32
  }
  func.func @transform_9(%arg0: i32) -> (i32, i32) {
    %c0_i32 = arith.constant 0 : i32
    %c0_i32_0 = arith.constant 0 : i32
    %c0_i32_1 = arith.constant 0 : i32
    return %c0_i32, %c0_i32_0 : i32, i32
  }
  func.func @transform_10(%arg0: i32) -> (i32, i32) {
    %c0_i32 = arith.constant 0 : i32
    %c0_i32_0 = arith.constant 0 : i32
    return %arg0, %c0_i32 : i32, i32
  }
  func.func @transform_11(%arg0: i32) -> (i32, i32) {
    %c0_i32 = arith.constant 0 : i32
    %c0_i32_0 = arith.constant 0 : i32
    return %arg0, %c0_i32 : i32, i32
  }
  func.func @transform_12(%arg0: i32) -> (i32, i32) {
    %c0_i32 = arith.constant 0 : i32
    %c0_i32_0 = arith.constant 0 : i32
    %c0_i32_1 = arith.constant 0 : i32
    return %c0_i32, %c0_i32_0 : i32, i32
  }
}

module attributes {stable_mosaic.version = 14 : i64} {
  func.func @_ntrans_body(%arg0: i32, %arg1: memref<3584x8xf32, #tpu.memory_space<vmem>>, %arg2: memref<3584x64xf32, #tpu.memory_space<vmem>>, %arg3: memref<72x64xf32, #tpu.memory_space<vmem>>, %arg4: memref<1x64xf32, #tpu.memory_space<vmem>>, %arg5: memref<1x64xf32, #tpu.memory_space<vmem>>, %arg6: memref<1x64xf32, #tpu.memory_space<vmem>>, %arg7: memref<1x64xf32, #tpu.memory_space<vmem>>, %arg8: memref<1x64xf32, #tpu.memory_space<vmem>>, %arg9: memref<64x8xf32, #tpu.memory_space<vmem>>, %arg10: memref<1x8xf32, #tpu.memory_space<vmem>>, %arg11: memref<3584x1xi32, #tpu.memory_space<vmem>>, %arg12: memref<3584x8xf32, #tpu.memory_space<vmem>>, %arg13: memref<32x8xf32, #tpu.memory_space<vmem>>) attributes {dimension_semantics = [#tpu.dimension_semantics<arbitrary>], iteration_bounds = array<i64: 14>, scalar_prefetch = 0 : i64, scratch_operands = 0 : i64, tpu.core_type = #tpu.core_type<tc>, window_params = [{transform_indices = @transform_0, window_bounds = array<i64: 3584, 8>}, {transform_indices = @transform_1, window_bounds = array<i64: 3584, 64>}, {pipeline_mode = #tpu.pipeline_mode<synchronous>, transform_indices = @transform_2, window_bounds = array<i64: 72, 64>}, {pipeline_mode = #tpu.pipeline_mode<synchronous>, transform_indices = @transform_3, window_bounds = array<i64: 1, 64>}, {pipeline_mode = #tpu.pipeline_mode<synchronous>, transform_indices = @transform_4, window_bounds = array<i64: 1, 64>}, {pipeline_mode = #tpu.pipeline_mode<synchronous>, transform_indices = @transform_5, window_bounds = array<i64: 1, 64>}, {pipeline_mode = #tpu.pipeline_mode<synchronous>, transform_indices = @transform_6, window_bounds = array<i64: 1, 64>}, {pipeline_mode = #tpu.pipeline_mode<synchronous>, transform_indices = @transform_7, window_bounds = array<i64: 1, 64>}, {pipeline_mode = #tpu.pipeline_mode<synchronous>, transform_indices = @transform_8, window_bounds = array<i64: 64, 8>}, {pipeline_mode = #tpu.pipeline_mode<synchronous>, transform_indices = @transform_9, window_bounds = array<i64: 1, 8>}, {transform_indices = @transform_10, window_bounds = array<i64: 3584, 1>}, {transform_indices = @transform_11, window_bounds = array<i64: 3584, 8>}, {pipeline_mode = #tpu.pipeline_mode<synchronous>, transform_indices = @transform_12, window_bounds = array<i64: 32, 8>}]} {
    %get3A = arith.constant 0 : index
    %get3A_0 = arith.constant 0 : index
    %get3A_1 = vector.load %arg1[%get3A, %get3A_0] : memref<3584x8xf32, #tpu.memory_space<vmem>>, vector<3584x8xf32>
    %get3A_2 = arith.constant 0 : index
    %get3A_3 = arith.constant 0 : index
    %get3A_4 = vector.load %arg2[%get3A_2, %get3A_3] : memref<3584x64xf32, #tpu.memory_space<vmem>>, vector<3584x64xf32>
    %concatenate3A = tpu.concatenate %get3A_1, %get3A_4 in 1 : vector<3584x8xf32>, vector<3584x64xf32> -> vector<3584x72xf32>
    %get3A_5 = arith.constant 0 : index
    %get3A_6 = arith.constant 0 : index
    %get3A_7 = vector.load %arg3[%get3A_5, %get3A_6] : memref<72x64xf32, #tpu.memory_space<vmem>>, vector<72x64xf32>
    %dot_general3A = arith.constant dense<0.000000e+00> : vector<3584x64xf32>
    %dot_general3A_8 = tpu.matmul %concatenate3A, %get3A_7, %dot_general3A {dimension_numbers = #tpu.dot_dimension_numbers<[1], [0], [0], [1], [0, 0, 1, 1], [], []>, transpose_lhs_hint = false} : vector<3584x72xf32>, vector<72x64xf32>, vector<3584x64xf32> -> vector<3584x64xf32>
    %get3A_9 = arith.constant 0 : index
    %get3A_10 = arith.constant 0 : index
    %get3A_11 = vector.load %arg4[%get3A_9, %get3A_10] : memref<1x64xf32, #tpu.memory_space<vmem>>, vector<1x64xf32>
    %add3A = vector.broadcast %get3A_11 : vector<1x64xf32> to vector<3584x64xf32>
    %add3A_12 = arith.addf %dot_general3A_8, %add3A : vector<3584x64xf32>
    %ge3A = arith.constant 0.000000e+00 : f32
    %ge3A_13 = vector.broadcast %ge3A : f32 to vector<3584x64xf32>
    %ge3A_14 = arith.cmpf oge, %add3A_12, %ge3A_13 : vector<3584x64xf32>
    %mul3A = arith.constant 0.00999999977 : f32
    %mul3A_15 = vector.broadcast %mul3A : f32 to vector<3584x64xf32>
    %mul3A_16 = arith.mulf %mul3A_15, %add3A_12 : vector<3584x64xf32>
    %select_n3A = arith.select %ge3A_14, %add3A_12, %mul3A_16 : vector<3584x64xi1>, vector<3584x64xf32>
    %get3A_17 = arith.constant 0 : index
    %get3A_18 = arith.constant 0 : index
    %get3A_19 = vector.load %arg5[%get3A_17, %get3A_18] : memref<1x64xf32, #tpu.memory_space<vmem>>, vector<1x64xf32>
    %sub3A = vector.broadcast %get3A_19 : vector<1x64xf32> to vector<3584x64xf32>
    %sub3A_20 = arith.subf %select_n3A, %sub3A : vector<3584x64xf32>
    %get3A_21 = arith.constant 0 : index
    %get3A_22 = arith.constant 0 : index
    %get3A_23 = vector.load %arg6[%get3A_21, %get3A_22] : memref<1x64xf32, #tpu.memory_space<vmem>>, vector<1x64xf32>
    %div3A = vector.broadcast %get3A_23 : vector<1x64xf32> to vector<3584x64xf32>
    %div3A_24 = arith.divf %sub3A_20, %div3A : vector<3584x64xf32>
    %get3A_25 = arith.constant 0 : index
    %get3A_26 = arith.constant 0 : index
    %get3A_27 = vector.load %arg7[%get3A_25, %get3A_26] : memref<1x64xf32, #tpu.memory_space<vmem>>, vector<1x64xf32>
    %mul3A_28 = vector.broadcast %get3A_27 : vector<1x64xf32> to vector<3584x64xf32>
    %mul3A_29 = arith.mulf %div3A_24, %mul3A_28 : vector<3584x64xf32>
    %get3A_30 = arith.constant 0 : index
    %get3A_31 = arith.constant 0 : index
    %get3A_32 = vector.load %arg8[%get3A_30, %get3A_31] : memref<1x64xf32, #tpu.memory_space<vmem>>, vector<1x64xf32>
    %add3A_33 = vector.broadcast %get3A_32 : vector<1x64xf32> to vector<3584x64xf32>
    %add3A_34 = arith.addf %mul3A_29, %add3A_33 : vector<3584x64xf32>
    %get3A_35 = arith.constant 0 : index
    %get3A_36 = arith.constant 0 : index
    %get3A_37 = vector.load %arg9[%get3A_35, %get3A_36] : memref<64x8xf32, #tpu.memory_space<vmem>>, vector<64x8xf32>
    %dot_general3A_38 = arith.constant dense<0.000000e+00> : vector<3584x8xf32>
    %dot_general3A_39 = tpu.matmul %add3A_34, %get3A_37, %dot_general3A_38 {dimension_numbers = #tpu.dot_dimension_numbers<[1], [0], [0], [1], [0, 0, 1, 1], [], []>, transpose_lhs_hint = false} : vector<3584x64xf32>, vector<64x8xf32>, vector<3584x8xf32> -> vector<3584x8xf32>
    %get3A_40 = arith.constant 0 : index
    %get3A_41 = arith.constant 0 : index
    %get3A_42 = vector.load %arg10[%get3A_40, %get3A_41] : memref<1x8xf32, #tpu.memory_space<vmem>>, vector<1x8xf32>
    %add3A_43 = vector.broadcast %get3A_42 : vector<1x8xf32> to vector<3584x8xf32>
    %add3A_44 = arith.addf %dot_general3A_39, %add3A_43 : vector<3584x8xf32>
    %swap3A = arith.constant 0 : index
    %swap3A_45 = arith.constant 0 : index
    %swap3A_46 = vector.load %arg12[%swap3A, %swap3A_45] : memref<3584x8xf32, #tpu.memory_space<vmem>>, vector<3584x8xf32>
    tpu.vector_store %arg12[%swap3A, %swap3A_45], %add3A_44 {strides = array<i32>} : memref<3584x8xf32, #tpu.memory_space<vmem>>, vector<3584x8xf32>,
    %get3A_47 = arith.constant 0 : index
    %get3A_48 = arith.constant 0 : index
    %get3A_49 = vector.load %arg11[%get3A_47, %get3A_48] : memref<3584x1xi32, #tpu.memory_space<vmem>>, vector<3584x1xi32>
    %iota3A = tpu.iota {dimensions = array<i32: 1>} : vector<1x32xi32>
    %eq3A = vector.broadcast %get3A_49 : vector<3584x1xi32> to vector<3584x32xi32>
    %eq3A_50 = vector.broadcast %iota3A : vector<1x32xi32> to vector<3584x32xi32>
    %eq3A_51 = arith.cmpi eq, %eq3A, %eq3A_50 : vector<3584x32xi32>
    %convert_element_type3A = arith.extui %eq3A_51 : vector<3584x32xi1> to vector<3584x32xi32>
    %convert_element_type3A_52 = arith.sitofp %convert_element_type3A : vector<3584x32xi32> to vector<3584x32xf32>
    %dot_general3A_53 = arith.constant dense<0.000000e+00> : vector<32x8xf32>
    %dot_general3A_54 = tpu.matmul %convert_element_type3A_52, %add3A_44, %dot_general3A_53 {dimension_numbers = #tpu.dot_dimension_numbers<[0], [0], [1], [1], [0, 1, 1, 1], [], []>, precision = #tpu.contract_precision<fp32>, transpose_lhs_hint = false} : vector<3584x32xf32>, vector<3584x8xf32>, vector<32x8xf32> -> vector<32x8xf32>
    %eq3A_55 = arith.constant 0 : i32
    %eq3A_56 = arith.cmpi eq, %arg0, %eq3A_55 : i32
    %convert_element_type3A_57 = arith.extui %eq3A_56 : i1 to i32
    %cond3A = arith.constant 0 : i32
    %cond3A_58 = arith.cmpi ne, %convert_element_type3A_57, %cond3A : i32
    scf.if %cond3A_58 {
      %broadcast_in_dim3A = arith.constant 0.000000e+00 : f32
      %broadcast_in_dim3A_66 = vector.broadcast %broadcast_in_dim3A : f32 to vector<32x8xf32>
      %swap3A_67 = arith.constant 0 : index
      %swap3A_68 = arith.constant 0 : index
      %swap3A_69 = vector.load %arg13[%swap3A_67, %swap3A_68] : memref<32x8xf32, #tpu.memory_space<vmem>>, vector<32x8xf32>
      tpu.vector_store %arg13[%swap3A_67, %swap3A_68], %broadcast_in_dim3A_66 {strides = array<i32>} : memref<32x8xf32, #tpu.memory_space<vmem>>, vector<32x8xf32>,
    } else {
    }
    %get3A_59 = arith.constant 0 : index
    %get3A_60 = arith.constant 0 : index
    %get3A_61 = vector.load %arg13[%get3A_59, %get3A_60] : memref<32x8xf32, #tpu.memory_space<vmem>>, vector<32x8xf32>
    %add3A_62 = arith.addf %get3A_61, %dot_general3A_54 : vector<32x8xf32>
    %swap3A_63 = arith.constant 0 : index
    %swap3A_64 = arith.constant 0 : index
    %swap3A_65 = vector.load %arg13[%swap3A_63, %swap3A_64] : memref<32x8xf32, #tpu.memory_space<vmem>>, vector<32x8xf32>
    tpu.vector_store %arg13[%swap3A_63, %swap3A_64], %add3A_62 {strides = array<i32>} : memref<32x8xf32, #tpu.memory_space<vmem>>, vector<32x8xf32>,
    return
  }
  func.func @transform_0(%arg0: i32) -> (i32, i32) {
    %c0_i32 = arith.constant 0 : i32
    %c0_i32_0 = arith.constant 0 : i32
    return %arg0, %c0_i32 : i32, i32
  }
  func.func @transform_1(%arg0: i32) -> (i32, i32) {
    %c0_i32 = arith.constant 0 : i32
    %c0_i32_0 = arith.constant 0 : i32
    return %arg0, %c0_i32 : i32, i32
  }
  func.func @transform_2(%arg0: i32) -> (i32, i32) {
    %c0_i32 = arith.constant 0 : i32
    %c0_i32_0 = arith.constant 0 : i32
    %c0_i32_1 = arith.constant 0 : i32
    return %c0_i32, %c0_i32_0 : i32, i32
  }
  func.func @transform_3(%arg0: i32) -> (i32, i32) {
    %c0_i32 = arith.constant 0 : i32
    %c0_i32_0 = arith.constant 0 : i32
    %c0_i32_1 = arith.constant 0 : i32
    return %c0_i32, %c0_i32_0 : i32, i32
  }
  func.func @transform_4(%arg0: i32) -> (i32, i32) {
    %c0_i32 = arith.constant 0 : i32
    %c0_i32_0 = arith.constant 0 : i32
    %c0_i32_1 = arith.constant 0 : i32
    return %c0_i32, %c0_i32_0 : i32, i32
  }
  func.func @transform_5(%arg0: i32) -> (i32, i32) {
    %c0_i32 = arith.constant 0 : i32
    %c0_i32_0 = arith.constant 0 : i32
    %c0_i32_1 = arith.constant 0 : i32
    return %c0_i32, %c0_i32_0 : i32, i32
  }
  func.func @transform_6(%arg0: i32) -> (i32, i32) {
    %c0_i32 = arith.constant 0 : i32
    %c0_i32_0 = arith.constant 0 : i32
    %c0_i32_1 = arith.constant 0 : i32
    return %c0_i32, %c0_i32_0 : i32, i32
  }
  func.func @transform_7(%arg0: i32) -> (i32, i32) {
    %c0_i32 = arith.constant 0 : i32
    %c0_i32_0 = arith.constant 0 : i32
    %c0_i32_1 = arith.constant 0 : i32
    return %c0_i32, %c0_i32_0 : i32, i32
  }
  func.func @transform_8(%arg0: i32) -> (i32, i32) {
    %c0_i32 = arith.constant 0 : i32
    %c0_i32_0 = arith.constant 0 : i32
    %c0_i32_1 = arith.constant 0 : i32
    return %c0_i32, %c0_i32_0 : i32, i32
  }
  func.func @transform_9(%arg0: i32) -> (i32, i32) {
    %c0_i32 = arith.constant 0 : i32
    %c0_i32_0 = arith.constant 0 : i32
    %c0_i32_1 = arith.constant 0 : i32
    return %c0_i32, %c0_i32_0 : i32, i32
  }
  func.func @transform_10(%arg0: i32) -> (i32, i32) {
    %c0_i32 = arith.constant 0 : i32
    %c0_i32_0 = arith.constant 0 : i32
    return %arg0, %c0_i32 : i32, i32
  }
  func.func @transform_11(%arg0: i32) -> (i32, i32) {
    %c0_i32 = arith.constant 0 : i32
    %c0_i32_0 = arith.constant 0 : i32
    return %arg0, %c0_i32 : i32, i32
  }
  func.func @transform_12(%arg0: i32) -> (i32, i32) {
    %c0_i32 = arith.constant 0 : i32
    %c0_i32_0 = arith.constant 0 : i32
    %c0_i32_1 = arith.constant 0 : i32
    return %c0_i32, %c0_i32_0 : i32, i32
  }
}

module attributes {stable_mosaic.version = 14 : i64} {
  func.func @_agg_body(%arg0: i32, %arg1: memref<197xi32, #tpu.memory_space<smem>>, %arg2: memref<1603200x8xf32, #tpu.memory_space<any>>, %arg3: memref<1603200x8xf32, #tpu.memory_space<any>>, %arg4: memref<1603200x1xi32, #tpu.memory_space<any>>, %arg5: memref<16x64xf32, #tpu.memory_space<vmem>>, %arg6: memref<1x64xf32, #tpu.memory_space<vmem>>, %arg7: memref<1x64xf32, #tpu.memory_space<vmem>>, %arg8: memref<1x64xf32, #tpu.memory_space<vmem>>, %arg9: memref<1x64xf32, #tpu.memory_space<vmem>>, %arg10: memref<1x64xf32, #tpu.memory_space<vmem>>, %arg11: memref<64x64xf32, #tpu.memory_space<vmem>>, %arg12: memref<1x64xf32, #tpu.memory_space<vmem>>, %arg13: memref<256x1xi32, #tpu.memory_space<vmem>>, %arg14: memref<256x64xf32, #tpu.memory_space<vmem>>, %arg15: memref<32x64xf32, #tpu.memory_space<vmem>>, %arg16: memref<3200x8xf32, #tpu.memory_space<vmem>>, %arg17: memref<3200x8xf32, #tpu.memory_space<vmem>>, %arg18: memref<3200x1xi32, #tpu.memory_space<vmem>>, %arg19: memref<!tpu.dma_semaphore, #tpu.memory_space<semaphore_mem>>, %arg20: memref<!tpu.dma_semaphore, #tpu.memory_space<semaphore_mem>>, %arg21: memref<!tpu.dma_semaphore, #tpu.memory_space<semaphore_mem>>) attributes {dimension_semantics = [#tpu.dimension_semantics<arbitrary>], iteration_bounds = array<i64: 196>, scalar_prefetch = 1 : i64, scratch_operands = 6 : i64, tpu.core_type = #tpu.core_type<tc>, window_params = [{}, {}, {}, {pipeline_mode = #tpu.pipeline_mode<synchronous>, transform_indices = @transform_3, window_bounds = array<i64: 16, 64>}, {pipeline_mode = #tpu.pipeline_mode<synchronous>, transform_indices = @transform_4, window_bounds = array<i64: 1, 64>}, {pipeline_mode = #tpu.pipeline_mode<synchronous>, transform_indices = @transform_5, window_bounds = array<i64: 1, 64>}, {pipeline_mode = #tpu.pipeline_mode<synchronous>, transform_indices = @transform_6, window_bounds = array<i64: 1, 64>}, {pipeline_mode = #tpu.pipeline_mode<synchronous>, transform_indices = @transform_7, window_bounds = array<i64: 1, 64>}, {pipeline_mode = #tpu.pipeline_mode<synchronous>, transform_indices = @transform_8, window_bounds = array<i64: 1, 64>}, {pipeline_mode = #tpu.pipeline_mode<synchronous>, transform_indices = @transform_9, window_bounds = array<i64: 64, 64>}, {pipeline_mode = #tpu.pipeline_mode<synchronous>, transform_indices = @transform_10, window_bounds = array<i64: 1, 64>}, {transform_indices = @transform_11, window_bounds = array<i64: 256, 1>}, {transform_indices = @transform_12, window_bounds = array<i64: 256, 64>}, {pipeline_mode = #tpu.pipeline_mode<synchronous>, transform_indices = @transform_13, window_bounds = array<i64: 32, 64>}]} {
    %get3A = arith.index_cast %arg0 : i32 to index
    %get3A_0 = memref.load %arg1[%get3A] : memref<197xi32, #tpu.memory_space<smem>>
    %add3A = arith.constant 1 : i32
    %add3A_1 = arith.addi %arg0, %add3A : i32
    %get3A_2 = arith.index_cast %add3A_1 : i32 to index
    %get3A_3 = memref.load %arg1[%get3A_2] : memref<197xi32, #tpu.memory_space<smem>>
    %jit3A = arith.constant 8 : i32
    %div3A = arith.divsi %get3A_0, %jit3A : i32
    %sign3A = arith.constant 0 : i32
    %sign3A_4 = arith.cmpi sgt, %get3A_0, %sign3A : i32
    %sign3A_5 = arith.extui %sign3A_4 : i1 to i32
    %sign3A_6 = arith.constant 0 : i32
    %sign3A_7 = arith.cmpi slt, %get3A_0, %sign3A_6 : i32
    %sign3A_8 = arith.extui %sign3A_7 : i1 to i32
    %sign3A_9 = arith.subi %sign3A_5, %sign3A_8 : i32
    %sign3A_10 = arith.constant 0 : i32
    %sign3A_11 = arith.cmpi sgt, %jit3A, %sign3A_10 : i32
    %sign3A_12 = arith.extui %sign3A_11 : i1 to i32
    %sign3A_13 = arith.constant 0 : i32
    %sign3A_14 = arith.cmpi slt, %jit3A, %sign3A_13 : i32
    %sign3A_15 = arith.extui %sign3A_14 : i1 to i32
    %sign3A_16 = arith.subi %sign3A_12, %sign3A_15 : i32
    %ne3A = arith.cmpi ne, %sign3A_9, %sign3A_16 : i32
    %rem3A = arith.remsi %get3A_0, %jit3A : i32
    %ne3A_17 = arith.constant 0 : i32
    %ne3A_18 = arith.cmpi ne, %rem3A, %ne3A_17 : i32
    %and3A = arith.andi %ne3A, %ne3A_18 : i1
    %sub3A = arith.constant 1 : i32
    %sub3A_19 = arith.subi %div3A, %sub3A : i32
    %select_n3A = arith.select %and3A, %sub3A_19, %div3A : i32
    %mul3A = arith.constant 8 : i32
    %mul3A_20 = arith.muli %select_n3A, %mul3A : i32
    %sub3A_21 = arith.subi %get3A_3, %mul3A_20 : i32
    %add3A_22 = arith.constant 3200 : i32
    %add3A_23 = arith.addi %sub3A_21, %add3A_22 : i32
    %sub3A_24 = arith.constant 1 : i32
    %sub3A_25 = arith.subi %add3A_23, %sub3A_24 : i32
    %jit3A_26 = arith.constant 3200 : i32
    %div3A_27 = arith.divsi %sub3A_25, %jit3A_26 : i32
    %sign3A_28 = arith.constant 0 : i32
    %sign3A_29 = arith.cmpi sgt, %sub3A_25, %sign3A_28 : i32
    %sign3A_30 = arith.extui %sign3A_29 : i1 to i32
    %sign3A_31 = arith.constant 0 : i32
    %sign3A_32 = arith.cmpi slt, %sub3A_25, %sign3A_31 : i32
    %sign3A_33 = arith.extui %sign3A_32 : i1 to i32
    %sign3A_34 = arith.subi %sign3A_30, %sign3A_33 : i32
    %sign3A_35 = arith.constant 0 : i32
    %sign3A_36 = arith.cmpi sgt, %jit3A_26, %sign3A_35 : i32
    %sign3A_37 = arith.extui %sign3A_36 : i1 to i32
    %sign3A_38 = arith.constant 0 : i32
    %sign3A_39 = arith.cmpi slt, %jit3A_26, %sign3A_38 : i32
    %sign3A_40 = arith.extui %sign3A_39 : i1 to i32
    %sign3A_41 = arith.subi %sign3A_37, %sign3A_40 : i32
    %ne3A_42 = arith.cmpi ne, %sign3A_34, %sign3A_41 : i32
    %rem3A_43 = arith.remsi %sub3A_25, %jit3A_26 : i32
    %ne3A_44 = arith.constant 0 : i32
    %ne3A_45 = arith.cmpi ne, %rem3A_43, %ne3A_44 : i32
    %and3A_46 = arith.andi %ne3A_42, %ne3A_45 : i1
    %sub3A_47 = arith.constant 1 : i32
    %sub3A_48 = arith.subi %div3A_27, %sub3A_47 : i32
    %select_n3A_49 = arith.select %and3A_46, %sub3A_48, %div3A_27 : i32
    %broadcast_in_dim3A = arith.constant 0.000000e+00 : f32
    %broadcast_in_dim3A_50 = vector.broadcast %broadcast_in_dim3A : f32 to vector<256x64xf32>
    %while3A = arith.constant 0 : i32
    %while3A_51 = arith.subi %select_n3A_49, %while3A : i32
    %while3A_52 = arith.addi %while3A, %while3A_51 : i32
    %while3A_53 = arith.constant 1 : i32
    %while3A_54 = arith.divsi %while3A_51, %while3A_53 : i32
    %while3A_55 = arith.muli %while3A_54, %while3A_53 : i32
    %while3A_56 = arith.addi %while3A, %while3A_55 : i32
    %while3A_57 = arith.constant 1 : i32
    %while3A_58 = scf.for %while3A_81 = %while3A to %while3A_56 step %while3A_57 iter_args(%while3A_82 = %broadcast_in_dim3A_50) -> (vector<256x64xf32>)  : i32 {
      %mul3A_83 = arith.constant 3200 : i32
      %mul3A_84 = arith.muli %while3A_81, %mul3A_83 : i32
      %add3A_85 = arith.addi %mul3A_20, %mul3A_84 : i32
      %multiple_of3A = tpu.assume_multiple %add3A_85, 8 : i32
      %dma_start3A = arith.constant 0 : i32
      %dma_start3A_86 = tpu.memref_slice %arg2[%multiple_of3A, %dma_start3A] : memref<1603200x8xf32, #tpu.memory_space<any>> -> memref<3200x8xf32, #tpu.memory_space<any>>
      tpu.enqueue_dma source(%dma_start3A_86 : memref<3200x8xf32, #tpu.memory_space<any>>) target(%arg16 : memref<3200x8xf32, #tpu.memory_space<vmem>>) target_semaphore(%arg19 : memref<!tpu.dma_semaphore, #tpu.memory_space<semaphore_mem>>)
      %dma_start3A_87 = arith.constant 0 : i32
      %dma_start3A_88 = tpu.memref_slice %arg3[%multiple_of3A, %dma_start3A_87] : memref<1603200x8xf32, #tpu.memory_space<any>> -> memref<3200x8xf32, #tpu.memory_space<any>>
      tpu.enqueue_dma source(%dma_start3A_88 : memref<3200x8xf32, #tpu.memory_space<any>>) target(%arg17 : memref<3200x8xf32, #tpu.memory_space<vmem>>) target_semaphore(%arg20 : memref<!tpu.dma_semaphore, #tpu.memory_space<semaphore_mem>>)
      %dma_start3A_89 = arith.constant 0 : i32
      %dma_start3A_90 = tpu.memref_slice %arg4[%multiple_of3A, %dma_start3A_89] : memref<1603200x1xi32, #tpu.memory_space<any>> -> memref<3200x1xi32, #tpu.memory_space<any>>
      tpu.enqueue_dma source(%dma_start3A_90 : memref<3200x1xi32, #tpu.memory_space<any>>) target(%arg18 : memref<3200x1xi32, #tpu.memory_space<vmem>>) target_semaphore(%arg21 : memref<!tpu.dma_semaphore, #tpu.memory_space<semaphore_mem>>)
      %dma_wait3A = arith.constant 0 : i32
      %dma_wait3A_91 = tpu.memref_slice %arg2[%multiple_of3A, %dma_wait3A] : memref<1603200x8xf32, #tpu.memory_space<any>> -> memref<3200x8xf32, #tpu.memory_space<any>>
      tpu.wait_dma2 semaphore(%arg19 : memref<!tpu.dma_semaphore, #tpu.memory_space<semaphore_mem>>) src(%dma_wait3A_91 : memref<3200x8xf32, #tpu.memory_space<any>>) dst(%arg16 : memref<3200x8xf32, #tpu.memory_space<vmem>>)
      %dma_wait3A_92 = arith.constant 0 : i32
      %dma_wait3A_93 = tpu.memref_slice %arg3[%multiple_of3A, %dma_wait3A_92] : memref<1603200x8xf32, #tpu.memory_space<any>> -> memref<3200x8xf32, #tpu.memory_space<any>>
      tpu.wait_dma2 semaphore(%arg20 : memref<!tpu.dma_semaphore, #tpu.memory_space<semaphore_mem>>) src(%dma_wait3A_93 : memref<3200x8xf32, #tpu.memory_space<any>>) dst(%arg17 : memref<3200x8xf32, #tpu.memory_space<vmem>>)
      %dma_wait3A_94 = arith.constant 0 : i32
      %dma_wait3A_95 = tpu.memref_slice %arg4[%multiple_of3A, %dma_wait3A_94] : memref<1603200x1xi32, #tpu.memory_space<any>> -> memref<3200x1xi32, #tpu.memory_space<any>>
      tpu.wait_dma2 semaphore(%arg21 : memref<!tpu.dma_semaphore, #tpu.memory_space<semaphore_mem>>) src(%dma_wait3A_95 : memref<3200x1xi32, #tpu.memory_space<any>>) dst(%arg18 : memref<3200x1xi32, #tpu.memory_space<vmem>>)
      %get3A_96 = arith.constant 0 : index
      %get3A_97 = arith.constant 0 : index
      %get3A_98 = vector.load %arg16[%get3A_96, %get3A_97] : memref<3200x8xf32, #tpu.memory_space<vmem>>, vector<3200x8xf32>
      %get3A_99 = arith.constant 0 : index
      %get3A_100 = arith.constant 0 : index
      %get3A_101 = vector.load %arg17[%get3A_99, %get3A_100] : memref<3200x8xf32, #tpu.memory_space<vmem>>, vector<3200x8xf32>
      %concatenate3A = tpu.concatenate %get3A_98, %get3A_101 in 1 : vector<3200x8xf32>, vector<3200x8xf32> -> vector<3200x16xf32>
      %get3A_102 = arith.constant 0 : index
      %get3A_103 = arith.constant 0 : index
      %get3A_104 = vector.load %arg5[%get3A_102, %get3A_103] : memref<16x64xf32, #tpu.memory_space<vmem>>, vector<16x64xf32>
      %dot_general3A_105 = arith.constant dense<0.000000e+00> : vector<3200x64xf32>
      %dot_general3A_106 = tpu.matmul %concatenate3A, %get3A_104, %dot_general3A_105 {dimension_numbers = #tpu.dot_dimension_numbers<[1], [0], [0], [1], [0, 0, 1, 1], [], []>, transpose_lhs_hint = false} : vector<3200x16xf32>, vector<16x64xf32>, vector<3200x64xf32> -> vector<3200x64xf32>
      %get3A_107 = arith.constant 0 : index
      %get3A_108 = arith.constant 0 : index
      %get3A_109 = vector.load %arg6[%get3A_107, %get3A_108] : memref<1x64xf32, #tpu.memory_space<vmem>>, vector<1x64xf32>
      %add3A_110 = vector.broadcast %get3A_109 : vector<1x64xf32> to vector<3200x64xf32>
      %add3A_111 = arith.addf %dot_general3A_106, %add3A_110 : vector<3200x64xf32>
      %ge3A = arith.constant 0.000000e+00 : f32
      %ge3A_112 = vector.broadcast %ge3A : f32 to vector<3200x64xf32>
      %ge3A_113 = arith.cmpf oge, %add3A_111, %ge3A_112 : vector<3200x64xf32>
      %mul3A_114 = arith.constant 0.00999999977 : f32
      %mul3A_115 = vector.broadcast %mul3A_114 : f32 to vector<3200x64xf32>
      %mul3A_116 = arith.mulf %mul3A_115, %add3A_111 : vector<3200x64xf32>
      %select_n3A_117 = arith.select %ge3A_113, %add3A_111, %mul3A_116 : vector<3200x64xi1>, vector<3200x64xf32>
      %get3A_118 = arith.constant 0 : index
      %get3A_119 = arith.constant 0 : index
      %get3A_120 = vector.load %arg7[%get3A_118, %get3A_119] : memref<1x64xf32, #tpu.memory_space<vmem>>, vector<1x64xf32>
      %sub3A_121 = vector.broadcast %get3A_120 : vector<1x64xf32> to vector<3200x64xf32>
      %sub3A_122 = arith.subf %select_n3A_117, %sub3A_121 : vector<3200x64xf32>
      %get3A_123 = arith.constant 0 : index
      %get3A_124 = arith.constant 0 : index
      %get3A_125 = vector.load %arg8[%get3A_123, %get3A_124] : memref<1x64xf32, #tpu.memory_space<vmem>>, vector<1x64xf32>
      %div3A_126 = vector.broadcast %get3A_125 : vector<1x64xf32> to vector<3200x64xf32>
      %div3A_127 = arith.divf %sub3A_122, %div3A_126 : vector<3200x64xf32>
      %get3A_128 = arith.constant 0 : index
      %get3A_129 = arith.constant 0 : index
      %get3A_130 = vector.load %arg9[%get3A_128, %get3A_129] : memref<1x64xf32, #tpu.memory_space<vmem>>, vector<1x64xf32>
      %mul3A_131 = vector.broadcast %get3A_130 : vector<1x64xf32> to vector<3200x64xf32>
      %mul3A_132 = arith.mulf %div3A_127, %mul3A_131 : vector<3200x64xf32>
      %get3A_133 = arith.constant 0 : index
      %get3A_134 = arith.constant 0 : index
      %get3A_135 = vector.load %arg10[%get3A_133, %get3A_134] : memref<1x64xf32, #tpu.memory_space<vmem>>, vector<1x64xf32>
      %add3A_136 = vector.broadcast %get3A_135 : vector<1x64xf32> to vector<3200x64xf32>
      %add3A_137 = arith.addf %mul3A_132, %add3A_136 : vector<3200x64xf32>
      %get3A_138 = arith.constant 0 : index
      %get3A_139 = arith.constant 0 : index
      %get3A_140 = vector.load %arg11[%get3A_138, %get3A_139] : memref<64x64xf32, #tpu.memory_space<vmem>>, vector<64x64xf32>
      %dot_general3A_141 = arith.constant dense<0.000000e+00> : vector<3200x64xf32>
      %dot_general3A_142 = tpu.matmul %add3A_137, %get3A_140, %dot_general3A_141 {dimension_numbers = #tpu.dot_dimension_numbers<[1], [0], [0], [1], [0, 0, 1, 1], [], []>, transpose_lhs_hint = false} : vector<3200x64xf32>, vector<64x64xf32>, vector<3200x64xf32> -> vector<3200x64xf32>
      %get3A_143 = arith.constant 0 : index
      %get3A_144 = arith.constant 0 : index
      %get3A_145 = vector.load %arg12[%get3A_143, %get3A_144] : memref<1x64xf32, #tpu.memory_space<vmem>>, vector<1x64xf32>
      %add3A_146 = vector.broadcast %get3A_145 : vector<1x64xf32> to vector<3200x64xf32>
      %add3A_147 = arith.addf %dot_general3A_142, %add3A_146 : vector<3200x64xf32>
      %iota3A_148 = tpu.iota {dimensions = array<i32: 0>} : vector<3200x1xi32>
      %add3A_149 = vector.broadcast %multiple_of3A : i32 to vector<3200x1xi32>
      %add3A_150 = arith.addi %add3A_149, %iota3A_148 : vector<3200x1xi32>
      %ge3A_151 = vector.broadcast %get3A_0 : i32 to vector<3200x1xi32>
      %ge3A_152 = arith.cmpi sge, %add3A_150, %ge3A_151 : vector<3200x1xi32>
      %lt3A = vector.broadcast %get3A_3 : i32 to vector<3200x1xi32>
      %lt3A_153 = arith.cmpi slt, %add3A_150, %lt3A : vector<3200x1xi32>
      %and3A_154 = arith.andi %ge3A_152, %lt3A_153 : vector<3200x1xi1>
      %jit3A_155 = arith.constant 0.000000e+00 : f32
      %broadcast_in_dim3A_156 = vector.shape_cast %and3A_154 : vector<3200x1xi1> to vector<3200x1xi1>
      %broadcast_in_dim3A_157 = vector.broadcast %broadcast_in_dim3A_156 : vector<3200x1xi1> to vector<3200x64xi1>
      %broadcast_in_dim3A_158 = vector.broadcast %jit3A_155 : f32 to vector<3200x64xf32>
      %select_n3A_159 = arith.select %broadcast_in_dim3A_157, %add3A_147, %broadcast_in_dim3A_158 : vector<3200x64xi1>, vector<3200x64xf32>
      %get3A_160 = arith.constant 0 : index
      %get3A_161 = arith.constant 0 : index
      %get3A_162 = vector.load %arg18[%get3A_160, %get3A_161] : memref<3200x1xi32, #tpu.memory_space<vmem>>, vector<3200x1xi32>
      %mul3A_163 = arith.constant 256 : i32
      %mul3A_164 = arith.muli %arg0, %mul3A_163 : i32
      %sub3A_165 = vector.broadcast %mul3A_164 : i32 to vector<3200x1xi32>
      %sub3A_166 = arith.subi %get3A_162, %sub3A_165 : vector<3200x1xi32>
      %jit3A_167 = arith.constant 0 : i32
      %jit3A_168 = arith.constant 255 : i32
      %max3A = vector.broadcast %jit3A_167 : i32 to vector<3200x1xi32>
      %max3A_169 = arith.maxsi %max3A, %sub3A_166 : vector<3200x1xi32>
      %min3A = vector.broadcast %jit3A_168 : i32 to vector<3200x1xi32>
      %min3A_170 = arith.minsi %min3A, %max3A_169 : vector<3200x1xi32>
      %iota3A_171 = tpu.iota {dimensions = array<i32: 1>} : vector<1x256xi32>
      %eq3A_172 = vector.broadcast %min3A_170 : vector<3200x1xi32> to vector<3200x256xi32>
      %eq3A_173 = vector.broadcast %iota3A_171 : vector<1x256xi32> to vector<3200x256xi32>
      %eq3A_174 = arith.cmpi eq, %eq3A_172, %eq3A_173 : vector<3200x256xi32>
      %convert_element_type3A_175 = arith.extui %eq3A_174 : vector<3200x256xi1> to vector<3200x256xi32>
      %convert_element_type3A_176 = arith.sitofp %convert_element_type3A_175 : vector<3200x256xi32> to vector<3200x256xf32>
      %dot_general3A_177 = arith.constant dense<0.000000e+00> : vector<256x64xf32>
      %dot_general3A_178 = tpu.matmul %convert_element_type3A_176, %select_n3A_159, %dot_general3A_177 {dimension_numbers = #tpu.dot_dimension_numbers<[0], [0], [1], [1], [0, 1, 1, 1], [], []>, precision = #tpu.contract_precision<fp32>, transpose_lhs_hint = false} : vector<3200x256xf32>, vector<3200x64xf32>, vector<256x64xf32> -> vector<256x64xf32>
      %add3A_179 = arith.addf %while3A_82, %dot_general3A_178 : vector<256x64xf32>
      scf.yield %add3A_179 : vector<256x64xf32>
    }
    %while3A_59 = arith.constant 1 : i32
    %while3A_60 = scf.for %while3A_81 = %while3A_56 to %while3A_52 step %while3A_59 iter_args(%while3A_82 = %while3A_58) -> (vector<256x64xf32>)  : i32 {
      %mul3A_83 = arith.constant 3200 : i32
      %mul3A_84 = arith.muli %while3A_81, %mul3A_83 : i32
      %add3A_85 = arith.addi %mul3A_20, %mul3A_84 : i32
      %multiple_of3A = tpu.assume_multiple %add3A_85, 8 : i32
      %dma_start3A = arith.constant 0 : i32
      %dma_start3A_86 = tpu.memref_slice %arg2[%multiple_of3A, %dma_start3A] : memref<1603200x8xf32, #tpu.memory_space<any>> -> memref<3200x8xf32, #tpu.memory_space<any>>
      tpu.enqueue_dma source(%dma_start3A_86 : memref<3200x8xf32, #tpu.memory_space<any>>) target(%arg16 : memref<3200x8xf32, #tpu.memory_space<vmem>>) target_semaphore(%arg19 : memref<!tpu.dma_semaphore, #tpu.memory_space<semaphore_mem>>)
      %dma_start3A_87 = arith.constant 0 : i32
      %dma_start3A_88 = tpu.memref_slice %arg3[%multiple_of3A, %dma_start3A_87] : memref<1603200x8xf32, #tpu.memory_space<any>> -> memref<3200x8xf32, #tpu.memory_space<any>>
      tpu.enqueue_dma source(%dma_start3A_88 : memref<3200x8xf32, #tpu.memory_space<any>>) target(%arg17 : memref<3200x8xf32, #tpu.memory_space<vmem>>) target_semaphore(%arg20 : memref<!tpu.dma_semaphore, #tpu.memory_space<semaphore_mem>>)
      %dma_start3A_89 = arith.constant 0 : i32
      %dma_start3A_90 = tpu.memref_slice %arg4[%multiple_of3A, %dma_start3A_89] : memref<1603200x1xi32, #tpu.memory_space<any>> -> memref<3200x1xi32, #tpu.memory_space<any>>
      tpu.enqueue_dma source(%dma_start3A_90 : memref<3200x1xi32, #tpu.memory_space<any>>) target(%arg18 : memref<3200x1xi32, #tpu.memory_space<vmem>>) target_semaphore(%arg21 : memref<!tpu.dma_semaphore, #tpu.memory_space<semaphore_mem>>)
      %dma_wait3A = arith.constant 0 : i32
      %dma_wait3A_91 = tpu.memref_slice %arg2[%multiple_of3A, %dma_wait3A] : memref<1603200x8xf32, #tpu.memory_space<any>> -> memref<3200x8xf32, #tpu.memory_space<any>>
      tpu.wait_dma2 semaphore(%arg19 : memref<!tpu.dma_semaphore, #tpu.memory_space<semaphore_mem>>) src(%dma_wait3A_91 : memref<3200x8xf32, #tpu.memory_space<any>>) dst(%arg16 : memref<3200x8xf32, #tpu.memory_space<vmem>>)
      %dma_wait3A_92 = arith.constant 0 : i32
      %dma_wait3A_93 = tpu.memref_slice %arg3[%multiple_of3A, %dma_wait3A_92] : memref<1603200x8xf32, #tpu.memory_space<any>> -> memref<3200x8xf32, #tpu.memory_space<any>>
      tpu.wait_dma2 semaphore(%arg20 : memref<!tpu.dma_semaphore, #tpu.memory_space<semaphore_mem>>) src(%dma_wait3A_93 : memref<3200x8xf32, #tpu.memory_space<any>>) dst(%arg17 : memref<3200x8xf32, #tpu.memory_space<vmem>>)
      %dma_wait3A_94 = arith.constant 0 : i32
      %dma_wait3A_95 = tpu.memref_slice %arg4[%multiple_of3A, %dma_wait3A_94] : memref<1603200x1xi32, #tpu.memory_space<any>> -> memref<3200x1xi32, #tpu.memory_space<any>>
      tpu.wait_dma2 semaphore(%arg21 : memref<!tpu.dma_semaphore, #tpu.memory_space<semaphore_mem>>) src(%dma_wait3A_95 : memref<3200x1xi32, #tpu.memory_space<any>>) dst(%arg18 : memref<3200x1xi32, #tpu.memory_space<vmem>>)
      %get3A_96 = arith.constant 0 : index
      %get3A_97 = arith.constant 0 : index
      %get3A_98 = vector.load %arg16[%get3A_96, %get3A_97] : memref<3200x8xf32, #tpu.memory_space<vmem>>, vector<3200x8xf32>
      %get3A_99 = arith.constant 0 : index
      %get3A_100 = arith.constant 0 : index
      %get3A_101 = vector.load %arg17[%get3A_99, %get3A_100] : memref<3200x8xf32, #tpu.memory_space<vmem>>, vector<3200x8xf32>
      %concatenate3A = tpu.concatenate %get3A_98, %get3A_101 in 1 : vector<3200x8xf32>, vector<3200x8xf32> -> vector<3200x16xf32>
      %get3A_102 = arith.constant 0 : index
      %get3A_103 = arith.constant 0 : index
      %get3A_104 = vector.load %arg5[%get3A_102, %get3A_103] : memref<16x64xf32, #tpu.memory_space<vmem>>, vector<16x64xf32>
      %dot_general3A_105 = arith.constant dense<0.000000e+00> : vector<3200x64xf32>
      %dot_general3A_106 = tpu.matmul %concatenate3A, %get3A_104, %dot_general3A_105 {dimension_numbers = #tpu.dot_dimension_numbers<[1], [0], [0], [1], [0, 0, 1, 1], [], []>, transpose_lhs_hint = false} : vector<3200x16xf32>, vector<16x64xf32>, vector<3200x64xf32> -> vector<3200x64xf32>
      %get3A_107 = arith.constant 0 : index
      %get3A_108 = arith.constant 0 : index
      %get3A_109 = vector.load %arg6[%get3A_107, %get3A_108] : memref<1x64xf32, #tpu.memory_space<vmem>>, vector<1x64xf32>
      %add3A_110 = vector.broadcast %get3A_109 : vector<1x64xf32> to vector<3200x64xf32>
      %add3A_111 = arith.addf %dot_general3A_106, %add3A_110 : vector<3200x64xf32>
      %ge3A = arith.constant 0.000000e+00 : f32
      %ge3A_112 = vector.broadcast %ge3A : f32 to vector<3200x64xf32>
      %ge3A_113 = arith.cmpf oge, %add3A_111, %ge3A_112 : vector<3200x64xf32>
      %mul3A_114 = arith.constant 0.00999999977 : f32
      %mul3A_115 = vector.broadcast %mul3A_114 : f32 to vector<3200x64xf32>
      %mul3A_116 = arith.mulf %mul3A_115, %add3A_111 : vector<3200x64xf32>
      %select_n3A_117 = arith.select %ge3A_113, %add3A_111, %mul3A_116 : vector<3200x64xi1>, vector<3200x64xf32>
      %get3A_118 = arith.constant 0 : index
      %get3A_119 = arith.constant 0 : index
      %get3A_120 = vector.load %arg7[%get3A_118, %get3A_119] : memref<1x64xf32, #tpu.memory_space<vmem>>, vector<1x64xf32>
      %sub3A_121 = vector.broadcast %get3A_120 : vector<1x64xf32> to vector<3200x64xf32>
      %sub3A_122 = arith.subf %select_n3A_117, %sub3A_121 : vector<3200x64xf32>
      %get3A_123 = arith.constant 0 : index
      %get3A_124 = arith.constant 0 : index
      %get3A_125 = vector.load %arg8[%get3A_123, %get3A_124] : memref<1x64xf32, #tpu.memory_space<vmem>>, vector<1x64xf32>
      %div3A_126 = vector.broadcast %get3A_125 : vector<1x64xf32> to vector<3200x64xf32>
      %div3A_127 = arith.divf %sub3A_122, %div3A_126 : vector<3200x64xf32>
      %get3A_128 = arith.constant 0 : index
      %get3A_129 = arith.constant 0 : index
      %get3A_130 = vector.load %arg9[%get3A_128, %get3A_129] : memref<1x64xf32, #tpu.memory_space<vmem>>, vector<1x64xf32>
      %mul3A_131 = vector.broadcast %get3A_130 : vector<1x64xf32> to vector<3200x64xf32>
      %mul3A_132 = arith.mulf %div3A_127, %mul3A_131 : vector<3200x64xf32>
      %get3A_133 = arith.constant 0 : index
      %get3A_134 = arith.constant 0 : index
      %get3A_135 = vector.load %arg10[%get3A_133, %get3A_134] : memref<1x64xf32, #tpu.memory_space<vmem>>, vector<1x64xf32>
      %add3A_136 = vector.broadcast %get3A_135 : vector<1x64xf32> to vector<3200x64xf32>
      %add3A_137 = arith.addf %mul3A_132, %add3A_136 : vector<3200x64xf32>
      %get3A_138 = arith.constant 0 : index
      %get3A_139 = arith.constant 0 : index
      %get3A_140 = vector.load %arg11[%get3A_138, %get3A_139] : memref<64x64xf32, #tpu.memory_space<vmem>>, vector<64x64xf32>
      %dot_general3A_141 = arith.constant dense<0.000000e+00> : vector<3200x64xf32>
      %dot_general3A_142 = tpu.matmul %add3A_137, %get3A_140, %dot_general3A_141 {dimension_numbers = #tpu.dot_dimension_numbers<[1], [0], [0], [1], [0, 0, 1, 1], [], []>, transpose_lhs_hint = false} : vector<3200x64xf32>, vector<64x64xf32>, vector<3200x64xf32> -> vector<3200x64xf32>
      %get3A_143 = arith.constant 0 : index
      %get3A_144 = arith.constant 0 : index
      %get3A_145 = vector.load %arg12[%get3A_143, %get3A_144] : memref<1x64xf32, #tpu.memory_space<vmem>>, vector<1x64xf32>
      %add3A_146 = vector.broadcast %get3A_145 : vector<1x64xf32> to vector<3200x64xf32>
      %add3A_147 = arith.addf %dot_general3A_142, %add3A_146 : vector<3200x64xf32>
      %iota3A_148 = tpu.iota {dimensions = array<i32: 0>} : vector<3200x1xi32>
      %add3A_149 = vector.broadcast %multiple_of3A : i32 to vector<3200x1xi32>
      %add3A_150 = arith.addi %add3A_149, %iota3A_148 : vector<3200x1xi32>
      %ge3A_151 = vector.broadcast %get3A_0 : i32 to vector<3200x1xi32>
      %ge3A_152 = arith.cmpi sge, %add3A_150, %ge3A_151 : vector<3200x1xi32>
      %lt3A = vector.broadcast %get3A_3 : i32 to vector<3200x1xi32>
      %lt3A_153 = arith.cmpi slt, %add3A_150, %lt3A : vector<3200x1xi32>
      %and3A_154 = arith.andi %ge3A_152, %lt3A_153 : vector<3200x1xi1>
      %jit3A_155 = arith.constant 0.000000e+00 : f32
      %broadcast_in_dim3A_156 = vector.shape_cast %and3A_154 : vector<3200x1xi1> to vector<3200x1xi1>
      %broadcast_in_dim3A_157 = vector.broadcast %broadcast_in_dim3A_156 : vector<3200x1xi1> to vector<3200x64xi1>
      %broadcast_in_dim3A_158 = vector.broadcast %jit3A_155 : f32 to vector<3200x64xf32>
      %select_n3A_159 = arith.select %broadcast_in_dim3A_157, %add3A_147, %broadcast_in_dim3A_158 : vector<3200x64xi1>, vector<3200x64xf32>
      %get3A_160 = arith.constant 0 : index
      %get3A_161 = arith.constant 0 : index
      %get3A_162 = vector.load %arg18[%get3A_160, %get3A_161] : memref<3200x1xi32, #tpu.memory_space<vmem>>, vector<3200x1xi32>
      %mul3A_163 = arith.constant 256 : i32
      %mul3A_164 = arith.muli %arg0, %mul3A_163 : i32
      %sub3A_165 = vector.broadcast %mul3A_164 : i32 to vector<3200x1xi32>
      %sub3A_166 = arith.subi %get3A_162, %sub3A_165 : vector<3200x1xi32>
      %jit3A_167 = arith.constant 0 : i32
      %jit3A_168 = arith.constant 255 : i32
      %max3A = vector.broadcast %jit3A_167 : i32 to vector<3200x1xi32>
      %max3A_169 = arith.maxsi %max3A, %sub3A_166 : vector<3200x1xi32>
      %min3A = vector.broadcast %jit3A_168 : i32 to vector<3200x1xi32>
      %min3A_170 = arith.minsi %min3A, %max3A_169 : vector<3200x1xi32>
      %iota3A_171 = tpu.iota {dimensions = array<i32: 1>} : vector<1x256xi32>
      %eq3A_172 = vector.broadcast %min3A_170 : vector<3200x1xi32> to vector<3200x256xi32>
      %eq3A_173 = vector.broadcast %iota3A_171 : vector<1x256xi32> to vector<3200x256xi32>
      %eq3A_174 = arith.cmpi eq, %eq3A_172, %eq3A_173 : vector<3200x256xi32>
      %convert_element_type3A_175 = arith.extui %eq3A_174 : vector<3200x256xi1> to vector<3200x256xi32>
      %convert_element_type3A_176 = arith.sitofp %convert_element_type3A_175 : vector<3200x256xi32> to vector<3200x256xf32>
      %dot_general3A_177 = arith.constant dense<0.000000e+00> : vector<256x64xf32>
      %dot_general3A_178 = tpu.matmul %convert_element_type3A_176, %select_n3A_159, %dot_general3A_177 {dimension_numbers = #tpu.dot_dimension_numbers<[0], [0], [1], [1], [0, 1, 1, 1], [], []>, precision = #tpu.contract_precision<fp32>, transpose_lhs_hint = false} : vector<3200x256xf32>, vector<3200x64xf32>, vector<256x64xf32> -> vector<256x64xf32>
      %add3A_179 = arith.addf %while3A_82, %dot_general3A_178 : vector<256x64xf32>
      scf.yield %add3A_179 : vector<256x64xf32>
    }
    %swap3A = arith.constant 0 : index
    %swap3A_61 = arith.constant 0 : index
    %swap3A_62 = vector.load %arg14[%swap3A, %swap3A_61] : memref<256x64xf32, #tpu.memory_space<vmem>>, vector<256x64xf32>
    tpu.vector_store %arg14[%swap3A, %swap3A_61], %while3A_60 {strides = array<i32>} : memref<256x64xf32, #tpu.memory_space<vmem>>, vector<256x64xf32>,
    %get3A_63 = arith.constant 0 : index
    %get3A_64 = arith.constant 0 : index
    %get3A_65 = vector.load %arg13[%get3A_63, %get3A_64] : memref<256x1xi32, #tpu.memory_space<vmem>>, vector<256x1xi32>
    %iota3A = tpu.iota {dimensions = array<i32: 1>} : vector<1x32xi32>
    %eq3A = vector.broadcast %get3A_65 : vector<256x1xi32> to vector<256x32xi32>
    %eq3A_66 = vector.broadcast %iota3A : vector<1x32xi32> to vector<256x32xi32>
    %eq3A_67 = arith.cmpi eq, %eq3A, %eq3A_66 : vector<256x32xi32>
    %convert_element_type3A = arith.extui %eq3A_67 : vector<256x32xi1> to vector<256x32xi32>
    %convert_element_type3A_68 = arith.sitofp %convert_element_type3A : vector<256x32xi32> to vector<256x32xf32>
    %dot_general3A = arith.constant dense<0.000000e+00> : vector<32x64xf32>
    %dot_general3A_69 = tpu.matmul %convert_element_type3A_68, %while3A_60, %dot_general3A {dimension_numbers = #tpu.dot_dimension_numbers<[0], [0], [1], [1], [0, 1, 1, 1], [], []>, precision = #tpu.contract_precision<fp32>, transpose_lhs_hint = false} : vector<256x32xf32>, vector<256x64xf32>, vector<32x64xf32> -> vector<32x64xf32>
    %eq3A_70 = arith.constant 0 : i32
    %eq3A_71 = arith.cmpi eq, %arg0, %eq3A_70 : i32
    %convert_element_type3A_72 = arith.extui %eq3A_71 : i1 to i32
    %cond3A = arith.constant 0 : i32
    %cond3A_73 = arith.cmpi ne, %convert_element_type3A_72, %cond3A : i32
    scf.if %cond3A_73 {
      %broadcast_in_dim3A_81 = arith.constant 0.000000e+00 : f32
      %broadcast_in_dim3A_82 = vector.broadcast %broadcast_in_dim3A_81 : f32 to vector<32x64xf32>
      %swap3A_83 = arith.constant 0 : index
      %swap3A_84 = arith.constant 0 : index
      %swap3A_85 = vector.load %arg15[%swap3A_83, %swap3A_84] : memref<32x64xf32, #tpu.memory_space<vmem>>, vector<32x64xf32>
      tpu.vector_store %arg15[%swap3A_83, %swap3A_84], %broadcast_in_dim3A_82 {strides = array<i32>} : memref<32x64xf32, #tpu.memory_space<vmem>>, vector<32x64xf32>,
    } else {
    }
    %get3A_74 = arith.constant 0 : index
    %get3A_75 = arith.constant 0 : index
    %get3A_76 = vector.load %arg15[%get3A_74, %get3A_75] : memref<32x64xf32, #tpu.memory_space<vmem>>, vector<32x64xf32>
    %add3A_77 = arith.addf %get3A_76, %dot_general3A_69 : vector<32x64xf32>
    %swap3A_78 = arith.constant 0 : index
    %swap3A_79 = arith.constant 0 : index
    %swap3A_80 = vector.load %arg15[%swap3A_78, %swap3A_79] : memref<32x64xf32, #tpu.memory_space<vmem>>, vector<32x64xf32>
    tpu.vector_store %arg15[%swap3A_78, %swap3A_79], %add3A_77 {strides = array<i32>} : memref<32x64xf32, #tpu.memory_space<vmem>>, vector<32x64xf32>,
    return
  }
  func.func @transform_3(%arg0: i32, %arg1: memref<197xi32, #tpu.memory_space<smem>>) -> (i32, i32) {
    %c0_i32 = arith.constant 0 : i32
    %c0_i32_0 = arith.constant 0 : i32
    %c0_i32_1 = arith.constant 0 : i32
    return %c0_i32, %c0_i32_0 : i32, i32
  }
  func.func @transform_4(%arg0: i32, %arg1: memref<197xi32, #tpu.memory_space<smem>>) -> (i32, i32) {
    %c0_i32 = arith.constant 0 : i32
    %c0_i32_0 = arith.constant 0 : i32
    %c0_i32_1 = arith.constant 0 : i32
    return %c0_i32, %c0_i32_0 : i32, i32
  }
  func.func @transform_5(%arg0: i32, %arg1: memref<197xi32, #tpu.memory_space<smem>>) -> (i32, i32) {
    %c0_i32 = arith.constant 0 : i32
    %c0_i32_0 = arith.constant 0 : i32
    %c0_i32_1 = arith.constant 0 : i32
    return %c0_i32, %c0_i32_0 : i32, i32
  }
  func.func @transform_6(%arg0: i32, %arg1: memref<197xi32, #tpu.memory_space<smem>>) -> (i32, i32) {
    %c0_i32 = arith.constant 0 : i32
    %c0_i32_0 = arith.constant 0 : i32
    %c0_i32_1 = arith.constant 0 : i32
    return %c0_i32, %c0_i32_0 : i32, i32
  }
  func.func @transform_7(%arg0: i32, %arg1: memref<197xi32, #tpu.memory_space<smem>>) -> (i32, i32) {
    %c0_i32 = arith.constant 0 : i32
    %c0_i32_0 = arith.constant 0 : i32
    %c0_i32_1 = arith.constant 0 : i32
    return %c0_i32, %c0_i32_0 : i32, i32
  }
  func.func @transform_8(%arg0: i32, %arg1: memref<197xi32, #tpu.memory_space<smem>>) -> (i32, i32) {
    %c0_i32 = arith.constant 0 : i32
    %c0_i32_0 = arith.constant 0 : i32
    %c0_i32_1 = arith.constant 0 : i32
    return %c0_i32, %c0_i32_0 : i32, i32
  }
  func.func @transform_9(%arg0: i32, %arg1: memref<197xi32, #tpu.memory_space<smem>>) -> (i32, i32) {
    %c0_i32 = arith.constant 0 : i32
    %c0_i32_0 = arith.constant 0 : i32
    %c0_i32_1 = arith.constant 0 : i32
    return %c0_i32, %c0_i32_0 : i32, i32
  }
  func.func @transform_10(%arg0: i32, %arg1: memref<197xi32, #tpu.memory_space<smem>>) -> (i32, i32) {
    %c0_i32 = arith.constant 0 : i32
    %c0_i32_0 = arith.constant 0 : i32
    %c0_i32_1 = arith.constant 0 : i32
    return %c0_i32, %c0_i32_0 : i32, i32
  }
  func.func @transform_11(%arg0: i32, %arg1: memref<197xi32, #tpu.memory_space<smem>>) -> (i32, i32) {
    %c0_i32 = arith.constant 0 : i32
    %c0_i32_0 = arith.constant 0 : i32
    return %arg0, %c0_i32 : i32, i32
  }
  func.func @transform_12(%arg0: i32, %arg1: memref<197xi32, #tpu.memory_space<smem>>) -> (i32, i32) {
    %c0_i32 = arith.constant 0 : i32
    %c0_i32_0 = arith.constant 0 : i32
    return %arg0, %c0_i32 : i32, i32
  }
  func.func @transform_13(%arg0: i32, %arg1: memref<197xi32, #tpu.memory_space<smem>>) -> (i32, i32) {
    %c0_i32 = arith.constant 0 : i32
    %c0_i32_0 = arith.constant 0 : i32
    %c0_i32_1 = arith.constant 0 : i32
    return %c0_i32, %c0_i32_0 : i32, i32
  }
}

module attributes {stable_mosaic.version = 14 : i64} {
  func.func @_global_body(%arg0: memref<32x8xf32, #tpu.memory_space<vmem>>, %arg1: memref<32x64xf32, #tpu.memory_space<vmem>>, %arg2: memref<72x64xf32, #tpu.memory_space<vmem>>, %arg3: memref<1x64xf32, #tpu.memory_space<vmem>>, %arg4: memref<1x64xf32, #tpu.memory_space<vmem>>, %arg5: memref<1x64xf32, #tpu.memory_space<vmem>>, %arg6: memref<64x64xf32, #tpu.memory_space<vmem>>, %arg7: memref<1x64xf32, #tpu.memory_space<vmem>>, %arg8: memref<1x64xf32, #tpu.memory_space<vmem>>, %arg9: memref<1x64xf32, #tpu.memory_space<vmem>>, %arg10: memref<64x64xf32, #tpu.memory_space<vmem>>, %arg11: memref<1x64xf32, #tpu.memory_space<vmem>>, %arg12: memref<1x64xf32, #tpu.memory_space<vmem>>, %arg13: memref<1x64xf32, #tpu.memory_space<vmem>>, %arg14: memref<64x64xf32, #tpu.memory_space<vmem>>, %arg15: memref<1x64xf32, #tpu.memory_space<vmem>>, %arg16: memref<32x64xf32, #tpu.memory_space<vmem>>) attributes {dimension_semantics = [], scalar_prefetch = 0 : i64, scratch_operands = 0 : i64, tpu.core_type = #tpu.core_type<tc>} {
    %get3A = arith.constant 0 : index
    %get3A_0 = arith.constant 0 : index
    %get3A_1 = vector.load %arg0[%get3A, %get3A_0] : memref<32x8xf32, #tpu.memory_space<vmem>>, vector<32x8xf32>
    %get3A_2 = arith.constant 0 : index
    %get3A_3 = arith.constant 0 : index
    %get3A_4 = vector.load %arg1[%get3A_2, %get3A_3] : memref<32x64xf32, #tpu.memory_space<vmem>>, vector<32x64xf32>
    %concatenate3A = tpu.concatenate %get3A_1, %get3A_4 in 1 : vector<32x8xf32>, vector<32x64xf32> -> vector<32x72xf32>
    %iota3A = tpu.iota {dimensions = array<i32: 0>} : vector<32x1xi32>
    %lt3A = arith.constant 30 : i32
    %lt3A_5 = vector.broadcast %lt3A : i32 to vector<32x1xi32>
    %lt3A_6 = arith.cmpi slt, %iota3A, %lt3A_5 : vector<32x1xi32>
    %get3A_7 = arith.constant 0 : index
    %get3A_8 = arith.constant 0 : index
    %get3A_9 = vector.load %arg2[%get3A_7, %get3A_8] : memref<72x64xf32, #tpu.memory_space<vmem>>, vector<72x64xf32>
    %dot_general3A = arith.constant dense<0.000000e+00> : vector<32x64xf32>
    %dot_general3A_10 = tpu.matmul %concatenate3A, %get3A_9, %dot_general3A {dimension_numbers = #tpu.dot_dimension_numbers<[1], [0], [0], [1], [0, 0, 1, 1], [], []>, transpose_lhs_hint = false} : vector<32x72xf32>, vector<72x64xf32>, vector<32x64xf32> -> vector<32x64xf32>
    %get3A_11 = arith.constant 0 : index
    %get3A_12 = arith.constant 0 : index
    %get3A_13 = vector.load %arg3[%get3A_11, %get3A_12] : memref<1x64xf32, #tpu.memory_space<vmem>>, vector<1x64xf32>
    %add3A = vector.broadcast %get3A_13 : vector<1x64xf32> to vector<32x64xf32>
    %add3A_14 = arith.addf %dot_general3A_10, %add3A : vector<32x64xf32>
    %ge3A = arith.constant 0.000000e+00 : f32
    %ge3A_15 = vector.broadcast %ge3A : f32 to vector<32x64xf32>
    %ge3A_16 = arith.cmpf oge, %add3A_14, %ge3A_15 : vector<32x64xf32>
    %mul3A = arith.constant 0.00999999977 : f32
    %mul3A_17 = vector.broadcast %mul3A : f32 to vector<32x64xf32>
    %mul3A_18 = arith.mulf %mul3A_17, %add3A_14 : vector<32x64xf32>
    %select_n3A = arith.select %ge3A_16, %add3A_14, %mul3A_18 : vector<32x64xi1>, vector<32x64xf32>
    %jit3A = arith.constant 0.000000e+00 : f32
    %broadcast_in_dim3A = vector.shape_cast %lt3A_6 : vector<32x1xi1> to vector<32x1xi1>
    %broadcast_in_dim3A_19 = vector.broadcast %broadcast_in_dim3A : vector<32x1xi1> to vector<32x64xi1>
    %broadcast_in_dim3A_20 = vector.broadcast %jit3A : f32 to vector<32x64xf32>
    %select_n3A_21 = arith.select %broadcast_in_dim3A_19, %select_n3A, %broadcast_in_dim3A_20 : vector<32x64xi1>, vector<32x64xf32>
    %reduce_sum3A = arith.constant dense<0.000000e+00> : vector<64xf32>
    %reduce_sum3A_22 = vector.multi_reduction <add>, %select_n3A_21, %reduce_sum3A [0] : vector<32x64xf32> to vector<64xf32>
    %broadcast_in_dim3A_23 = vector.shape_cast %reduce_sum3A_22 : vector<64xf32> to vector<1x64xf32>
    %div3A = arith.constant 3.000000e+01 : f32
    %div3A_24 = vector.broadcast %div3A : f32 to vector<1x64xf32>
    %div3A_25 = arith.divf %broadcast_in_dim3A_23, %div3A_24 : vector<1x64xf32>
    %mul3A_26 = arith.mulf %select_n3A_21, %select_n3A_21 : vector<32x64xf32>
    %reduce_sum3A_27 = arith.constant dense<0.000000e+00> : vector<64xf32>
    %reduce_sum3A_28 = vector.multi_reduction <add>, %mul3A_26, %reduce_sum3A_27 [0] : vector<32x64xf32> to vector<64xf32>
    %broadcast_in_dim3A_29 = vector.shape_cast %reduce_sum3A_28 : vector<64xf32> to vector<1x64xf32>
    %div3A_30 = arith.constant 3.000000e+01 : f32
    %div3A_31 = vector.broadcast %div3A_30 : f32 to vector<1x64xf32>
    %div3A_32 = arith.divf %broadcast_in_dim3A_29, %div3A_31 : vector<1x64xf32>
    %mul3A_33 = arith.mulf %div3A_25, %div3A_25 : vector<1x64xf32>
    %sub3A = arith.subf %div3A_32, %mul3A_33 : vector<1x64xf32>
    %sub3A_34 = vector.broadcast %div3A_25 : vector<1x64xf32> to vector<32x64xf32>
    %sub3A_35 = arith.subf %select_n3A, %sub3A_34 : vector<32x64xf32>
    %add3A_36 = arith.constant 9.99999974E-6 : f32
    %add3A_37 = vector.broadcast %add3A_36 : f32 to vector<1x64xf32>
    %add3A_38 = arith.addf %sub3A, %add3A_37 : vector<1x64xf32>
    %sqrt3A = math.sqrt %add3A_38 : vector<1x64xf32>
    %div3A_39 = vector.broadcast %sqrt3A : vector<1x64xf32> to vector<32x64xf32>
    %div3A_40 = arith.divf %sub3A_35, %div3A_39 : vector<32x64xf32>
    %get3A_41 = arith.constant 0 : index
    %get3A_42 = arith.constant 0 : index
    %get3A_43 = vector.load %arg4[%get3A_41, %get3A_42] : memref<1x64xf32, #tpu.memory_space<vmem>>, vector<1x64xf32>
    %mul3A_44 = vector.broadcast %get3A_43 : vector<1x64xf32> to vector<32x64xf32>
    %mul3A_45 = arith.mulf %div3A_40, %mul3A_44 : vector<32x64xf32>
    %get3A_46 = arith.constant 0 : index
    %get3A_47 = arith.constant 0 : index
    %get3A_48 = vector.load %arg5[%get3A_46, %get3A_47] : memref<1x64xf32, #tpu.memory_space<vmem>>, vector<1x64xf32>
    %add3A_49 = vector.broadcast %get3A_48 : vector<1x64xf32> to vector<32x64xf32>
    %add3A_50 = arith.addf %mul3A_45, %add3A_49 : vector<32x64xf32>
    %get3A_51 = arith.constant 0 : index
    %get3A_52 = arith.constant 0 : index
    %get3A_53 = vector.load %arg6[%get3A_51, %get3A_52] : memref<64x64xf32, #tpu.memory_space<vmem>>, vector<64x64xf32>
    %dot_general3A_54 = arith.constant dense<0.000000e+00> : vector<32x64xf32>
    %dot_general3A_55 = tpu.matmul %add3A_50, %get3A_53, %dot_general3A_54 {dimension_numbers = #tpu.dot_dimension_numbers<[1], [0], [0], [1], [0, 0, 1, 1], [], []>, transpose_lhs_hint = false} : vector<32x64xf32>, vector<64x64xf32>, vector<32x64xf32> -> vector<32x64xf32>
    %get3A_56 = arith.constant 0 : index
    %get3A_57 = arith.constant 0 : index
    %get3A_58 = vector.load %arg7[%get3A_56, %get3A_57] : memref<1x64xf32, #tpu.memory_space<vmem>>, vector<1x64xf32>
    %add3A_59 = vector.broadcast %get3A_58 : vector<1x64xf32> to vector<32x64xf32>
    %add3A_60 = arith.addf %dot_general3A_55, %add3A_59 : vector<32x64xf32>
    %ge3A_61 = arith.constant 0.000000e+00 : f32
    %ge3A_62 = vector.broadcast %ge3A_61 : f32 to vector<32x64xf32>
    %ge3A_63 = arith.cmpf oge, %add3A_60, %ge3A_62 : vector<32x64xf32>
    %mul3A_64 = arith.constant 0.00999999977 : f32
    %mul3A_65 = vector.broadcast %mul3A_64 : f32 to vector<32x64xf32>
    %mul3A_66 = arith.mulf %mul3A_65, %add3A_60 : vector<32x64xf32>
    %select_n3A_67 = arith.select %ge3A_63, %add3A_60, %mul3A_66 : vector<32x64xi1>, vector<32x64xf32>
    %jit3A_68 = arith.constant 0.000000e+00 : f32
    %broadcast_in_dim3A_69 = vector.shape_cast %lt3A_6 : vector<32x1xi1> to vector<32x1xi1>
    %broadcast_in_dim3A_70 = vector.broadcast %broadcast_in_dim3A_69 : vector<32x1xi1> to vector<32x64xi1>
    %broadcast_in_dim3A_71 = vector.broadcast %jit3A_68 : f32 to vector<32x64xf32>
    %select_n3A_72 = arith.select %broadcast_in_dim3A_70, %select_n3A_67, %broadcast_in_dim3A_71 : vector<32x64xi1>, vector<32x64xf32>
    %reduce_sum3A_73 = arith.constant dense<0.000000e+00> : vector<64xf32>
    %reduce_sum3A_74 = vector.multi_reduction <add>, %select_n3A_72, %reduce_sum3A_73 [0] : vector<32x64xf32> to vector<64xf32>
    %broadcast_in_dim3A_75 = vector.shape_cast %reduce_sum3A_74 : vector<64xf32> to vector<1x64xf32>
    %div3A_76 = arith.constant 3.000000e+01 : f32
    %div3A_77 = vector.broadcast %div3A_76 : f32 to vector<1x64xf32>
    %div3A_78 = arith.divf %broadcast_in_dim3A_75, %div3A_77 : vector<1x64xf32>
    %mul3A_79 = arith.mulf %select_n3A_72, %select_n3A_72 : vector<32x64xf32>
    %reduce_sum3A_80 = arith.constant dense<0.000000e+00> : vector<64xf32>
    %reduce_sum3A_81 = vector.multi_reduction <add>, %mul3A_79, %reduce_sum3A_80 [0] : vector<32x64xf32> to vector<64xf32>
    %broadcast_in_dim3A_82 = vector.shape_cast %reduce_sum3A_81 : vector<64xf32> to vector<1x64xf32>
    %div3A_83 = arith.constant 3.000000e+01 : f32
    %div3A_84 = vector.broadcast %div3A_83 : f32 to vector<1x64xf32>
    %div3A_85 = arith.divf %broadcast_in_dim3A_82, %div3A_84 : vector<1x64xf32>
    %mul3A_86 = arith.mulf %div3A_78, %div3A_78 : vector<1x64xf32>
    %sub3A_87 = arith.subf %div3A_85, %mul3A_86 : vector<1x64xf32>
    %sub3A_88 = vector.broadcast %div3A_78 : vector<1x64xf32> to vector<32x64xf32>
    %sub3A_89 = arith.subf %select_n3A_67, %sub3A_88 : vector<32x64xf32>
    %add3A_90 = arith.constant 9.99999974E-6 : f32
    %add3A_91 = vector.broadcast %add3A_90 : f32 to vector<1x64xf32>
    %add3A_92 = arith.addf %sub3A_87, %add3A_91 : vector<1x64xf32>
    %sqrt3A_93 = math.sqrt %add3A_92 : vector<1x64xf32>
    %div3A_94 = vector.broadcast %sqrt3A_93 : vector<1x64xf32> to vector<32x64xf32>
    %div3A_95 = arith.divf %sub3A_89, %div3A_94 : vector<32x64xf32>
    %get3A_96 = arith.constant 0 : index
    %get3A_97 = arith.constant 0 : index
    %get3A_98 = vector.load %arg8[%get3A_96, %get3A_97] : memref<1x64xf32, #tpu.memory_space<vmem>>, vector<1x64xf32>
    %mul3A_99 = vector.broadcast %get3A_98 : vector<1x64xf32> to vector<32x64xf32>
    %mul3A_100 = arith.mulf %div3A_95, %mul3A_99 : vector<32x64xf32>
    %get3A_101 = arith.constant 0 : index
    %get3A_102 = arith.constant 0 : index
    %get3A_103 = vector.load %arg9[%get3A_101, %get3A_102] : memref<1x64xf32, #tpu.memory_space<vmem>>, vector<1x64xf32>
    %add3A_104 = vector.broadcast %get3A_103 : vector<1x64xf32> to vector<32x64xf32>
    %add3A_105 = arith.addf %mul3A_100, %add3A_104 : vector<32x64xf32>
    %get3A_106 = arith.constant 0 : index
    %get3A_107 = arith.constant 0 : index
    %get3A_108 = vector.load %arg10[%get3A_106, %get3A_107] : memref<64x64xf32, #tpu.memory_space<vmem>>, vector<64x64xf32>
    %dot_general3A_109 = arith.constant dense<0.000000e+00> : vector<32x64xf32>
    %dot_general3A_110 = tpu.matmul %add3A_105, %get3A_108, %dot_general3A_109 {dimension_numbers = #tpu.dot_dimension_numbers<[1], [0], [0], [1], [0, 0, 1, 1], [], []>, transpose_lhs_hint = false} : vector<32x64xf32>, vector<64x64xf32>, vector<32x64xf32> -> vector<32x64xf32>
    %get3A_111 = arith.constant 0 : index
    %get3A_112 = arith.constant 0 : index
    %get3A_113 = vector.load %arg11[%get3A_111, %get3A_112] : memref<1x64xf32, #tpu.memory_space<vmem>>, vector<1x64xf32>
    %add3A_114 = vector.broadcast %get3A_113 : vector<1x64xf32> to vector<32x64xf32>
    %add3A_115 = arith.addf %dot_general3A_110, %add3A_114 : vector<32x64xf32>
    %ge3A_116 = arith.constant 0.000000e+00 : f32
    %ge3A_117 = vector.broadcast %ge3A_116 : f32 to vector<32x64xf32>
    %ge3A_118 = arith.cmpf oge, %add3A_115, %ge3A_117 : vector<32x64xf32>
    %mul3A_119 = arith.constant 0.00999999977 : f32
    %mul3A_120 = vector.broadcast %mul3A_119 : f32 to vector<32x64xf32>
    %mul3A_121 = arith.mulf %mul3A_120, %add3A_115 : vector<32x64xf32>
    %select_n3A_122 = arith.select %ge3A_118, %add3A_115, %mul3A_121 : vector<32x64xi1>, vector<32x64xf32>
    %jit3A_123 = arith.constant 0.000000e+00 : f32
    %broadcast_in_dim3A_124 = vector.shape_cast %lt3A_6 : vector<32x1xi1> to vector<32x1xi1>
    %broadcast_in_dim3A_125 = vector.broadcast %broadcast_in_dim3A_124 : vector<32x1xi1> to vector<32x64xi1>
    %broadcast_in_dim3A_126 = vector.broadcast %jit3A_123 : f32 to vector<32x64xf32>
    %select_n3A_127 = arith.select %broadcast_in_dim3A_125, %select_n3A_122, %broadcast_in_dim3A_126 : vector<32x64xi1>, vector<32x64xf32>
    %reduce_sum3A_128 = arith.constant dense<0.000000e+00> : vector<64xf32>
    %reduce_sum3A_129 = vector.multi_reduction <add>, %select_n3A_127, %reduce_sum3A_128 [0] : vector<32x64xf32> to vector<64xf32>
    %broadcast_in_dim3A_130 = vector.shape_cast %reduce_sum3A_129 : vector<64xf32> to vector<1x64xf32>
    %div3A_131 = arith.constant 3.000000e+01 : f32
    %div3A_132 = vector.broadcast %div3A_131 : f32 to vector<1x64xf32>
    %div3A_133 = arith.divf %broadcast_in_dim3A_130, %div3A_132 : vector<1x64xf32>
    %mul3A_134 = arith.mulf %select_n3A_127, %select_n3A_127 : vector<32x64xf32>
    %reduce_sum3A_135 = arith.constant dense<0.000000e+00> : vector<64xf32>
    %reduce_sum3A_136 = vector.multi_reduction <add>, %mul3A_134, %reduce_sum3A_135 [0] : vector<32x64xf32> to vector<64xf32>
    %broadcast_in_dim3A_137 = vector.shape_cast %reduce_sum3A_136 : vector<64xf32> to vector<1x64xf32>
    %div3A_138 = arith.constant 3.000000e+01 : f32
    %div3A_139 = vector.broadcast %div3A_138 : f32 to vector<1x64xf32>
    %div3A_140 = arith.divf %broadcast_in_dim3A_137, %div3A_139 : vector<1x64xf32>
    %mul3A_141 = arith.mulf %div3A_133, %div3A_133 : vector<1x64xf32>
    %sub3A_142 = arith.subf %div3A_140, %mul3A_141 : vector<1x64xf32>
    %sub3A_143 = vector.broadcast %div3A_133 : vector<1x64xf32> to vector<32x64xf32>
    %sub3A_144 = arith.subf %select_n3A_122, %sub3A_143 : vector<32x64xf32>
    %add3A_145 = arith.constant 9.99999974E-6 : f32
    %add3A_146 = vector.broadcast %add3A_145 : f32 to vector<1x64xf32>
    %add3A_147 = arith.addf %sub3A_142, %add3A_146 : vector<1x64xf32>
    %sqrt3A_148 = math.sqrt %add3A_147 : vector<1x64xf32>
    %div3A_149 = vector.broadcast %sqrt3A_148 : vector<1x64xf32> to vector<32x64xf32>
    %div3A_150 = arith.divf %sub3A_144, %div3A_149 : vector<32x64xf32>
    %get3A_151 = arith.constant 0 : index
    %get3A_152 = arith.constant 0 : index
    %get3A_153 = vector.load %arg12[%get3A_151, %get3A_152] : memref<1x64xf32, #tpu.memory_space<vmem>>, vector<1x64xf32>
    %mul3A_154 = vector.broadcast %get3A_153 : vector<1x64xf32> to vector<32x64xf32>
    %mul3A_155 = arith.mulf %div3A_150, %mul3A_154 : vector<32x64xf32>
    %get3A_156 = arith.constant 0 : index
    %get3A_157 = arith.constant 0 : index
    %get3A_158 = vector.load %arg13[%get3A_156, %get3A_157] : memref<1x64xf32, #tpu.memory_space<vmem>>, vector<1x64xf32>
    %add3A_159 = vector.broadcast %get3A_158 : vector<1x64xf32> to vector<32x64xf32>
    %add3A_160 = arith.addf %mul3A_155, %add3A_159 : vector<32x64xf32>
    %get3A_161 = arith.constant 0 : index
    %get3A_162 = arith.constant 0 : index
    %get3A_163 = vector.load %arg14[%get3A_161, %get3A_162] : memref<64x64xf32, #tpu.memory_space<vmem>>, vector<64x64xf32>
    %dot_general3A_164 = arith.constant dense<0.000000e+00> : vector<32x64xf32>
    %dot_general3A_165 = tpu.matmul %add3A_160, %get3A_163, %dot_general3A_164 {dimension_numbers = #tpu.dot_dimension_numbers<[1], [0], [0], [1], [0, 0, 1, 1], [], []>, transpose_lhs_hint = false} : vector<32x64xf32>, vector<64x64xf32>, vector<32x64xf32> -> vector<32x64xf32>
    %get3A_166 = arith.constant 0 : index
    %get3A_167 = arith.constant 0 : index
    %get3A_168 = vector.load %arg15[%get3A_166, %get3A_167] : memref<1x64xf32, #tpu.memory_space<vmem>>, vector<1x64xf32>
    %add3A_169 = vector.broadcast %get3A_168 : vector<1x64xf32> to vector<32x64xf32>
    %add3A_170 = arith.addf %dot_general3A_165, %add3A_169 : vector<32x64xf32>
    %swap3A = arith.constant 0 : index
    %swap3A_171 = arith.constant 0 : index
    %swap3A_172 = vector.load %arg16[%swap3A, %swap3A_171] : memref<32x64xf32, #tpu.memory_space<vmem>>, vector<32x64xf32>
    tpu.vector_store %arg16[%swap3A, %swap3A_171], %add3A_170 {strides = array<i32>} : memref<32x64xf32, #tpu.memory_space<vmem>>, vector<32x64xf32>,
    return
  }
}

</mosaic_0001>

<sc_bundles>
// kernel: gather_offload_async_start.1
scs
__scs_entry_jumppad:
0x0: {  	(pc) =	sbr.rel $0x88, $3  }
0x1: {  	(tag) =	ssettag $0x0;
	lr =	simm.s32 $0x1  }
0x2: {  	[smem:$0x3F77] =	sst lr;
	_ =	strace $0xD0000000  }
0x3: {  	_ = 	snop  }
0x4: {  	_ = 	snop  }
0x5: {  	_ = 	snop  }
0x6: {  	_ = 	snop  }
0x7: {  	_ = 	snop  }
__scs_overlays_trampoline_lowered:
0x8: {  	[smem:$0x3F86] =	sst s0  }
0x9: {  	[smem:$0x3F87] =	sst s1  }
0xa: {  	[smem:$0x3F88] =	sst s2  }
0xb: {  	[smem:$0x3F89] =	sst s3  }
0xc: {  	[smem:$0x3F8A] =	sst s4  }
0xd: {  	[smem:$0x3F8B] =	sst s5  }
0xe: {  	[smem:$0x3F8C] =	sst s6  }
0xf: {  	[smem:$0x3F8D] =	sst s7  }
0x10: {  	[smem:$0x3F8E] =	sst s8  }
0x11: {  	[smem:$0x3F8F] =	sst s9;
	s0 =	simm.s32 @!p0 $0x0  }
0x12: {  	s1 =	sld [smem:$0x3F75];
	s0 =	simm.s32 @p0 $0x1  }
0x13: {  	[smem:$0x3F90] =	sst s0;
	s0 =	simm.s32 @!p1 $0x0  }
0x14: {  	s2 =	sld [smem:$0x3F74];
	s0 =	simm.s32 @p1 $0x1  }
0x15: {  	[smem:$0x3F91] =	sst s0;
	s0 =	simm.s32 @!p2 $0x0  }
0x16: {  	s3 =	sld [smem:$0x3FDB];
	s0 =	simm.s32 @p2 $0x1  }
0x17: {  	s4 =	simm.s32 $0x1BF5;
	[smem:$0x3F93] =	sst s0  }
0x18: {  	s0 =	sld [smem:$0x3F76];
	_ =	swait.ge [sflag:s4], $0x0  }
0x19: {  	s7 =	sld [smem:$0x3F77]  }
0x1a: {  	s8 =	sadd.s32 $0xFFFFE003, lr  }
0x1b: {  	s9 =	sadd.s32 $0xFFFFFEF7, lr;
	s5 =	simm.s32 $0xFFFFFFFF;
	p2 =	slt.u32 s8, $0xFFFFF086  }
0x1c: {  	p1 =	slt.u32 s9, $0xF7A;
	s5 =	simm.s32 @!p2 $0x0  }
0x1d: {  	s5 =	simm.s32 @p1 $0x1;
	p0 =	seq.s32 s7, s2  }
0x1e: {  	s7 =	smul.u32 @!p0 $0xF7A, s2;
	p2 =	seq.s32 @!p0 s5, $0x0  }
0x1f: {  	s9 =	smul.u32 $0xF7A, s1;
	s8 =	simm.s32 @!p0 $0x1BF5;
	p2 =	por !p2, p0  }
0x20: {  	[sflag:s8] =	ssyncset.s32 @!p0 $0xFFFFF086;
	s6 =	sadd.s32 @!p0 s3, s7;
	s7 =	simm.s32 @!p0 $0x108  }
0x21: {  	s3 =	sadd.s32 s3, s9;
	s6 =	sadd.s32 @!p0 $0x88, s6;
	s7 =	simm.s32 @p2 $0x1082  }
0x22: {  	[simem:s7], [sflag:s8] =	dma.local @!p0 [hbm:s6], $0xF7A  }
0x23: {  	s9 =	sor.u32 $0xD0000000, s2;
	s6 =	simm.s32 $0x108;
	_ =	swait.ge @!p0 [sflag:s8], $0x0  }
0x24: {  	s3 =	sadd.s32 $0x88, s3;
	s6 =	simm.s32 @!p1 $0x1082;
	[sflag:s4] =	ssyncset.s32 $0xFFFFF086  }
0x25: {  	[simem:s6], [sflag:s4] =	dma.local [hbm:s3], $0xF7A  }
0x26: {  	[smem:$0x3F77] =	sst s1;
	(tag) =	ssettag s2;
	_ =	strace s9  }
0x27: {  	s1 =	sld [smem:$0x3F87]  }
0x28: {  	s2 =	sld [smem:$0x3F88]  }
0x29: {  	s4 =	sld [smem:$0x3F8A]  }
0x2a: {  	p0 =	seq.s32 s5, $0x0;
	s5 =	sld [smem:$0x3F8B]  }
0x2b: {  	s6 =	sld [smem:$0x3F8C]  }
0x2c: {  	s7 =	sld [smem:$0x3F8D]  }
0x2d: {  	s3 =	simm.s32 $0x108;
	s8 =	sld [smem:$0x3F8E]  }
0x2e: {  	s3 =	simm.s32 @!p0 $0x1082;
	s9 =	sld [smem:$0x3F8F]  }
0x2f: {  	lr =	sadd.s32 s0, s3;
	s0 =	sld [smem:$0x3F86]  }
0x30: {  	s3 =	sld [smem:$0x3F89]  }
0x31: {  	[smem:$0x3F92] =	sst s10  }
0x32: {  	s10 =	sld [smem:$0x3F90];
	_ =	sdelay $0x3  }
0x33: {  	p0 =	seq.s32 s10, $0x1;
	s10 =	sld [smem:$0x3F92];
	_ =	sdelay $0x3  }
0x34: {  	[smem:$0x3F92] =	sst s10  }
0x35: {  	s10 =	sld [smem:$0x3F91];
	_ =	sdelay $0x3  }
0x36: {  	p1 =	seq.s32 s10, $0x1;
	s10 =	sld [smem:$0x3F92];
	_ =	sdelay $0x3  }
0x37: {  	[smem:$0x3F92] =	sst s10  }
0x38: {  	s10 =	sld [smem:$0x3F93]  }
0x39: {  	_ = 	snop;
	(pc) =	sbr.ind lr, $3  }
0x3a: {  	_ = 	snop  }
0x3b: {  	_ = 	snop  }
0x3c: {  	p2 =	seq.s32 s10, $0x1;
	s10 =	sld [smem:$0x3F92]  }
0x3d: {  	_ =	shalt  }
0x3e: {  	_ =	shalt  }
0x3f: {  	_ =	shalt  }
0x40: {  	_ =	shalt  }
0x41: {  	_ =	shalt  }
0x42: {  	_ =	shalt  }
0x43: {  	_ =	shalt  }
0x44: {  	_ =	shalt  }
0x45: {  	_ =	shalt  }
0x46: {  	_ =	shalt  }
0x47: {  	_ =	shalt  }
0x48: {  	_ =	shalt  }
0x49: {  	_ =	shalt  }
0x4a: {  	_ =	shalt  }
0x4b: {  	_ =	shalt  }
0x4c: {  	_ =	shalt  }
0x4d: {  	_ =	shalt  }
0x4e: {  	_ =	shalt  }
0x4f: {  	_ =	shalt  }
0x50: {  	_ =	shalt  }
0x51: {  	_ =	shalt  }
0x52: {  	_ =	shalt  }
0x53: {  	_ =	shalt  }
0x54: {  	_ =	shalt  }
0x55: {  	_ =	shalt  }
0x56: {  	_ =	shalt  }
0x57: {  	_ =	shalt  }
0x58: {  	_ =	shalt  }
0x59: {  	_ =	shalt  }
0x5a: {  	_ =	shalt  }
0x5b: {  	_ =	shalt  }
0x5c: {  	_ =	shalt  }
0x5d: {  	_ =	shalt  }
0x5e: {  	_ =	shalt  }
0x5f: {  	_ =	shalt  }
0x60: {  	_ =	shalt  }
0x61: {  	_ =	shalt  }
0x62: {  	_ =	shalt  }
0x63: {  	_ =	shalt  }
0x64: {  	_ =	shalt  }
0x65: {  	_ =	shalt  }
0x66: {  	_ =	shalt  }
0x67: {  	_ =	shalt  }
0x68: {  	_ =	shalt  }
0x69: {  	_ =	shalt  }
0x6a: {  	_ =	shalt  }
0x6b: {  	_ =	shalt  }
0x6c: {  	_ =	shalt  }
0x6d: {  	_ =	shalt  }
0x6e: {  	_ =	shalt  }
0x6f: {  	_ =	shalt  }
0x70: {  	_ =	shalt  }
0x71: {  	_ =	shalt  }
0x72: {  	_ =	shalt  }
0x73: {  	_ =	shalt  }
0x74: {  	_ =	shalt  }
0x75: {  	_ =	shalt  }
0x76: {  	_ =	shalt  }
0x77: {  	_ =	shalt  }
0x78: {  	_ =	shalt  }
0x79: {  	_ =	shalt  }
0x7a: {  	_ =	shalt  }
0x7b: {  	_ =	shalt  }
0x7c: {  	_ =	shalt  }
0x7d: {  	_ =	shalt  }
0x7e: {  	_ =	shalt  }
0x7f: {  	_ =	shalt  }
0x80: {  	_ =	shalt  }
0x81: {  	_ =	shalt  }
0x82: {  	_ =	shalt  }
0x83: {  	_ =	shalt  }
0x84: {  	_ =	shalt  }
0x85: {  	_ =	shalt  }
0x86: {  	_ =	shalt  }
0x87: {  	_ =	shalt  }
.Lfunc_end0:
.L_simem_size_0:
called_computation.2_lowered:
.L_overlay_start_0:
0x88: {  	s2 =	sld [smem:$0x3FD9]  }
0x89: {  	s3 =	sld [smem:$0x3FFE];
	_ =	sdelay $0x1  }
0x8a: {  	s1 =	srdreg.scid  }
0x8b: {  	s0 =	sand.u32 $0x1, s1  }
0x8c: {  	s16 =	sshll.u32 s0, $0xA;
	s2 =	sadd.s32 s3, s2  }
0x8d: {  	s2 =	sadd.s32 s2, s16  }
0x8e: {  	[smem:$0x3F9E] =	sst s2  }
0x8f: {  	_ = 	snop  }
0x90: {  	(tm) =	ssettm $0x1  }
0x91: {  	s17 =	sld [smem:$0x3FFB];
	_ =	sdelay $0x3  }
0x92: {  	_ =	strace s17  }
0x93: {  	s2 =	sld [smem:$0x3FFC];
	_ =	sdelay $0x3  }
0x94: {  	_ =	strace s2  }
0x95: {  	s2 =	sld [smem:$0x3FFD];
	_ =	sdelay $0x3  }
0x96: {  	_ =	strace s2  }
0x97: {  	_ =	strace $0x8FFFFFFF  }
0x98: {  	s18 =	sld [smem:$0x3FDB];
	_ =	sdelay $0x1  }
0x99: {  	s19 =	simm.s32 $_scs_section_size  }
0x9a: {  	s4 =	simm.s32 $_size__tile_overlayer_lowered;
	s5 =	simm.s32 $_tile_overlayer_lowered  }
0x9b: {  	s22 =	simm.s32 $0x1BFF;
	s21 =	sshll.u32 s5, $0x1;
	s2 =	sadd.s32 s19, s18  }
0x9c: {  	s6 =	simm.s32 $0x0;
	s20 =	sshll.u32 s4, $0x1;
	s4 =	sadd.s32 s21, s2  }
0x9d: {  	[timem:s6], [sflag:s22] =	dma.local [hbm:s4], s20  }
0x9e: {  	_ =	swait.ge [sflag:s22], s20  }
0x9f: {  	s3 =	ssub.s32 $0x0, s20;
	[sflag:s22] =	ssyncset.done $0x0  }
0xa0: {  	[sflag:s22] =	ssyncadd.s32 s3;
	_ =	sdelay $0x1  }
0xa1: {  	s23 =	simm.s32 $0x1B8B  }
0xa2: {  	_ =	swait.ge [sflag:s23], $0x1  }
0xa3: {  	[sflag:s23] =	ssyncset.done $0x0  }
0xa4: {  	s25 =	simm.s32 $0x1B8E;
	s24 =	sld [smem:$0x3FFE];
	[sflag:s23] =	ssyncadd.s32 $0xFFFFFFFF  }
0xa5: {  	s26 =	simm.s32 $execute0_lowered;
	[smem:$0x3FD2] =	sst s25  }
0xa6: {  	s4 =	sshll.u32 s26, $0x1;
	_ =	strace $0x80000046;
	[dreg:$0x1] =	wrdreg $0xFFFFFFFF  }
0xa7: {  	s28 =	simm.s32 $_size_execute0_lowered;
	s2 =	sadd.s32 s2, s4;
	[dreg:$0x0] =	wrdreg $0x0  }
0xa8: {  	s4 =	sshll.u32 s28, $0x1;
	[dreg:$0x2] =	wrdreg s2  }
0xa9: {  	[dreg:$0x3] =	wrdreg s4  }
0xaa: {  	[dreg:$0x4] =	wrdreg $0xC0  }
0xab: {  	_ =	task [dreg:s6], $0x5FFFF  }
0xac: {  	[dreg:$0x1] =	wrdreg $0xFFFFFFFF  }
0xad: {  	[dreg:$0x0] =	wrdreg $0x60  }
0xae: {  	[dreg:$0x2] =	wrdreg s24  }
0xaf: {  	[dreg:$0x3] =	wrdreg $0x9  }
0xb0: {  	_ =	task.clear_ibuf [dreg:s6], $0x4FFFF;
	_ =	strace $0x90000046  }
0xb1: {  	s29 =	simm.s32 $0x9;
	_ =	strace $0x80000048  }
0xb2: {  	_ =	swait.ge [sflag:s29], $0x1  }
0xb3: {  	[sflag:s29] =	ssyncadd.s32 $0xFFFFFFFF  }
0xb4: {  	_ =	strace $0x90000048  }
0xb5: {  	_ =	sfence  }
0xb6: {  	s30 =	sld [smem:$0x0];
	_ =	sdelay $0x2  }
0xb7: {  	s31 =	sshll.u32 s1, $0xD;
	s1 =	sshrl.u32 s1, $0x2  }
0xb8: {  	s3 =	sand.u32 $0x4000, s31;
	s1 =	sadd.s32 s1, s30  }
0xb9: {  	s0 =	sor.u32 s3, s0;
	s1 =	sshll.u32 s1, $0x11  }
0xba: {  	s0 =	sor.u32 s1, s0  }
0xbb: {  	s0 =	sadd.s32 $0x8F2B, s0  }
0xbc: {  	[sflag:s0] =	ssyncadd.remote.s32 $0x1  }
0xbd: {  	_ =	sfence.sel $0xFFFF  }
0xbe: {  	[dreg:$0x0] =	wrdreg $0xFFFFFFFF;
	(pc) =	sbr.abs _section_cstart, $3  }
0xbf: {  	[dreg:$0x1] =	wrdreg $0xFFFFFFFF  }
0xc0: {  	_ =	task.clear_ibuf [dreg:s6], $0x2FFFF;
	_ =	strace $0x9FFFFFFF  }
0xc1: {  	(tm) =	ssettm $0x7FFFFFFF  }
tec
execute0_lowered:
.L_overlay_start_1:
0x0: {  	(tag) =	ssettag $0x1  }
0x1: {  	s8 =	rddreg [dreg:$0x0]  }
0x2: {  	s0 =	rddreg [dreg:$0x1];
	_ =	strace $0x80000047;
	s1 =	stileid.u32  }
0x3: {  	s3 =	srdreg.scid;
	s4 =	simm.s32 $0x1;
	s7 =	simm.s32 $0x1  }
0x4: {  	s9 =	simm.s32 $0x1;
	s10 =	simm.s32 $0x3;
	s13 =	simm.s32 $0x0  }
0x5: {  	s12 =	simm.s32 $0x0;
	s5 =	sand.u32 $0x1, s3;
	s6 =	sshll.u32 s1, $0x1  }
0x6: {  	s2 =	sadd.s32 $0x3AC00, s8;
	s3 =	sadd.s32 $0x6BE00, s8;
	s5 =	sor.u32 s6, s5  }
.Ltmp0:
0x7: {  	[sflag:s4] =	ssyncpa.u1 $0x0;
	p0 =	slt.u32 s5, $0x13;
	(pc) =	sbr.rel .LBB2_1-.Ltmp0, $4  }
0x8: {  	s6 =	simm.s32 $0x2;
	s7 =	simm.s32 @!p0 $0x0;
	p0 =	sne.s32 s5, $0x12  }
0x9: {  	[sflag:s6] =	ssyncpa.u1 $0x0;
	s5 =	smul.u32 $0x7D00, s5;
	s9 =	simm.s32 @!p0 $0x0  }
0xa: {  	s8 =	sadd.s32 $0x37CE00, s8;
	[sflag:s10] =	ssyncpa.u1 $0x0;
	s7 =	sadd.s32 s9, s7  }
0xb: {  	vm0 =	vmmov $0xffff;
	s10 =	simm.s32 $0x0;
	s11 =	smov.u32 s5;
	s9 =	sadd.s32 $0x1, s7  }
.LBB2_4:
0xc: {  	v2 =	vnsel vm1, $0x0, v2  }
0xd: {  	vm1 =	vgt.s32 v0, $0x0;
	v2 =	vmin.u32 v2, $0x1869FF  }
0xe: {  	v0 =	vnsel vm1, $0x0, v0  }
0xf: {  	v0 =	vmin.u32 v0, $0x1869FF  }
0x10: {  	[tilespmem:s18], [sflag:$0x1] =	stream.indirect_vreg.gather [hbm4b:s2+s10], $0x1, v1, vm0, $0x4038;
	[tilespmem:$0x1F400] =	vst v63  }
0x11: {  	(ifvalue) =	ssetifvalue $0x7FFFFFFF  }
0x12: {  	[tilespmem:s15], [sflag:$0x1] =	stream.indirect_vreg.gather [hbm4b:s2+s10], $0x1, v2, vm0, $0x4038;
	[tilespmem:$0x1F400] =	vst v63  }
0x13: {  	s29 =	sadd.s32 $0x10, s15;
	(ifvalue) =	ssetifvalue $0x7FFFFFFF  }
0x14: {  	[tilespmem:s29], [sflag:$0x1] =	stream.indirect_vreg.gather [hbm4b:s2+s10], $0x1, v0, vm0, $0x4038;
	[tilespmem:$0x1F400] =	vst v63  }
0x15: {  	_ =	swait.ge [sflag:s4], $0x7D00  }
0x16: {  	s30 =	sshrl.u32 s13, $0x3;
	[sflag:s4] =	ssyncset.done $0x0  }
0x17: {  	s31 =	sand.u32 $0x7, s13;
	s15 =	sadd.s32 s8, s30;
	[sflag:s4] =	ssyncadd.s32 $0xFFFF8300  }
0x18: {  	[hbm4b:s15+s31] =	stream.linear.scatter [tilespmem:s14], [sflag:$0x3], $0x7D00, $0x38;
	[tilespmem:$0x1F400] =	vst v63  }
.LBB2_5:
0x19: {  	s15 =	sadd.s32 $0xFA000, s11  }
0x1a: {  	p1 =	sgt.s32 s15, $0x1869FF  }
0x1b: {  	s15 =	smov.u32 @p1 s5;
	p1 =	sne.s32 s12, s9  }
.Ltmp1:
0x1c: {  	p0 =	slt.u32 s12, $0x2;
	(pc) =	sbr.rel @!p1 .LBB2_6-.Ltmp1, $4  }
0x1d: {  	s14 =	simm.s32 @!p0 $0x3  }
0x1e: {  	_ =	swait.ge @!p0 [sflag:s14], $0x7D00  }
0x1f: {  	s16 =	sadd.s32 $0x1, s12;
	s13 =	smov.u32 s11;
	[sflag:s14] =	ssyncset.done @!p0 $0x0  }
0x20: {  	s12 =	smov.u32 s16;
	s11 =	smov.u32 s15;
	[sflag:s14] =	ssyncadd.s32 @!p0 $0xFFFF8300  }
.LBB2_1:
0x21: {  	p0 =	sge.u32 s12, s7  }
0x22: {  	s14 =	sxor.u32 @!p0 $0x1, s12  }
0x23: {  	s14 =	smul.u32 @!p0 $0x1F400, s14  }
0x24: {  	s31 =	sadd.s32 $0xFFFFFFFF, s12;
	s15 =	sshrl.u32 @!p0 s11, $0x3  }
0x25: {  	s16 =	sand.u32 @!p0 $0x7, s11;
	s15 =	sadd.s32 @!p0 s3, s15;
	s14 =	sshra.s32 @!p0 s14, $0x2  }
0x26: {  	[tilespmem:s14], [sflag:$0x2] =	stream.linear.gather @!p0 [hbm4b:s15+s16], $0x7D00, $0x38;
	[tilespmem:$0x1F400] =	vst v63  }
0x27: {  	p0 =	sge.u32 s31, s7  }
.Ltmp2:
0x28: {  	_ = 	snop;
	(pc) =	sbr.rel @p0 .LBB2_5-.Ltmp2, $1  }
0x29: {  	_ =	sdelay $0x3  }
0x2a: {  	s14 =	sand.u32 $0x1, s12  }
0x2b: {  	_ =	swait.ge [sflag:s6], $0x7D00;
	p0 =	seq.s32 s14, $0x1;
	s14 =	simm.s32 $0x7D00  }
0x2c: {  	[sflag:s6] =	ssyncset.done $0x0;
	s14 =	simm.s32 @!p0 $0x0  }
0x2d: {  	[sflag:s6] =	ssyncadd.s32 $0xFFFF8300;
	(ifvalue) =	ssetifvalue $0x7FFFFFFF;
	v0 =	vld.msk [tilespmem:s14+$0x0 ss:$0x1], $0xffff;
	_ =	sdelay $0x4  }
0x2e: {  	s15 =	sadd.s32 $0x10, s14;
	vm1 =	vgt.s32 v0, $0x0  }
0x2f: {  	v2 =	vld.msk [tilespmem:s15+$0x0 ss:$0x1], $0xffff;
	v1 =	vnsel vm1, $0x0, v0  }
0x30: {  	v1 =	vmin.u32 v1, $0x1869FF;
	_ =	sdelay $0x2  }
0x31: {  	s17 =	simm.s32 $0x20;
	s14 =	sadd.s32 $0xFA00, s14;
	s16 =	sadd.s32 $0x10, s15  }
0x32: {  	s15 =	sadd.s32 $0x10, s14;
	s18 =	smov.u32 s14;
	v0 =	vld.msk [tilespmem:s16+$0x0 ss:$0x1], $0xffff;
	vm1 =	vgt.s32 v2, $0x0;
	(ifvalue) =	ssetifvalue $0x7FFFFFFF  }
.LBB2_3:
0x33: {  	[tilespmem:s18], [sflag:$0x1] =	stream.indirect_vreg.gather [hbm4b:s2+s10], $0x1, v1, vm0, $0x4038;
	[tilespmem:$0x1F400] =	vst v63  }
0x34: {  	s17 =	sadd.s32 $0x10, s17  }
0x35: {  	v2 =	vnsel vm1, $0x0, v2;
	p0 =	slt.u32 s17, $0x7CF0  }
.Ltmp3:
0x36: {  	s18 =	smov.u32 s15;
	v1 =	vmin.u32 v2, $0x1869FF;
	(pc) =	sbr.rel @p0 .LBB2_3-.Ltmp3, $3  }
0x37: {  	_ =	sdelay $0x1  }
0x38: {  	s16 =	sadd.s32 $0x10, s16  }
0x39: {  	vm1 =	vgt.s32 v0, $0x0;
	s15 =	sadd.s32 $0x10, s15;
	v2 =	vmov v0;
	(ifvalue) =	ssetifvalue $0x7FFFFFFF;
	v0 =	vld.msk [tilespmem:s16+$0x0 ss:$0x1], $0xffff  }
.Ltmp4:
0x3a: {  	_ = 	snop;
	(pc) =	sbr.rel .LBB2_4-.Ltmp4, $1  }
0x3b: {  	_ =	sdelay $0x3  }
.LBB2_6:
0x3c: {  	_ =	sfence.sel $0x180000  }
0x3d: {  	s2 =	simm.s32 $0x2;
	[bflag:$0x0] =	sbarrier.arrive $0xFFFF  }
0x3e: {  	s30 =	simm.s32 $0x3;
	[sflag:s2] =	ssyncpa.u1 $0x1  }
0x3f: {  	s31 =	simm.s32 $0x1;
	[sflag:s30] =	ssyncpa.u1 $0x1  }
0x40: {  	[sflag:s31] =	ssyncpa.u1 $0x1  }
0x41: {  	p0 =	sne.s32 s1, $0x0;
	_ =	strace $0x90000047  }
0x42: {  	s0 =	sadd.s32 @!p0 $0x100000, s0;
	[bflag:$0x2] =	sbarrier.arrive $0xFFFF  }
0x43: {  	[sflag:s0] =	ssyncadd.tile.s32 @!p0 $0x1;
	_ =	shalt  }
.Lfunc_end2:
_tile_overlayer_lowered:
.L_overlay_start_2:
0x44: {  	(tag) =	ssettag $0x2  }
0x45: {  	s0 =	rddreg [dreg:$0x0];
	s2 =	stileid.u32  }
0x46: {  	s1 =	rddreg [dreg:$0x1];
	p0 =	sne.s32 s2, $0x0  }
0x47: {  	s3 =	rddreg [dreg:$0x2];
	[bflag:$0x3] =	sbarrier.arrive $0xFFFF;
	s2 =	simm.s32 @!p0 $0x1C01  }
0x48: {  	[timem:s3], [sflag:s2] =	dma.local @!p0 [hbm:s0], s1  }
0x49: {  	s0 =	simm.s32 @!p0 $0x1  }
0x4a: {  	_ =	swait.ge @!p0 [sflag:s0], s1  }
0x4b: {  	s1 =	ssub.s32 @!p0 $0x0, s1;
	[sflag:s0] =	ssyncset.done @!p0 $0x0  }
0x4c: {  	[sflag:s0] =	ssyncadd.s32 @!p0 s1  }
0x4d: {  	[bflag:$0x3] =	sbarrier.arrive $0xFFFF  }
0x4e: {  	_ =	shalt  }

// kernel: gather_offload_async_start.2
scs
__scs_entry_jumppad:
0x0: {  	(pc) =	sbr.rel $0x88, $3  }
0x1: {  	(tag) =	ssettag $0x0;
	lr =	simm.s32 $0x1  }
0x2: {  	[smem:$0x3F77] =	sst lr;
	_ =	strace $0xD0000000  }
0x3: {  	_ = 	snop  }
0x4: {  	_ = 	snop  }
0x5: {  	_ = 	snop  }
0x6: {  	_ = 	snop  }
0x7: {  	_ = 	snop  }
__scs_overlays_trampoline_lowered:
0x8: {  	[smem:$0x3F86] =	sst s0  }
0x9: {  	[smem:$0x3F87] =	sst s1  }
0xa: {  	[smem:$0x3F88] =	sst s2  }
0xb: {  	[smem:$0x3F89] =	sst s3  }
0xc: {  	[smem:$0x3F8A] =	sst s4  }
0xd: {  	[smem:$0x3F8B] =	sst s5  }
0xe: {  	[smem:$0x3F8C] =	sst s6  }
0xf: {  	[smem:$0x3F8D] =	sst s7  }
0x10: {  	[smem:$0x3F8E] =	sst s8  }
0x11: {  	[smem:$0x3F8F] =	sst s9;
	s0 =	simm.s32 @!p0 $0x0  }
0x12: {  	s1 =	sld [smem:$0x3F75];
	s0 =	simm.s32 @p0 $0x1  }
0x13: {  	[smem:$0x3F90] =	sst s0;
	s0 =	simm.s32 @!p1 $0x0  }
0x14: {  	s2 =	sld [smem:$0x3F74];
	s0 =	simm.s32 @p1 $0x1  }
0x15: {  	[smem:$0x3F91] =	sst s0;
	s0 =	simm.s32 @!p2 $0x0  }
0x16: {  	s3 =	sld [smem:$0x3FDB];
	s0 =	simm.s32 @p2 $0x1  }
0x17: {  	s4 =	simm.s32 $0x1BF5;
	[smem:$0x3F93] =	sst s0  }
0x18: {  	s0 =	sld [smem:$0x3F76];
	_ =	swait.ge [sflag:s4], $0x0  }
0x19: {  	s7 =	sld [smem:$0x3F77]  }
0x1a: {  	s8 =	sadd.s32 $0xFFFFE003, lr  }
0x1b: {  	s9 =	sadd.s32 $0xFFFFFEF7, lr;
	s5 =	simm.s32 $0xFFFFFFFF;
	p2 =	slt.u32 s8, $0xFFFFF086  }
0x1c: {  	p1 =	slt.u32 s9, $0xF7A;
	s5 =	simm.s32 @!p2 $0x0  }
0x1d: {  	s5 =	simm.s32 @p1 $0x1;
	p0 =	seq.s32 s7, s2  }
0x1e: {  	s7 =	smul.u32 @!p0 $0xF7A, s2;
	p2 =	seq.s32 @!p0 s5, $0x0  }
0x1f: {  	s9 =	smul.u32 $0xF7A, s1;
	s8 =	simm.s32 @!p0 $0x1BF5;
	p2 =	por !p2, p0  }
0x20: {  	[sflag:s8] =	ssyncset.s32 @!p0 $0xFFFFF086;
	s6 =	sadd.s32 @!p0 s3, s7;
	s7 =	simm.s32 @!p0 $0x108  }
0x21: {  	s3 =	sadd.s32 s3, s9;
	s6 =	sadd.s32 @!p0 $0x88, s6;
	s7 =	simm.s32 @p2 $0x1082  }
0x22: {  	[simem:s7], [sflag:s8] =	dma.local @!p0 [hbm:s6], $0xF7A  }
0x23: {  	s9 =	sor.u32 $0xD0000000, s2;
	s6 =	simm.s32 $0x108;
	_ =	swait.ge @!p0 [sflag:s8], $0x0  }
0x24: {  	s3 =	sadd.s32 $0x88, s3;
	s6 =	simm.s32 @!p1 $0x1082;
	[sflag:s4] =	ssyncset.s32 $0xFFFFF086  }
0x25: {  	[simem:s6], [sflag:s4] =	dma.local [hbm:s3], $0xF7A  }
0x26: {  	[smem:$0x3F77] =	sst s1;
	(tag) =	ssettag s2;
	_ =	strace s9  }
0x27: {  	s1 =	sld [smem:$0x3F87]  }
0x28: {  	s2 =	sld [smem:$0x3F88]  }
0x29: {  	s4 =	sld [smem:$0x3F8A]  }
0x2a: {  	p0 =	seq.s32 s5, $0x0;
	s5 =	sld [smem:$0x3F8B]  }
0x2b: {  	s6 =	sld [smem:$0x3F8C]  }
0x2c: {  	s7 =	sld [smem:$0x3F8D]  }
0x2d: {  	s3 =	simm.s32 $0x108;
	s8 =	sld [smem:$0x3F8E]  }
0x2e: {  	s3 =	simm.s32 @!p0 $0x1082;
	s9 =	sld [smem:$0x3F8F]  }
0x2f: {  	lr =	sadd.s32 s0, s3;
	s0 =	sld [smem:$0x3F86]  }
0x30: {  	s3 =	sld [smem:$0x3F89]  }
0x31: {  	[smem:$0x3F92] =	sst s10  }
0x32: {  	s10 =	sld [smem:$0x3F90];
	_ =	sdelay $0x3  }
0x33: {  	p0 =	seq.s32 s10, $0x1;
	s10 =	sld [smem:$0x3F92];
	_ =	sdelay $0x3  }
0x34: {  	[smem:$0x3F92] =	sst s10  }
0x35: {  	s10 =	sld [smem:$0x3F91];
	_ =	sdelay $0x3  }
0x36: {  	p1 =	seq.s32 s10, $0x1;
	s10 =	sld [smem:$0x3F92];
	_ =	sdelay $0x3  }
0x37: {  	[smem:$0x3F92] =	sst s10  }
0x38: {  	s10 =	sld [smem:$0x3F93]  }
0x39: {  	_ = 	snop;
	(pc) =	sbr.ind lr, $3  }
0x3a: {  	_ = 	snop  }
0x3b: {  	_ = 	snop  }
0x3c: {  	p2 =	seq.s32 s10, $0x1;
	s10 =	sld [smem:$0x3F92]  }
0x3d: {  	_ =	shalt  }
0x3e: {  	_ =	shalt  }
0x3f: {  	_ =	shalt  }
0x40: {  	_ =	shalt  }
0x41: {  	_ =	shalt  }
0x42: {  	_ =	shalt  }
0x43: {  	_ =	shalt  }
0x44: {  	_ =	shalt  }
0x45: {  	_ =	shalt  }
0x46: {  	_ =	shalt  }
0x47: {  	_ =	shalt  }
0x48: {  	_ =	shalt  }
0x49: {  	_ =	shalt  }
0x4a: {  	_ =	shalt  }
0x4b: {  	_ =	shalt  }
0x4c: {  	_ =	shalt  }
0x4d: {  	_ =	shalt  }
0x4e: {  	_ =	shalt  }
0x4f: {  	_ =	shalt  }
0x50: {  	_ =	shalt  }
0x51: {  	_ =	shalt  }
0x52: {  	_ =	shalt  }
0x53: {  	_ =	shalt  }
0x54: {  	_ =	shalt  }
0x55: {  	_ =	shalt  }
0x56: {  	_ =	shalt  }
0x57: {  	_ =	shalt  }
0x58: {  	_ =	shalt  }
0x59: {  	_ =	shalt  }
0x5a: {  	_ =	shalt  }
0x5b: {  	_ =	shalt  }
0x5c: {  	_ =	shalt  }
0x5d: {  	_ =	shalt  }
0x5e: {  	_ =	shalt  }
0x5f: {  	_ =	shalt  }
0x60: {  	_ =	shalt  }
0x61: {  	_ =	shalt  }
0x62: {  	_ =	shalt  }
0x63: {  	_ =	shalt  }
0x64: {  	_ =	shalt  }
0x65: {  	_ =	shalt  }
0x66: {  	_ =	shalt  }
0x67: {  	_ =	shalt  }
0x68: {  	_ =	shalt  }
0x69: {  	_ =	shalt  }
0x6a: {  	_ =	shalt  }
0x6b: {  	_ =	shalt  }
0x6c: {  	_ =	shalt  }
0x6d: {  	_ =	shalt  }
0x6e: {  	_ =	shalt  }
0x6f: {  	_ =	shalt  }
0x70: {  	_ =	shalt  }
0x71: {  	_ =	shalt  }
0x72: {  	_ =	shalt  }
0x73: {  	_ =	shalt  }
0x74: {  	_ =	shalt  }
0x75: {  	_ =	shalt  }
0x76: {  	_ =	shalt  }
0x77: {  	_ =	shalt  }
0x78: {  	_ =	shalt  }
0x79: {  	_ =	shalt  }
0x7a: {  	_ =	shalt  }
0x7b: {  	_ =	shalt  }
0x7c: {  	_ =	shalt  }
0x7d: {  	_ =	shalt  }
0x7e: {  	_ =	shalt  }
0x7f: {  	_ =	shalt  }
0x80: {  	_ =	shalt  }
0x81: {  	_ =	shalt  }
0x82: {  	_ =	shalt  }
0x83: {  	_ =	shalt  }
0x84: {  	_ =	shalt  }
0x85: {  	_ =	shalt  }
0x86: {  	_ =	shalt  }
0x87: {  	_ =	shalt  }
.Lfunc_end0:
.L_simem_size_0:
called_computation.3_lowered:
.L_overlay_start_0:
0x88: {  	s2 =	sld [smem:$0x3FD9]  }
0x89: {  	s3 =	sld [smem:$0x3FFE];
	_ =	sdelay $0x1  }
0x8a: {  	s1 =	srdreg.scid  }
0x8b: {  	s0 =	sand.u32 $0x1, s1  }
0x8c: {  	s16 =	sshll.u32 s0, $0xA;
	s2 =	sadd.s32 s3, s2  }
0x8d: {  	s2 =	sadd.s32 s2, s16  }
0x8e: {  	[smem:$0x3F9E] =	sst s2  }
0x8f: {  	_ = 	snop  }
0x90: {  	(tm) =	ssettm $0x1  }
0x91: {  	s17 =	sld [smem:$0x3FFB];
	_ =	sdelay $0x3  }
0x92: {  	_ =	strace s17  }
0x93: {  	s2 =	sld [smem:$0x3FFC];
	_ =	sdelay $0x3  }
0x94: {  	_ =	strace s2  }
0x95: {  	s2 =	sld [smem:$0x3FFD];
	_ =	sdelay $0x3  }
0x96: {  	_ =	strace s2  }
0x97: {  	_ =	strace $0x8FFFFFFF  }
0x98: {  	s18 =	sld [smem:$0x3FDB];
	_ =	sdelay $0x1  }
0x99: {  	s19 =	simm.s32 $_scs_section_size  }
0x9a: {  	s4 =	simm.s32 $_size__tile_overlayer_lowered;
	s5 =	simm.s32 $_tile_overlayer_lowered  }
0x9b: {  	s22 =	simm.s32 $0x1BFF;
	s21 =	sshll.u32 s5, $0x1;
	s2 =	sadd.s32 s19, s18  }
0x9c: {  	s6 =	simm.s32 $0x0;
	s20 =	sshll.u32 s4, $0x1;
	s4 =	sadd.s32 s21, s2  }
0x9d: {  	[timem:s6], [sflag:s22] =	dma.local [hbm:s4], s20  }
0x9e: {  	_ =	swait.ge [sflag:s22], s20  }
0x9f: {  	s3 =	ssub.s32 $0x0, s20;
	[sflag:s22] =	ssyncset.done $0x0  }
0xa0: {  	[sflag:s22] =	ssyncadd.s32 s3;
	_ =	sdelay $0x1  }
0xa1: {  	s23 =	simm.s32 $0x1B8B  }
0xa2: {  	_ =	swait.ge [sflag:s23], $0x1  }
0xa3: {  	[sflag:s23] =	ssyncset.done $0x0  }
0xa4: {  	s25 =	simm.s32 $0x1B8E;
	s24 =	sld [smem:$0x3FFE];
	[sflag:s23] =	ssyncadd.s32 $0xFFFFFFFF  }
0xa5: {  	s26 =	simm.s32 $execute0_lowered;
	[smem:$0x3FD2] =	sst s25  }
0xa6: {  	s4 =	sshll.u32 s26, $0x1;
	_ =	strace $0x8000004C;
	[dreg:$0x1] =	wrdreg $0xFFFFFFFF  }
0xa7: {  	s28 =	simm.s32 $_size_execute0_lowered;
	s2 =	sadd.s32 s2, s4;
	[dreg:$0x0] =	wrdreg $0x0  }
0xa8: {  	s4 =	sshll.u32 s28, $0x1;
	[dreg:$0x2] =	wrdreg s2  }
0xa9: {  	[dreg:$0x3] =	wrdreg s4  }
0xaa: {  	[dreg:$0x4] =	wrdreg $0xC0  }
0xab: {  	_ =	task [dreg:s6], $0x5FFFF  }
0xac: {  	[dreg:$0x1] =	wrdreg $0xFFFFFFFF  }
0xad: {  	[dreg:$0x0] =	wrdreg $0x60  }
0xae: {  	[dreg:$0x2] =	wrdreg s24  }
0xaf: {  	[dreg:$0x3] =	wrdreg $0x9  }
0xb0: {  	_ =	task.clear_ibuf [dreg:s6], $0x4FFFF;
	_ =	strace $0x9000004C  }
0xb1: {  	s29 =	simm.s32 $0x9;
	_ =	strace $0x8000004E  }
0xb2: {  	_ =	swait.ge [sflag:s29], $0x1  }
0xb3: {  	[sflag:s29] =	ssyncadd.s32 $0xFFFFFFFF  }
0xb4: {  	_ =	strace $0x9000004E  }
0xb5: {  	_ =	sfence  }
0xb6: {  	s30 =	sld [smem:$0x0];
	_ =	sdelay $0x2  }
0xb7: {  	s31 =	sshll.u32 s1, $0xD;
	s1 =	sshrl.u32 s1, $0x2  }
0xb8: {  	s3 =	sand.u32 $0x4000, s31;
	s1 =	sadd.s32 s1, s30  }
0xb9: {  	s0 =	sor.u32 s3, s0;
	s1 =	sshll.u32 s1, $0x11  }
0xba: {  	s0 =	sor.u32 s1, s0  }
0xbb: {  	s0 =	sadd.s32 $0x8F2B, s0  }
0xbc: {  	[sflag:s0] =	ssyncadd.remote.s32 $0x1  }
0xbd: {  	_ =	sfence.sel $0xFFFF  }
0xbe: {  	[dreg:$0x0] =	wrdreg $0xFFFFFFFF;
	(pc) =	sbr.abs _section_cstart, $3  }
0xbf: {  	[dreg:$0x1] =	wrdreg $0xFFFFFFFF  }
0xc0: {  	_ =	task.clear_ibuf [dreg:s6], $0x2FFFF;
	_ =	strace $0x9FFFFFFF  }
0xc1: {  	(tm) =	ssettm $0x7FFFFFFF  }
tec
execute0_lowered:
.L_overlay_start_1:
0x0: {  	(tag) =	ssettag $0x1  }
0x1: {  	s0 =	srdreg.scid;
	s5 =	rddreg [dreg:$0x0]  }
0x2: {  	s1 =	stileid.u32;
	s6 =	simm.s32 $0x1;
	s9 =	simm.s32 $0x1  }
0x3: {  	s10 =	simm.s32 $0x3;
	s13 =	simm.s32 $0x0;
	s2 =	sshll.u32 s0, $0x7  }
0x4: {  	s12 =	simm.s32 $0x0;
	s3 =	sshll.u32 s1, $0x8;
	s2 =	sand.u32 $0x80, s2  }
0x5: {  	s0 =	rddreg [dreg:$0x1];
	_ =	strace $0x8000004D;
	s2 =	sor.u32 s3, s2  }
0x6: {  	s4 =	sadd.s32 $0x9CC00, s5;
	[sflag:s6] =	ssyncpa.u1 $0x0;
	s8 =	ssub.s32 $0x187680, s2  }
.Ltmp0:
0x7: {  	s3 =	sadd.s32 $0xCDC00, s5;
	s7 =	sand.u32 $0xF80, s8;
	(pc) =	sbr.rel .LBB2_1-.Ltmp0, $4  }
0x8: {  	s5 =	sadd.s32 $0x34B3000, s5;
	s11 =	smov.u32 s2;
	p0 =	sne.s32 s7, $0x0  }
0x9: {  	s8 =	sshrl.u32 s8, $0xC;
	s7 =	simm.s32 $0x2;
	s9 =	simm.s32 @!p0 $0x0  }
0xa: {  	[sflag:s7] =	ssyncpa.u1 $0x0;
	p0 =	por $0x0, $0x0;
	s8 =	sadd.s32 s9, s8  }
0xb: {  	vm0 =	vmmov $0xffff;
	v0 =	vlaneseq.u32;
	[sflag:s10] =	ssyncpa.u1 $0x0;
	s10 =	simm.s32 $0x0;
	s9 =	sadd.s32 $0x1, s8  }
.LBB2_4:
0xc: {  	_ =	sdelay $0x3  }
0xd: {  	[tilespmem:s21], [sflag:$0x1] =	stream.indirect_vreg.gather [hbm4b:s3+s10], $0x1, v1, vm0, $0x4038;
	[tilespmem:$0x900] =	vst v63  }
0xe: {  	s15 =	sadd.s32 s17, s15  }
0xf: {  	v1 =	vld.msk [tilespmem:s15+$0x0 ss:$0x1], $0xffff;
	_ =	sdelay $0x4  }
0x10: {  	vm1 =	vgt.s32 v1, $0x0  }
0x11: {  	p1 =	sgt.s32 s18, $0x0;
	v1 =	vnsel vm1, $0x0, v1  }
0x12: {  	s18 =	simm.s32 @!p1 $0x0;
	v1 =	vmin.u32 v1, $0x18767F  }
0x13: {  	s22 =	smin.u32 s18, $0x10;
	v2 =	vshll.u32 v1, $0x3  }
0x14: {  	v3 =	vmov s22;
	v1 =	vand.u32 $0x7F, v1;
	v2 =	vand.u32 $0xFFFC00, v2  }
0x15: {  	vm1 =	vgt.u32 v3, v0;
	v1 =	vor.u32 v1, v2  }
0x16: {  	v2 =	vnsel vm1, $0x7FFFFFFF, v1;
	_ =	sdelay $0x1  }
0x17: {  	v3 =	vor.u32 $0x80, v1  }
0x18: {  	(ifvalue) =	ssetifvalue $0x7FFFFFFF;
	v3 =	vnsel vm1, $0x7FFFFFFF, v3  }
0x19: {  	s23 =	sadd.s32 s17, s16;
	(ifvalue) =	ssetifvalue $0x7FFFFFFF  }
0x1a: {  	v4 =	vor.u32 $0x100, v1;
	[tilespmem:s23], [sflag:$0x1] =	stream.indirect_vreg.gather [hbm4b:s3+s10], $0x1, v2, vm0, $0x4038;
	[tilespmem:$0x900] =	vst v63  }
0x1b: {  	(ifvalue) =	ssetifvalue $0x7FFFFFFF;
	v2 =	vnsel vm1, $0x7FFFFFFF, v4  }
0x1c: {  	s16 =	sadd.s32 $0x80, s23;
	(ifvalue) =	ssetifvalue $0x7FFFFFFF  }
0x1d: {  	v60 =	vor.u32 $0x180, v1;
	[tilespmem:s16], [sflag:$0x1] =	stream.indirect_vreg.gather [hbm4b:s3+s10], $0x1, v3, vm0, $0x4038;
	[tilespmem:$0x900] =	vst v63  }
0x1e: {  	v3 =	vnsel vm1, $0x7FFFFFFF, v60;
	(ifvalue) =	ssetifvalue $0x7FFFFFFF  }
0x1f: {  	s24 =	sadd.s32 $0x100, s23;
	(ifvalue) =	ssetifvalue $0x7FFFFFFF  }
0x20: {  	v61 =	vor.u32 $0x200, v1;
	[tilespmem:s24], [sflag:$0x1] =	stream.indirect_vreg.gather [hbm4b:s3+s10], $0x1, v2, vm0, $0x4038;
	[tilespmem:$0x900] =	vst v63  }
0x21: {  	(ifvalue) =	ssetifvalue $0x7FFFFFFF;
	v2 =	vnsel vm1, $0x7FFFFFFF, v61  }
0x22: {  	s25 =	sadd.s32 $0x180, s23;
	(ifvalue) =	ssetifvalue $0x7FFFFFFF  }
0x23: {  	v62 =	vor.u32 $0x280, v1;
	[tilespmem:s25], [sflag:$0x1] =	stream.indirect_vreg.gather [hbm4b:s3+s10], $0x1, v3, vm0, $0x4038;
	[tilespmem:$0x900] =	vst v63  }
0x24: {  	v3 =	vnsel vm1, $0x7FFFFFFF, v62;
	(ifvalue) =	ssetifvalue $0x7FFFFFFF  }
0x25: {  	s26 =	sadd.s32 $0x200, s23;
	(ifvalue) =	ssetifvalue $0x7FFFFFFF  }
0x26: {  	v63 =	vor.u32 $0x300, v1;
	[tilespmem:s26], [sflag:$0x1] =	stream.indirect_vreg.gather [hbm4b:s3+s10], $0x1, v2, vm0, $0x4038;
	[tilespmem:$0x900] =	vst v63  }
0x27: {  	(ifvalue) =	ssetifvalue $0x7FFFFFFF;
	v2 =	vnsel vm1, $0x7FFFFFFF, v63  }
0x28: {  	s28 =	sadd.s32 $0x280, s23;
	(ifvalue) =	ssetifvalue $0x7FFFFFFF  }
0x29: {  	v1 =	vor.u32 $0x380, v1;
	[tilespmem:s28], [sflag:$0x1] =	stream.indirect_vreg.gather [hbm4b:s3+s10], $0x1, v3, vm0, $0x4038;
	[tilespmem:$0x900] =	vst v63  }
0x2a: {  	v1 =	vnsel vm1, $0x7FFFFFFF, v1;
	(ifvalue) =	ssetifvalue $0x7FFFFFFF  }
0x2b: {  	s29 =	sadd.s32 $0x300, s23;
	(ifvalue) =	ssetifvalue $0x7FFFFFFF  }
0x2c: {  	[tilespmem:s29], [sflag:$0x1] =	stream.indirect_vreg.gather [hbm4b:s3+s10], $0x1, v2, vm0, $0x4038;
	[tilespmem:$0x900] =	vst v63  }
0x2d: {  	(ifvalue) =	ssetifvalue $0x7FFFFFFF  }
0x2e: {  	s30 =	sshll.u32 s13, $0x3;
	s15 =	sadd.s32 $0x380, s23;
	(ifvalue) =	ssetifvalue $0x7FFFFFFF  }
0x2f: {  	[tilespmem:s15], [sflag:$0x1] =	stream.indirect_vreg.gather [hbm4b:s3+s10], $0x1, v1, vm0, $0x4038;
	[tilespmem:$0x900] =	vst v63  }
0x30: {  	s31 =	sand.u32 $0x78, s13;
	s15 =	sand.u32 $0xFFFFFC00, s30  }
0x31: {  	_ =	swait.ge [sflag:s6], $0x400;
	s13 =	sor.u32 s31, s15  }
0x32: {  	[sflag:s6] =	ssyncset.done $0x0;
	s13 =	sshrl.u32 s13, $0x3  }
0x33: {  	[sflag:s6] =	ssyncadd.s32 $0xFFFFFC00;
	s13 =	sadd.s32 s5, s13  }
0x34: {  	[hbm:s13] =	stream.linear.scatter [tilespmem:s14], [sflag:$0x3], $0x400, $0x38;
	[tilespmem:$0x900] =	vst v63  }
.LBB2_5:
0x35: {  	s15 =	sadd.s32 $0x1000, s11  }
0x36: {  	p2 =	sgt.s32 s15, $0x18767F  }
0x37: {  	s15 =	smov.u32 @p2 s2;
	p2 =	sne.s32 s12, s9  }
.Ltmp1:
0x38: {  	p1 =	slt.u32 s12, $0x2;
	(pc) =	sbr.rel @!p2 .LBB2_6-.Ltmp1, $4  }
0x39: {  	s14 =	simm.s32 @!p1 $0x3  }
0x3a: {  	s16 =	sadd.s32 $0x1, s12;
	_ =	swait.ge @!p1 [sflag:s14], $0x400  }
0x3b: {  	s13 =	smov.u32 s11;
	p0 =	por !p0, !p0;
	[sflag:s14] =	ssyncset.done @!p1 $0x0  }
0x3c: {  	s12 =	smov.u32 s16;
	s11 =	smov.u32 s15;
	[sflag:s14] =	ssyncadd.s32 @!p1 $0xFFFFFC00  }
.LBB2_1:
0x3d: {  	p1 =	sge.u32 s12, s8  }
0x3e: {  	s14 =	sxor.u32 @!p1 $0xFFFFFFFF, s12  }
0x3f: {  	s31 =	sadd.s32 $0xFFFFFFFF, s12;
	s15 =	sshrl.u32 @!p1 s11, $0x3;
	s14 =	sshll.u32 @!p1 s14, $0x7  }
0x40: {  	s16 =	sand.u32 @!p1 $0x7, s11;
	s15 =	sadd.s32 @!p1 s4, s15;
	s14 =	sand.u32 @!p1 $0x80, s14  }
0x41: {  	[tilespmem:s14], [sflag:$0x2] =	stream.linear.gather @!p1 [hbm4b:s15+s16], $0x80, $0x38;
	[tilespmem:$0x900] =	vst v63  }
0x42: {  	p1 =	sge.u32 s31, s8  }
.Ltmp2:
0x43: {  	_ = 	snop;
	(pc) =	sbr.rel @p1 .LBB2_5-.Ltmp2, $1  }
0x44: {  	_ =	sdelay $0x3  }
0x45: {  	s14 =	simm.s32 $0x1  }
0x46: {  	_ =	swait.ge [sflag:s7], $0x80;
	s14 =	simm.s32 @!p0 $0x0  }
0x47: {  	[sflag:s7] =	ssyncset.done $0x0;
	s15 =	sshll.u32 s14, $0x7  }
0x48: {  	[sflag:s7] =	ssyncadd.s32 $0xFFFFFF80;
	s16 =	sadd.s32 $0x0, s15  }
0x49: {  	v1 =	vld.msk [tilespmem:s16+$0x0 ss:$0x1], $0xffff;
	_ =	sdelay $0x2  }
0x4a: {  	s18 =	ssub.s32 $0x187680, s13  }
0x4b: {  	p1 =	slt.s32 s18, $0x80  }
0x4c: {  	s18 =	simm.s32 @!p1 $0x80;
	vm1 =	vgt.s32 v1, $0x0  }
0x4d: {  	p1 =	sgt.s32 s18, $0x0;
	s16 =	smov.u32 s18;
	v1 =	vnsel vm1, $0x0, v1  }
0x4e: {  	s16 =	simm.s32 @!p1 $0x0;
	v1 =	vmin.u32 v1, $0x18767F  }
0x4f: {  	s16 =	smin.u32 s16, $0x10;
	v2 =	vshll.u32 v1, $0x3  }
0x50: {  	v3 =	vmov s16;
	v1 =	vand.u32 $0x7F, v1;
	v2 =	vand.u32 $0xFFFC00, v2  }
0x51: {  	vm1 =	vgt.u32 v3, v0;
	v1 =	vor.u32 v1, v2  }
0x52: {  	v2 =	vnsel vm1, $0x7FFFFFFF, v1;
	_ =	sdelay $0x1  }
0x53: {  	s14 =	sshll.u32 s14, $0xA;
	v3 =	vor.u32 $0x80, v1  }
0x54: {  	(ifvalue) =	ssetifvalue $0x7FFFFFFF;
	s16 =	sor.u32 $0x100, s14;
	v3 =	vnsel vm1, $0x7FFFFFFF, v3  }
0x55: {  	(ifvalue) =	ssetifvalue $0x7FFFFFFF;
	s19 =	sadd.s32 $0x0, s16  }
0x56: {  	v4 =	vor.u32 $0x100, v1;
	[tilespmem:s19], [sflag:$0x1] =	stream.indirect_vreg.gather [hbm4b:s3+s10], $0x1, v2, vm0, $0x4038;
	[tilespmem:$0x900] =	vst v63  }
0x57: {  	(ifvalue) =	ssetifvalue $0x7FFFFFFF;
	v2 =	vnsel vm1, $0x7FFFFFFF, v4  }
0x58: {  	s25 =	sadd.s32 $0x80, s19;
	(ifvalue) =	ssetifvalue $0x7FFFFFFF  }
0x59: {  	v60 =	vor.u32 $0x180, v1;
	[tilespmem:s25], [sflag:$0x1] =	stream.indirect_vreg.gather [hbm4b:s3+s10], $0x1, v3, vm0, $0x4038;
	[tilespmem:$0x900] =	vst v63  }
0x5a: {  	v3 =	vnsel vm1, $0x7FFFFFFF, v60;
	(ifvalue) =	ssetifvalue $0x7FFFFFFF  }
0x5b: {  	s26 =	sadd.s32 $0x100, s19;
	(ifvalue) =	ssetifvalue $0x7FFFFFFF  }
0x5c: {  	v61 =	vor.u32 $0x200, v1;
	[tilespmem:s26], [sflag:$0x1] =	stream.indirect_vreg.gather [hbm4b:s3+s10], $0x1, v2, vm0, $0x4038;
	[tilespmem:$0x900] =	vst v63  }
0x5d: {  	(ifvalue) =	ssetifvalue $0x7FFFFFFF;
	v2 =	vnsel vm1, $0x7FFFFFFF, v61  }
0x5e: {  	s28 =	sadd.s32 $0x180, s19;
	(ifvalue) =	ssetifvalue $0x7FFFFFFF  }
0x5f: {  	v62 =	vor.u32 $0x280, v1;
	[tilespmem:s28], [sflag:$0x1] =	stream.indirect_vreg.gather [hbm4b:s3+s10], $0x1, v3, vm0, $0x4038;
	[tilespmem:$0x900] =	vst v63  }
0x60: {  	v3 =	vnsel vm1, $0x7FFFFFFF, v62;
	(ifvalue) =	ssetifvalue $0x7FFFFFFF  }
0x61: {  	s29 =	sadd.s32 $0x200, s19;
	(ifvalue) =	ssetifvalue $0x7FFFFFFF  }
0x62: {  	v63 =	vor.u32 $0x300, v1;
	[tilespmem:s29], [sflag:$0x1] =	stream.indirect_vreg.gather [hbm4b:s3+s10], $0x1, v2, vm0, $0x4038;
	[tilespmem:$0x900] =	vst v63  }
0x63: {  	(ifvalue) =	ssetifvalue $0x7FFFFFFF;
	v2 =	vnsel vm1, $0x7FFFFFFF, v63  }
0x64: {  	s17 =	sadd.s32 $0x280, s19;
	(ifvalue) =	ssetifvalue $0x7FFFFFFF  }
0x65: {  	v1 =	vor.u32 $0x380, v1;
	[tilespmem:s17], [sflag:$0x1] =	stream.indirect_vreg.gather [hbm4b:s3+s10], $0x1, v3, vm0, $0x4038;
	[tilespmem:$0x900] =	vst v63  }
0x66: {  	s30 =	sand.u32 $0x1, s12;
	s20 =	simm.s32 $0x80;
	v1 =	vnsel vm1, $0x7FFFFFFF, v1;
	(ifvalue) =	ssetifvalue $0x7FFFFFFF  }
0x67: {  	s14 =	sshll.u32 s30, $0xA;
	s31 =	sadd.s32 $0x300, s19;
	(ifvalue) =	ssetifvalue $0x7FFFFFFF  }
0x68: {  	[tilespmem:s31], [sflag:$0x1] =	stream.indirect_vreg.gather [hbm4b:s3+s10], $0x1, v2, vm0, $0x4038;
	[tilespmem:$0x900] =	vst v63  }
0x69: {  	s18 =	sadd.s32 $0xFFFFFFF0, s18;
	s14 =	sor.u32 $0x100, s14;
	(ifvalue) =	ssetifvalue $0x7FFFFFFF  }
0x6a: {  	s21 =	sadd.s32 $0x380, s19;
	s17 =	simm.s32 $0x10;
	(ifvalue) =	ssetifvalue $0x7FFFFFFF  }
.LBB2_3:
0x6b: {  	[tilespmem:s21], [sflag:$0x1] =	stream.indirect_vreg.gather [hbm4b:s3+s10], $0x1, v1, vm0, $0x4038;
	[tilespmem:$0x900] =	vst v63  }
0x6c: {  	s19 =	smov.u32 s20  }
0x6d: {  	s22 =	sadd.s32 s17, s15;
	s21 =	sshra.s32 s19, $0x2;
	s19 =	sadd.s32 $0x40, s20  }
0x6e: {  	p1 =	sne.s32 s20, $0x1C0;
	v1 =	vld.msk [tilespmem:s22+$0x0 ss:$0x1], $0xffff  }
0x6f: {  	(ifvalue) =	ssetifvalue $0x7FFFFFFF;
	_ =	sdelay $0x4  }
0x70: {  	vm1 =	vgt.s32 v1, $0x0  }
0x71: {  	p2 =	sgt.s32 s18, $0x0;
	s20 =	smov.u32 s18;
	v1 =	vnsel vm1, $0x0, v1  }
0x72: {  	s20 =	simm.s32 @!p2 $0x0;
	v1 =	vmin.u32 v1, $0x18767F  }
0x73: {  	s20 =	smin.u32 s20, $0x10;
	v2 =	vshll.u32 v1, $0x3  }
0x74: {  	v3 =	vmov s20;
	v1 =	vand.u32 $0x7F, v1;
	v2 =	vand.u32 $0xFFFC00, v2  }
0x75: {  	vm1 =	vgt.u32 v3, v0;
	v1 =	vor.u32 v1, v2  }
0x76: {  	v2 =	vnsel vm1, $0x7FFFFFFF, v1;
	v3 =	vor.u32 $0x80, v1;
	v4 =	vor.u32 $0x100, v1  }
0x77: {  	v5 =	vor.u32 $0x180, v1;
	v6 =	vor.u32 $0x200, v1;
	v7 =	vor.u32 $0x280, v1  }
0x78: {  	v8 =	vor.u32 $0x300, v1;
	v1 =	vor.u32 $0x380, v1  }
0x79: {  	v3 =	vnsel vm1, $0x7FFFFFFF, v3  }
0x7a: {  	s20 =	sadd.s32 s17, s16;
	s17 =	smov.u32 s21;
	(ifvalue) =	ssetifvalue $0x7FFFFFFF  }
0x7b: {  	[tilespmem:s20], [sflag:$0x1] =	stream.indirect_vreg.gather [hbm4b:s3+s10], $0x1, v2, vm0, $0x4038;
	[tilespmem:$0x900] =	vst v63  }
0x7c: {  	v2 =	vnsel vm1, $0x7FFFFFFF, v4;
	(ifvalue) =	ssetifvalue $0x7FFFFFFF  }
0x7d: {  	s21 =	sadd.s32 $0x80, s20;
	(ifvalue) =	ssetifvalue $0x7FFFFFFF  }
0x7e: {  	[tilespmem:s21], [sflag:$0x1] =	stream.indirect_vreg.gather [hbm4b:s3+s10], $0x1, v3, vm0, $0x4038;
	[tilespmem:$0x900] =	vst v63  }
0x7f: {  	v3 =	vnsel vm1, $0x7FFFFFFF, v5;
	(ifvalue) =	ssetifvalue $0x7FFFFFFF  }
0x80: {  	s21 =	sadd.s32 $0x100, s20;
	(ifvalue) =	ssetifvalue $0x7FFFFFFF  }
0x81: {  	[tilespmem:s21], [sflag:$0x1] =	stream.indirect_vreg.gather [hbm4b:s3+s10], $0x1, v2, vm0, $0x4038;
	[tilespmem:$0x900] =	vst v63  }
0x82: {  	v2 =	vnsel vm1, $0x7FFFFFFF, v6;
	(ifvalue) =	ssetifvalue $0x7FFFFFFF  }
0x83: {  	s21 =	sadd.s32 $0x180, s20;
	(ifvalue) =	ssetifvalue $0x7FFFFFFF  }
0x84: {  	[tilespmem:s21], [sflag:$0x1] =	stream.indirect_vreg.gather [hbm4b:s3+s10], $0x1, v3, vm0, $0x4038;
	[tilespmem:$0x900] =	vst v63  }
0x85: {  	v3 =	vnsel vm1, $0x7FFFFFFF, v7;
	(ifvalue) =	ssetifvalue $0x7FFFFFFF  }
0x86: {  	s21 =	sadd.s32 $0x200, s20;
	(ifvalue) =	ssetifvalue $0x7FFFFFFF  }
0x87: {  	[tilespmem:s21], [sflag:$0x1] =	stream.indirect_vreg.gather [hbm4b:s3+s10], $0x1, v2, vm0, $0x4038;
	[tilespmem:$0x900] =	vst v63  }
0x88: {  	v2 =	vnsel vm1, $0x7FFFFFFF, v8;
	(ifvalue) =	ssetifvalue $0x7FFFFFFF  }
0x89: {  	s21 =	sadd.s32 $0x280, s20;
	(ifvalue) =	ssetifvalue $0x7FFFFFFF  }
0x8a: {  	[tilespmem:s21], [sflag:$0x1] =	stream.indirect_vreg.gather [hbm4b:s3+s10], $0x1, v3, vm0, $0x4038;
	[tilespmem:$0x900] =	vst v63  }
.Ltmp3:
0x8b: {  	v1 =	vnsel vm1, $0x7FFFFFFF, v1;
	(ifvalue) =	ssetifvalue $0x7FFFFFFF;
	(pc) =	sbr.rel @p1 .LBB2_3-.Ltmp3, $4  }
0x8c: {  	s21 =	sadd.s32 $0x300, s20;
	(ifvalue) =	ssetifvalue $0x7FFFFFFF  }
0x8d: {  	[tilespmem:s21], [sflag:$0x1] =	stream.indirect_vreg.gather [hbm4b:s3+s10], $0x1, v2, vm0, $0x4038;
	[tilespmem:$0x900] =	vst v63  }
0x8e: {  	s18 =	sadd.s32 $0xFFFFFFF0, s18;
	(ifvalue) =	ssetifvalue $0x7FFFFFFF  }
0x8f: {  	s21 =	sadd.s32 $0x380, s20;
	s20 =	smov.u32 s19;
	(ifvalue) =	ssetifvalue $0x7FFFFFFF  }
.Ltmp4:
0x90: {  	_ = 	snop;
	(pc) =	sbr.rel .LBB2_4-.Ltmp4, $1  }
0x91: {  	_ =	sdelay $0x3  }
.LBB2_6:
0x92: {  	_ =	sfence.sel $0x180000  }
0x93: {  	s2 =	simm.s32 $0x2;
	[bflag:$0x0] =	sbarrier.arrive $0xFFFF  }
0x94: {  	s30 =	simm.s32 $0x3;
	[sflag:s2] =	ssyncpa.u1 $0x1  }
0x95: {  	s31 =	simm.s32 $0x1;
	[sflag:s30] =	ssyncpa.u1 $0x1  }
0x96: {  	[sflag:s31] =	ssyncpa.u1 $0x1  }
0x97: {  	p0 =	sne.s32 s1, $0x0;
	_ =	strace $0x9000004D  }
0x98: {  	s0 =	sadd.s32 @!p0 $0x100000, s0;
	[bflag:$0x2] =	sbarrier.arrive $0xFFFF  }
0x99: {  	[sflag:s0] =	ssyncadd.tile.s32 @!p0 $0x1;
	_ =	shalt  }
.Lfunc_end2:
_tile_overlayer_lowered:
.L_overlay_start_2:
0x9a: {  	(tag) =	ssettag $0x2  }
0x9b: {  	s0 =	rddreg [dreg:$0x0];
	s2 =	stileid.u32  }
0x9c: {  	s1 =	rddreg [dreg:$0x1];
	p0 =	sne.s32 s2, $0x0  }
0x9d: {  	s3 =	rddreg [dreg:$0x2];
	[bflag:$0x3] =	sbarrier.arrive $0xFFFF;
	s2 =	simm.s32 @!p0 $0x1C01  }
0x9e: {  	[timem:s3], [sflag:s2] =	dma.local @!p0 [hbm:s0], s1  }
0x9f: {  	s0 =	simm.s32 @!p0 $0x1  }
0xa0: {  	_ =	swait.ge @!p0 [sflag:s0], s1  }
0xa1: {  	s1 =	ssub.s32 @!p0 $0x0, s1;
	[sflag:s0] =	ssyncset.done @!p0 $0x0  }
0xa2: {  	[sflag:s0] =	ssyncadd.s32 @!p0 s1  }
0xa3: {  	[bflag:$0x3] =	sbarrier.arrive $0xFFFF  }
0xa4: {  	_ =	shalt  }

// kernel: gather_offload_async_start
scs
__scs_entry_jumppad:
0x0: {  	(pc) =	sbr.rel $0x88, $3  }
0x1: {  	(tag) =	ssettag $0x0;
	lr =	simm.s32 $0x1  }
0x2: {  	[smem:$0x3F77] =	sst lr;
	_ =	strace $0xD0000000  }
0x3: {  	_ = 	snop  }
0x4: {  	_ = 	snop  }
0x5: {  	_ = 	snop  }
0x6: {  	_ = 	snop  }
0x7: {  	_ = 	snop  }
__scs_overlays_trampoline_lowered:
0x8: {  	[smem:$0x3F86] =	sst s0  }
0x9: {  	[smem:$0x3F87] =	sst s1  }
0xa: {  	[smem:$0x3F88] =	sst s2  }
0xb: {  	[smem:$0x3F89] =	sst s3  }
0xc: {  	[smem:$0x3F8A] =	sst s4  }
0xd: {  	[smem:$0x3F8B] =	sst s5  }
0xe: {  	[smem:$0x3F8C] =	sst s6  }
0xf: {  	[smem:$0x3F8D] =	sst s7  }
0x10: {  	[smem:$0x3F8E] =	sst s8  }
0x11: {  	[smem:$0x3F8F] =	sst s9;
	s0 =	simm.s32 @!p0 $0x0  }
0x12: {  	s1 =	sld [smem:$0x3F75];
	s0 =	simm.s32 @p0 $0x1  }
0x13: {  	[smem:$0x3F90] =	sst s0;
	s0 =	simm.s32 @!p1 $0x0  }
0x14: {  	s2 =	sld [smem:$0x3F74];
	s0 =	simm.s32 @p1 $0x1  }
0x15: {  	[smem:$0x3F91] =	sst s0;
	s0 =	simm.s32 @!p2 $0x0  }
0x16: {  	s3 =	sld [smem:$0x3FDB];
	s0 =	simm.s32 @p2 $0x1  }
0x17: {  	s4 =	simm.s32 $0x1BF5;
	[smem:$0x3F93] =	sst s0  }
0x18: {  	s0 =	sld [smem:$0x3F76];
	_ =	swait.ge [sflag:s4], $0x0  }
0x19: {  	s7 =	sld [smem:$0x3F77]  }
0x1a: {  	s8 =	sadd.s32 $0xFFFFE003, lr  }
0x1b: {  	s9 =	sadd.s32 $0xFFFFFEF7, lr;
	s5 =	simm.s32 $0xFFFFFFFF;
	p2 =	slt.u32 s8, $0xFFFFF086  }
0x1c: {  	p1 =	slt.u32 s9, $0xF7A;
	s5 =	simm.s32 @!p2 $0x0  }
0x1d: {  	s5 =	simm.s32 @p1 $0x1;
	p0 =	seq.s32 s7, s2  }
0x1e: {  	s7 =	smul.u32 @!p0 $0xF7A, s2;
	p2 =	seq.s32 @!p0 s5, $0x0  }
0x1f: {  	s9 =	smul.u32 $0xF7A, s1;
	s8 =	simm.s32 @!p0 $0x1BF5;
	p2 =	por !p2, p0  }
0x20: {  	[sflag:s8] =	ssyncset.s32 @!p0 $0xFFFFF086;
	s6 =	sadd.s32 @!p0 s3, s7;
	s7 =	simm.s32 @!p0 $0x108  }
0x21: {  	s3 =	sadd.s32 s3, s9;
	s6 =	sadd.s32 @!p0 $0x88, s6;
	s7 =	simm.s32 @p2 $0x1082  }
0x22: {  	[simem:s7], [sflag:s8] =	dma.local @!p0 [hbm:s6], $0xF7A  }
0x23: {  	s9 =	sor.u32 $0xD0000000, s2;
	s6 =	simm.s32 $0x108;
	_ =	swait.ge @!p0 [sflag:s8], $0x0  }
0x24: {  	s3 =	sadd.s32 $0x88, s3;
	s6 =	simm.s32 @!p1 $0x1082;
	[sflag:s4] =	ssyncset.s32 $0xFFFFF086  }
0x25: {  	[simem:s6], [sflag:s4] =	dma.local [hbm:s3], $0xF7A  }
0x26: {  	[smem:$0x3F77] =	sst s1;
	(tag) =	ssettag s2;
	_ =	strace s9  }
0x27: {  	s1 =	sld [smem:$0x3F87]  }
0x28: {  	s2 =	sld [smem:$0x3F88]  }
0x29: {  	s4 =	sld [smem:$0x3F8A]  }
0x2a: {  	p0 =	seq.s32 s5, $0x0;
	s5 =	sld [smem:$0x3F8B]  }
0x2b: {  	s6 =	sld [smem:$0x3F8C]  }
0x2c: {  	s7 =	sld [smem:$0x3F8D]  }
0x2d: {  	s3 =	simm.s32 $0x108;
	s8 =	sld [smem:$0x3F8E]  }
0x2e: {  	s3 =	simm.s32 @!p0 $0x1082;
	s9 =	sld [smem:$0x3F8F]  }
0x2f: {  	lr =	sadd.s32 s0, s3;
	s0 =	sld [smem:$0x3F86]  }
0x30: {  	s3 =	sld [smem:$0x3F89]  }
0x31: {  	[smem:$0x3F92] =	sst s10  }
0x32: {  	s10 =	sld [smem:$0x3F90];
	_ =	sdelay $0x3  }
0x33: {  	p0 =	seq.s32 s10, $0x1;
	s10 =	sld [smem:$0x3F92];
	_ =	sdelay $0x3  }
0x34: {  	[smem:$0x3F92] =	sst s10  }
0x35: {  	s10 =	sld [smem:$0x3F91];
	_ =	sdelay $0x3  }
0x36: {  	p1 =	seq.s32 s10, $0x1;
	s10 =	sld [smem:$0x3F92];
	_ =	sdelay $0x3  }
0x37: {  	[smem:$0x3F92] =	sst s10  }
0x38: {  	s10 =	sld [smem:$0x3F93]  }
0x39: {  	_ = 	snop;
	(pc) =	sbr.ind lr, $3  }
0x3a: {  	_ = 	snop  }
0x3b: {  	_ = 	snop  }
0x3c: {  	p2 =	seq.s32 s10, $0x1;
	s10 =	sld [smem:$0x3F92]  }
0x3d: {  	_ =	shalt  }
0x3e: {  	_ =	shalt  }
0x3f: {  	_ =	shalt  }
0x40: {  	_ =	shalt  }
0x41: {  	_ =	shalt  }
0x42: {  	_ =	shalt  }
0x43: {  	_ =	shalt  }
0x44: {  	_ =	shalt  }
0x45: {  	_ =	shalt  }
0x46: {  	_ =	shalt  }
0x47: {  	_ =	shalt  }
0x48: {  	_ =	shalt  }
0x49: {  	_ =	shalt  }
0x4a: {  	_ =	shalt  }
0x4b: {  	_ =	shalt  }
0x4c: {  	_ =	shalt  }
0x4d: {  	_ =	shalt  }
0x4e: {  	_ =	shalt  }
0x4f: {  	_ =	shalt  }
0x50: {  	_ =	shalt  }
0x51: {  	_ =	shalt  }
0x52: {  	_ =	shalt  }
0x53: {  	_ =	shalt  }
0x54: {  	_ =	shalt  }
0x55: {  	_ =	shalt  }
0x56: {  	_ =	shalt  }
0x57: {  	_ =	shalt  }
0x58: {  	_ =	shalt  }
0x59: {  	_ =	shalt  }
0x5a: {  	_ =	shalt  }
0x5b: {  	_ =	shalt  }
0x5c: {  	_ =	shalt  }
0x5d: {  	_ =	shalt  }
0x5e: {  	_ =	shalt  }
0x5f: {  	_ =	shalt  }
0x60: {  	_ =	shalt  }
0x61: {  	_ =	shalt  }
0x62: {  	_ =	shalt  }
0x63: {  	_ =	shalt  }
0x64: {  	_ =	shalt  }
0x65: {  	_ =	shalt  }
0x66: {  	_ =	shalt  }
0x67: {  	_ =	shalt  }
0x68: {  	_ =	shalt  }
0x69: {  	_ =	shalt  }
0x6a: {  	_ =	shalt  }
0x6b: {  	_ =	shalt  }
0x6c: {  	_ =	shalt  }
0x6d: {  	_ =	shalt  }
0x6e: {  	_ =	shalt  }
0x6f: {  	_ =	shalt  }
0x70: {  	_ =	shalt  }
0x71: {  	_ =	shalt  }
0x72: {  	_ =	shalt  }
0x73: {  	_ =	shalt  }
0x74: {  	_ =	shalt  }
0x75: {  	_ =	shalt  }
0x76: {  	_ =	shalt  }
0x77: {  	_ =	shalt  }
0x78: {  	_ =	shalt  }
0x79: {  	_ =	shalt  }
0x7a: {  	_ =	shalt  }
0x7b: {  	_ =	shalt  }
0x7c: {  	_ =	shalt  }
0x7d: {  	_ =	shalt  }
0x7e: {  	_ =	shalt  }
0x7f: {  	_ =	shalt  }
0x80: {  	_ =	shalt  }
0x81: {  	_ =	shalt  }
0x82: {  	_ =	shalt  }
0x83: {  	_ =	shalt  }
0x84: {  	_ =	shalt  }
0x85: {  	_ =	shalt  }
0x86: {  	_ =	shalt  }
0x87: {  	_ =	shalt  }
.Lfunc_end0:
.L_simem_size_0:
called_computation.1_lowered:
.L_overlay_start_0:
0x88: {  	s2 =	sld [smem:$0x3FD9]  }
0x89: {  	s3 =	sld [smem:$0x3FFE];
	_ =	sdelay $0x1  }
0x8a: {  	s1 =	srdreg.scid  }
0x8b: {  	s0 =	sand.u32 $0x1, s1  }
0x8c: {  	s16 =	sshll.u32 s0, $0xA;
	s2 =	sadd.s32 s3, s2  }
0x8d: {  	s2 =	sadd.s32 s2, s16  }
0x8e: {  	[smem:$0x3F9E] =	sst s2  }
0x8f: {  	_ = 	snop  }
0x90: {  	(tm) =	ssettm $0x1  }
0x91: {  	s17 =	sld [smem:$0x3FFB];
	_ =	sdelay $0x3  }
0x92: {  	_ =	strace s17  }
0x93: {  	s2 =	sld [smem:$0x3FFC];
	_ =	sdelay $0x3  }
0x94: {  	_ =	strace s2  }
0x95: {  	s2 =	sld [smem:$0x3FFD];
	_ =	sdelay $0x3  }
0x96: {  	_ =	strace s2  }
0x97: {  	_ =	strace $0x8FFFFFFF  }
0x98: {  	s18 =	sld [smem:$0x3FDB];
	_ =	sdelay $0x1  }
0x99: {  	s19 =	simm.s32 $_scs_section_size  }
0x9a: {  	s4 =	simm.s32 $_size__tile_overlayer_lowered;
	s5 =	simm.s32 $_tile_overlayer_lowered  }
0x9b: {  	s22 =	simm.s32 $0x1BFF;
	s21 =	sshll.u32 s5, $0x1;
	s2 =	sadd.s32 s19, s18  }
0x9c: {  	s6 =	simm.s32 $0x0;
	s20 =	sshll.u32 s4, $0x1;
	s4 =	sadd.s32 s21, s2  }
0x9d: {  	[timem:s6], [sflag:s22] =	dma.local [hbm:s4], s20  }
0x9e: {  	_ =	swait.ge [sflag:s22], s20  }
0x9f: {  	s3 =	ssub.s32 $0x0, s20;
	[sflag:s22] =	ssyncset.done $0x0  }
0xa0: {  	[sflag:s22] =	ssyncadd.s32 s3;
	_ =	sdelay $0x1  }
0xa1: {  	s23 =	simm.s32 $0x1B8B  }
0xa2: {  	_ =	swait.ge [sflag:s23], $0x1  }
0xa3: {  	[sflag:s23] =	ssyncset.done $0x0  }
0xa4: {  	s25 =	simm.s32 $0x1B8E;
	s24 =	sld [smem:$0x3FFE];
	[sflag:s23] =	ssyncadd.s32 $0xFFFFFFFF  }
0xa5: {  	s26 =	simm.s32 $execute0_lowered;
	[smem:$0x3FD2] =	sst s25  }
0xa6: {  	s4 =	sshll.u32 s26, $0x1;
	_ =	strace $0x80000049;
	[dreg:$0x1] =	wrdreg $0xFFFFFFFF  }
0xa7: {  	s28 =	simm.s32 $_size_execute0_lowered;
	s2 =	sadd.s32 s2, s4;
	[dreg:$0x0] =	wrdreg $0x0  }
0xa8: {  	s4 =	sshll.u32 s28, $0x1;
	[dreg:$0x2] =	wrdreg s2  }
0xa9: {  	[dreg:$0x3] =	wrdreg s4  }
0xaa: {  	[dreg:$0x4] =	wrdreg $0xC0  }
0xab: {  	_ =	task [dreg:s6], $0x5FFFF  }
0xac: {  	[dreg:$0x1] =	wrdreg $0xFFFFFFFF  }
0xad: {  	[dreg:$0x0] =	wrdreg $0x60  }
0xae: {  	[dreg:$0x2] =	wrdreg s24  }
0xaf: {  	[dreg:$0x3] =	wrdreg $0x9  }
0xb0: {  	_ =	task.clear_ibuf [dreg:s6], $0x4FFFF;
	_ =	strace $0x90000049  }
0xb1: {  	s29 =	simm.s32 $0x9;
	_ =	strace $0x8000004B  }
0xb2: {  	_ =	swait.ge [sflag:s29], $0x1  }
0xb3: {  	[sflag:s29] =	ssyncadd.s32 $0xFFFFFFFF  }
0xb4: {  	_ =	strace $0x9000004B  }
0xb5: {  	_ =	sfence  }
0xb6: {  	s30 =	sld [smem:$0x0];
	_ =	sdelay $0x2  }
0xb7: {  	s31 =	sshll.u32 s1, $0xD;
	s1 =	sshrl.u32 s1, $0x2  }
0xb8: {  	s3 =	sand.u32 $0x4000, s31;
	s1 =	sadd.s32 s1, s30  }
0xb9: {  	s0 =	sor.u32 s3, s0;
	s1 =	sshll.u32 s1, $0x11  }
0xba: {  	s0 =	sor.u32 s1, s0  }
0xbb: {  	s0 =	sadd.s32 $0x8F2B, s0  }
0xbc: {  	[sflag:s0] =	ssyncadd.remote.s32 $0x1  }
0xbd: {  	_ =	sfence.sel $0xFFFF  }
0xbe: {  	[dreg:$0x0] =	wrdreg $0xFFFFFFFF;
	(pc) =	sbr.abs _section_cstart, $3  }
0xbf: {  	[dreg:$0x1] =	wrdreg $0xFFFFFFFF  }
0xc0: {  	_ =	task.clear_ibuf [dreg:s6], $0x2FFFF;
	_ =	strace $0x9FFFFFFF  }
0xc1: {  	(tm) =	ssettm $0x7FFFFFFF  }
tec
execute0_lowered:
.L_overlay_start_1:
0x0: {  	(tag) =	ssettag $0x1  }
0x1: {  	s8 =	rddreg [dreg:$0x0]  }
0x2: {  	s0 =	rddreg [dreg:$0x1];
	_ =	strace $0x8000004A;
	s1 =	stileid.u32  }
0x3: {  	s3 =	srdreg.scid;
	s4 =	simm.s32 $0x1;
	s7 =	simm.s32 $0x1  }
0x4: {  	s9 =	simm.s32 $0x1;
	s10 =	simm.s32 $0x3;
	s13 =	simm.s32 $0x0  }
0x5: {  	s12 =	simm.s32 $0x0;
	s5 =	sand.u32 $0x1, s3;
	s6 =	sshll.u32 s1, $0x1  }
0x6: {  	s2 =	sadd.s32 $0x9E00, s8;
	s3 =	sadd.s32 $0x6BE00, s8;
	s5 =	sor.u32 s6, s5  }
.Ltmp0:
0x7: {  	[sflag:s4] =	ssyncpa.u1 $0x0;
	p0 =	slt.u32 s5, $0x13;
	(pc) =	sbr.rel .LBB2_1-.Ltmp0, $4  }
0x8: {  	s6 =	simm.s32 $0x2;
	s7 =	simm.s32 @!p0 $0x0;
	p0 =	sne.s32 s5, $0x12  }
0x9: {  	[sflag:s6] =	ssyncpa.u1 $0x0;
	s5 =	smul.u32 $0x7D00, s5;
	s9 =	simm.s32 @!p0 $0x0  }
0xa: {  	s8 =	sadd.s32 $0x3AE200, s8;
	[sflag:s10] =	ssyncpa.u1 $0x0;
	s7 =	sadd.s32 s9, s7  }
0xb: {  	vm0 =	vmmov $0xffff;
	s10 =	simm.s32 $0x0;
	s11 =	smov.u32 s5;
	s9 =	sadd.s32 $0x1, s7  }
.LBB2_4:
0xc: {  	v2 =	vnsel vm1, $0x0, v2  }
0xd: {  	vm1 =	vgt.s32 v0, $0x0;
	v2 =	vmin.u32 v2, $0x1869FF  }
0xe: {  	v0 =	vnsel vm1, $0x0, v0  }
0xf: {  	v0 =	vmin.u32 v0, $0x1869FF  }
0x10: {  	[tilespmem:s18], [sflag:$0x1] =	stream.indirect_vreg.gather [hbm4b:s2+s10], $0x1, v1, vm0, $0x4038;
	[tilespmem:$0x1F400] =	vst v63  }
0x11: {  	(ifvalue) =	ssetifvalue $0x7FFFFFFF  }
0x12: {  	[tilespmem:s15], [sflag:$0x1] =	stream.indirect_vreg.gather [hbm4b:s2+s10], $0x1, v2, vm0, $0x4038;
	[tilespmem:$0x1F400] =	vst v63  }
0x13: {  	s29 =	sadd.s32 $0x10, s15;
	(ifvalue) =	ssetifvalue $0x7FFFFFFF  }
0x14: {  	[tilespmem:s29], [sflag:$0x1] =	stream.indirect_vreg.gather [hbm4b:s2+s10], $0x1, v0, vm0, $0x4038;
	[tilespmem:$0x1F400] =	vst v63  }
0x15: {  	_ =	swait.ge [sflag:s4], $0x7D00  }
0x16: {  	s30 =	sshrl.u32 s13, $0x3;
	[sflag:s4] =	ssyncset.done $0x0  }
0x17: {  	s31 =	sand.u32 $0x7, s13;
	s15 =	sadd.s32 s8, s30;
	[sflag:s4] =	ssyncadd.s32 $0xFFFF8300  }
0x18: {  	[hbm4b:s15+s31] =	stream.linear.scatter [tilespmem:s14], [sflag:$0x3], $0x7D00, $0x38;
	[tilespmem:$0x1F400] =	vst v63  }
.LBB2_5:
0x19: {  	s15 =	sadd.s32 $0xFA000, s11  }
0x1a: {  	p1 =	sgt.s32 s15, $0x1869FF  }
0x1b: {  	s15 =	smov.u32 @p1 s5;
	p1 =	sne.s32 s12, s9  }
.Ltmp1:
0x1c: {  	p0 =	slt.u32 s12, $0x2;
	(pc) =	sbr.rel @!p1 .LBB2_6-.Ltmp1, $4  }
0x1d: {  	s14 =	simm.s32 @!p0 $0x3  }
0x1e: {  	_ =	swait.ge @!p0 [sflag:s14], $0x7D00  }
0x1f: {  	s16 =	sadd.s32 $0x1, s12;
	s13 =	smov.u32 s11;
	[sflag:s14] =	ssyncset.done @!p0 $0x0  }
0x20: {  	s12 =	smov.u32 s16;
	s11 =	smov.u32 s15;
	[sflag:s14] =	ssyncadd.s32 @!p0 $0xFFFF8300  }
.LBB2_1:
0x21: {  	p0 =	sge.u32 s12, s7  }
0x22: {  	s14 =	sxor.u32 @!p0 $0x1, s12  }
0x23: {  	s14 =	smul.u32 @!p0 $0x1F400, s14  }
0x24: {  	s31 =	sadd.s32 $0xFFFFFFFF, s12;
	s15 =	sshrl.u32 @!p0 s11, $0x3  }
0x25: {  	s16 =	sand.u32 @!p0 $0x7, s11;
	s15 =	sadd.s32 @!p0 s3, s15;
	s14 =	sshra.s32 @!p0 s14, $0x2  }
0x26: {  	[tilespmem:s14], [sflag:$0x2] =	stream.linear.gather @!p0 [hbm4b:s15+s16], $0x7D00, $0x38;
	[tilespmem:$0x1F400] =	vst v63  }
0x27: {  	p0 =	sge.u32 s31, s7  }
.Ltmp2:
0x28: {  	_ = 	snop;
	(pc) =	sbr.rel @p0 .LBB2_5-.Ltmp2, $1  }
0x29: {  	_ =	sdelay $0x3  }
0x2a: {  	s14 =	sand.u32 $0x1, s12  }
0x2b: {  	_ =	swait.ge [sflag:s6], $0x7D00;
	p0 =	seq.s32 s14, $0x1;
	s14 =	simm.s32 $0x7D00  }
0x2c: {  	[sflag:s6] =	ssyncset.done $0x0;
	s14 =	simm.s32 @!p0 $0x0  }
0x2d: {  	[sflag:s6] =	ssyncadd.s32 $0xFFFF8300;
	(ifvalue) =	ssetifvalue $0x7FFFFFFF;
	v0 =	vld.msk [tilespmem:s14+$0x0 ss:$0x1], $0xffff;
	_ =	sdelay $0x4  }
0x2e: {  	s15 =	sadd.s32 $0x10, s14;
	vm1 =	vgt.s32 v0, $0x0  }
0x2f: {  	v2 =	vld.msk [tilespmem:s15+$0x0 ss:$0x1], $0xffff;
	v1 =	vnsel vm1, $0x0, v0  }
0x30: {  	v1 =	vmin.u32 v1, $0x1869FF;
	_ =	sdelay $0x2  }
0x31: {  	s17 =	simm.s32 $0x20;
	s14 =	sadd.s32 $0xFA00, s14;
	s16 =	sadd.s32 $0x10, s15  }
0x32: {  	s15 =	sadd.s32 $0x10, s14;
	s18 =	smov.u32 s14;
	v0 =	vld.msk [tilespmem:s16+$0x0 ss:$0x1], $0xffff;
	vm1 =	vgt.s32 v2, $0x0;
	(ifvalue) =	ssetifvalue $0x7FFFFFFF  }
.LBB2_3:
0x33: {  	[tilespmem:s18], [sflag:$0x1] =	stream.indirect_vreg.gather [hbm4b:s2+s10], $0x1, v1, vm0, $0x4038;
	[tilespmem:$0x1F400] =	vst v63  }
0x34: {  	s17 =	sadd.s32 $0x10, s17  }
0x35: {  	v2 =	vnsel vm1, $0x0, v2;
	p0 =	slt.u32 s17, $0x7CF0  }
.Ltmp3:
0x36: {  	s18 =	smov.u32 s15;
	v1 =	vmin.u32 v2, $0x1869FF;
	(pc) =	sbr.rel @p0 .LBB2_3-.Ltmp3, $3  }
0x37: {  	_ =	sdelay $0x1  }
0x38: {  	s16 =	sadd.s32 $0x10, s16  }
0x39: {  	vm1 =	vgt.s32 v0, $0x0;
	s15 =	sadd.s32 $0x10, s15;
	v2 =	vmov v0;
	(ifvalue) =	ssetifvalue $0x7FFFFFFF;
	v0 =	vld.msk [tilespmem:s16+$0x0 ss:$0x1], $0xffff  }
.Ltmp4:
0x3a: {  	_ = 	snop;
	(pc) =	sbr.rel .LBB2_4-.Ltmp4, $1  }
0x3b: {  	_ =	sdelay $0x3  }
.LBB2_6:
0x3c: {  	_ =	sfence.sel $0x180000  }
0x3d: {  	s2 =	simm.s32 $0x2;
	[bflag:$0x0] =	sbarrier.arrive $0xFFFF  }
0x3e: {  	s30 =	simm.s32 $0x3;
	[sflag:s2] =	ssyncpa.u1 $0x1  }
0x3f: {  	s31 =	simm.s32 $0x1;
	[sflag:s30] =	ssyncpa.u1 $0x1  }
0x40: {  	[sflag:s31] =	ssyncpa.u1 $0x1  }
0x41: {  	p0 =	sne.s32 s1, $0x0;
	_ =	strace $0x9000004A  }
0x42: {  	s0 =	sadd.s32 @!p0 $0x100000, s0;
	[bflag:$0x2] =	sbarrier.arrive $0xFFFF  }
0x43: {  	[sflag:s0] =	ssyncadd.tile.s32 @!p0 $0x1;
	_ =	shalt  }
.Lfunc_end2:
_tile_overlayer_lowered:
.L_overlay_start_2:
0x44: {  	(tag) =	ssettag $0x2  }
0x45: {  	s0 =	rddreg [dreg:$0x0];
	s2 =	stileid.u32  }
0x46: {  	s1 =	rddreg [dreg:$0x1];
	p0 =	sne.s32 s2, $0x0  }
0x47: {  	s3 =	rddreg [dreg:$0x2];
	[bflag:$0x3] =	sbarrier.arrive $0xFFFF;
	s2 =	simm.s32 @!p0 $0x1C01  }
0x48: {  	[timem:s3], [sflag:s2] =	dma.local @!p0 [hbm:s0], s1  }
0x49: {  	s0 =	simm.s32 @!p0 $0x1  }
0x4a: {  	_ =	swait.ge @!p0 [sflag:s0], s1  }
0x4b: {  	s1 =	ssub.s32 @!p0 $0x0, s1;
	[sflag:s0] =	ssyncset.done @!p0 $0x0  }
0x4c: {  	[sflag:s0] =	ssyncadd.s32 @!p0 s1  }
0x4d: {  	[bflag:$0x3] =	sbarrier.arrive $0xFFFF  }
0x4e: {  	_ =	shalt  }

// kernel: sparse-core-data-format-call.cloned.1.call-start
scs
called_computation_lowered:
.L_overlay_start_0:
0x0: {  	s2 =	sld [smem:$0x3FD9]  }
0x1: {  	s3 =	sld [smem:$0x3FFE];
	_ =	sdelay $0x1  }
0x2: {  	s1 =	srdreg.scid  }
0x3: {  	s0 =	sand.u32 $0x1, s1  }
0x4: {  	s15 =	sshll.u32 s0, $0xA;
	s2 =	sadd.s32 s3, s2  }
0x5: {  	s2 =	sadd.s32 s2, s15  }
0x6: {  	[smem:$0x3F9E] =	sst s2  }
0x7: {  	_ = 	snop  }
0x8: {  	s2 =	sld [smem:$0x3FD0];
	_ =	sdelay $0x2  }
0x9: {  	s16 =	simm.s32 $0xA;
	s4 =	simm.s32 $0x10  }
0xa: {  	[smem:s4], [sflag:s16] =	dma.local [hbm:s2], $0x1  }
0xb: {  	_ =	swait.eq [sflag:s16], $0x1  }
0xc: {  	[sflag:s16] =	ssyncset.done $0x0  }
0xd: {  	[sflag:s16] =	ssyncadd.s32 $0xFFFFFFFF  }
0xe: {  	s17 =	sld [smem:$0x11];
	(tm) =	ssettm $0x1  }
0xf: {  	s18 =	sld [smem:$0x3FFB];
	_ =	sdelay $0x3  }
0x10: {  	_ =	strace s18  }
0x11: {  	s3 =	sld [smem:$0x3FFC];
	_ =	sdelay $0x3  }
0x12: {  	_ =	strace s3  }
0x13: {  	s3 =	sld [smem:$0x3FFD];
	_ =	sdelay $0x3  }
0x14: {  	_ =	strace s3  }
0x15: {  	_ =	strace $0x8FFFFFFF  }
0x16: {  	s19 =	sld [smem:$0x3FDB];
	_ =	sdelay $0x1  }
0x17: {  	s20 =	simm.s32 $_scs_section_size  }
0x18: {  	s5 =	simm.s32 $_size__tile_overlayer_lowered;
	s6 =	simm.s32 $_tile_overlayer_lowered  }
0x19: {  	s23 =	simm.s32 $0x1BFF;
	s22 =	sshll.u32 s6, $0x1;
	s3 =	sadd.s32 s20, s19  }
0x1a: {  	s7 =	simm.s32 $0x0;
	s21 =	sshll.u32 s5, $0x1;
	s5 =	sadd.s32 s22, s3  }
0x1b: {  	[timem:s7], [sflag:s23] =	dma.local [hbm:s5], s21  }
0x1c: {  	_ =	swait.ge [sflag:s23], s21  }
0x1d: {  	s4 =	ssub.s32 $0x0, s21;
	[sflag:s23] =	ssyncset.done $0x0  }
0x1e: {  	[sflag:s23] =	ssyncadd.s32 s4;
	_ =	sdelay $0x1  }
0x1f: {  	s24 =	simm.s32 $0x1B8B  }
0x20: {  	_ =	swait.ge [sflag:s24], $0x1  }
0x21: {  	[sflag:s24] =	ssyncset.done $0x0  }
0x22: {  	s26 =	simm.s32 $0x1B8E;
	s25 =	sld [smem:$0x3FFE];
	[sflag:s24] =	ssyncadd.s32 $0xFFFFFFFF  }
0x23: {  	s27 =	simm.s32 $execute0_lowered;
	[smem:$0x3FD2] =	sst s26  }
0x24: {  	s5 =	sshll.u32 s27, $0x1;
	_ =	strace $0x8000004F;
	[dreg:$0x1] =	wrdreg $0xFFFFFFFF  }
0x25: {  	s28 =	simm.s32 $_size_execute0_lowered;
	s3 =	sadd.s32 s3, s5;
	[dreg:$0x0] =	wrdreg $0x0  }
0x26: {  	s5 =	sshll.u32 s28, $0x1;
	[dreg:$0x2] =	wrdreg s3  }
0x27: {  	[dreg:$0x3] =	wrdreg s5  }
0x28: {  	[dreg:$0x4] =	wrdreg $0xC0  }
0x29: {  	_ =	task [dreg:s7], $0x5FFFF  }
0x2a: {  	[dreg:$0x1] =	wrdreg $0xFFFFFFFF  }
0x2b: {  	[dreg:$0x0] =	wrdreg $0x60  }
0x2c: {  	[dreg:$0x2] =	wrdreg s25  }
0x2d: {  	[dreg:$0x3] =	wrdreg s17  }
0x2e: {  	[dreg:$0x4] =	wrdreg $0x9  }
0x2f: {  	_ =	task.clear_ibuf [dreg:s7], $0x5FFFF;
	_ =	strace $0x9000004F  }
0x30: {  	s29 =	simm.s32 $0x9;
	_ =	strace $0x80000051  }
0x31: {  	_ =	swait.ge [sflag:s29], $0x1  }
0x32: {  	[sflag:s29] =	ssyncadd.s32 $0xFFFFFFFF  }
0x33: {  	_ =	strace $0x90000051  }
0x34: {  	_ =	sfence  }
0x35: {  	s30 =	sld [smem:$0x0];
	_ =	sdelay $0x2  }
0x36: {  	s31 =	sshll.u32 s1, $0xD;
	s1 =	sshrl.u32 s1, $0x2  }
0x37: {  	s3 =	sand.u32 $0x4000, s31;
	s1 =	sadd.s32 s1, s30  }
0x38: {  	s0 =	sor.u32 s3, s0;
	s1 =	sshll.u32 s1, $0x11  }
0x39: {  	s0 =	sor.u32 s1, s0  }
0x3a: {  	s0 =	sadd.s32 $0x8F2B, s0  }
0x3b: {  	[sflag:s0] =	ssyncadd.remote.s32 $0x1  }
0x3c: {  	_ =	sfence.sel $0xFFFF  }
0x3d: {  	[dreg:$0x0] =	wrdreg $0xFFFFFFFF;
	(pc) =	sbr.abs _section_cstart, $3  }
0x3e: {  	[dreg:$0x1] =	wrdreg $0xFFFFFFFF  }
0x3f: {  	_ =	task.clear_ibuf [dreg:s7], $0x2FFFF;
	_ =	strace $0x9FFFFFFF  }
0x40: {  	(tm) =	ssettm $0x7FFFFFFF  }
0x41: {  	_ =	shalt  }
tec
execute0_lowered:
.L_overlay_start_1:
0x0: {  	(tag) =	ssettag $0x1  }
0x1: {  	s0 =	srdreg.scid  }
0x2: {  	s1 =	sshll.u32 s0, $0x4  }
0x3: {  	s6 =	rddreg [dreg:$0x0];
	s0 =	stileid.u32;
	s1 =	sand.u32 $0x10, s1  }
0x4: {  	s3 =	rddreg [dreg:$0x1];
	s1 =	sor.u32 s0, s1  }
0x5: {  	s7 =	simm.s32 $0x1;
	s8 =	simm.s32 $0x2;
	s2 =	sshll.u32 s1, $0x7  }
0x6: {  	s10 =	simm.s32 $0x0;
	s9 =	simm.s32 $0x0;
	s5 =	ssub.s32 $0x186A00, s2  }
.Ltmp0:
0x7: {  	s6 =	sadd.s32 $0x4D05200, s6;
	s4 =	sand.u32 $0xF80, s5;
	(pc) =	sbr.rel .LBB1_1-.Ltmp0, $4  }
0x8: {  	s1 =	rddreg [dreg:$0x2];
	_ =	strace $0x80000050;
	p0 =	sne.s32 s4, $0x0  }
0x9: {  	s5 =	sshrl.u32 s5, $0xC;
	s4 =	simm.s32 $0x1;
	s7 =	simm.s32 @!p0 $0x0  }
0xa: {  	[sflag:s4] =	ssyncpa.u1 $0x0;
	p0 =	por $0x0, $0x0;
	s5 =	sadd.s32 s7, s5  }
0xb: {  	[sflag:s8] =	ssyncpa.u1 $0x0;
	s8 =	smov.u32 s2;
	s7 =	sadd.s32 $0x1, s5  }
.LBB1_4:
0xc: {  	[tilespmem:s20+$0xFFFFFFFA ss:$0x81] =	vst.msk $0xff, v4  }
0xd: {  	v4 =	vld.msk [tilespmem:s21+$0xFFFFFFF0], $0xff;
	_ =	sdelay $0x3  }
0xe: {  	[tilespmem:s18+$0xFFFFFFFB ss:$0x81] =	vst.msk $0xff, v3  }
0xf: {  	v3 =	vld.msk [tilespmem:s19+$0xFFFFFFF8], $0xff;
	[tilespmem:s20+$0xFFFFFFFB ss:$0x81] =	vst.msk $0xff, v4  }
0x10: {  	v4 =	vld.msk [tilespmem:s21+$0xFFFFFFF8], $0xff;
	_ =	sdelay $0x3  }
0x11: {  	v5 =	vld.msk [tilespmem:s17+$0x0], $0xff;
	[tilespmem:s18+$0xFFFFFFFC ss:$0x81] =	vst.msk $0xff, v3  }
0x12: {  	v3 =	vld.msk [tilespmem:s19+$0x0], $0xff;
	[tilespmem:s20+$0xFFFFFFFC ss:$0x81] =	vst.msk $0xff, v4  }
0x13: {  	v4 =	vld.msk [tilespmem:s21+$0x0], $0xff;
	_ =	sdelay $0x2  }
0x14: {  	[tilespmem:s16+$0xFFFFFFFD ss:$0x81] =	vst.msk $0xff, v5  }
0x15: {  	v5 =	vld.msk [tilespmem:s17+$0x8], $0xff;
	[tilespmem:s18+$0xFFFFFFFD ss:$0x81] =	vst.msk $0xff, v3  }
0x16: {  	v3 =	vld.msk [tilespmem:s19+$0x8], $0xff;
	[tilespmem:s20+$0xFFFFFFFD ss:$0x81] =	vst.msk $0xff, v4  }
0x17: {  	v4 =	vld.msk [tilespmem:s21+$0x8], $0xff;
	_ =	sdelay $0x1  }
0x18: {  	[tilespmem:s13+$0xFFFFFFFE ss:$0x81] =	vst.msk $0xff, v2  }
0x19: {  	v2 =	vld.msk [tilespmem:s15+$0x10], $0xff;
	[tilespmem:s16+$0xFFFFFFFE ss:$0x81] =	vst.msk $0xff, v5  }
0x1a: {  	v5 =	vld.msk [tilespmem:s17+$0x10], $0xff;
	[tilespmem:s18+$0xFFFFFFFE ss:$0x81] =	vst.msk $0xff, v3  }
0x1b: {  	v3 =	vld.msk [tilespmem:s19+$0x10], $0xff;
	[tilespmem:s20+$0xFFFFFFFE ss:$0x81] =	vst.msk $0xff, v4  }
0x1c: {  	s23 =	sshll.u32 s10, $0x3;
	v4 =	vld.msk [tilespmem:s21+$0x10], $0xff  }
0x1d: {  	[tilespmem:s12+$0xFFFFFFFF ss:$0x81] =	vst.msk $0xff, v1;
	s23 =	sand.u32 $0xFFFFFC00, s23  }
0x1e: {  	v1 =	vld.msk [tilespmem:s14+$0x18], $0xff;
	s27 =	sshrl.u32 s23, $0x9;
	[tilespmem:s13+$0xFFFFFFFF ss:$0x81] =	vst.msk $0xff, v2  }
0x1f: {  	s14 =	smulhi.u32 $0xA7C5AD, s27;
	v2 =	vld.msk [tilespmem:s15+$0x18], $0xff;
	[tilespmem:s16+$0xFFFFFFFF ss:$0x81] =	vst.msk $0xff, v5  }
0x20: {  	v61 =	vld.msk [tilespmem:s17+$0x18], $0xff;
	[tilespmem:s18+$0xFFFFFFFF ss:$0x81] =	vst.msk $0xff, v3  }
0x21: {  	s14 =	sshrl.u32 s14, $0x3;
	v62 =	vld.msk [tilespmem:s19+$0x18], $0xff;
	[tilespmem:s20+$0xFFFFFFFF ss:$0x81] =	vst.msk $0xff, v4  }
0x22: {  	[tilespmem:s11+$0x0 ss:$0x81] =	vst.msk $0xff, v0;
	s28 =	sand.u32 $0x7F, s10;
	s29 =	smul.u32 $0x186A00, s14;
	v63 =	vld.msk [tilespmem:s21+$0x18], $0xff  }
0x23: {  	s10 =	sor.u32 s28, s23;
	[tilespmem:s12+$0x0 ss:$0x81] =	vst.msk $0xff, v1  }
0x24: {  	s30 =	sand.u32 $0x7, s14;
	s10 =	ssub.s32 s10, s29;
	[tilespmem:s13+$0x0 ss:$0x81] =	vst.msk $0xff, v2  }
0x25: {  	s11 =	smul.u32 $0x30D40, s30;
	s31 =	sshrl.u32 s10, $0x3;
	[tilespmem:s16+$0x0 ss:$0x81] =	vst.msk $0xff, v61  }
0x26: {  	s12 =	sadd.s32 s3, s31;
	[tilespmem:s18+$0x0 ss:$0x81] =	vst.msk $0xff, v62  }
0x27: {  	s10 =	sand.u32 $0x7, s10;
	s11 =	sadd.s32 s11, s12;
	[tilespmem:s20+$0x0 ss:$0x81] =	vst.msk $0xff, v63  }
0x28: {  	[hbm4b:s11+s10] =	stream.linear.scatter [tilespmem:s22], [sflag:$0x2], $0x400, $0x20;
	[tilespmem:$0x1010] =	vst v63  }
.LBB1_5:
0x29: {  	s12 =	sadd.s32 $0x1000, s8  }
0x2a: {  	p2 =	sgt.s32 s12, $0x1869FF  }
0x2b: {  	s12 =	smov.u32 @p2 s2;
	p2 =	sne.s32 s9, s7  }
.Ltmp1:
0x2c: {  	p1 =	slt.u32 s9, $0x2;
	(pc) =	sbr.rel @!p2 .LBB1_6-.Ltmp1, $4  }
0x2d: {  	s11 =	simm.s32 @!p1 $0x2  }
0x2e: {  	s13 =	sadd.s32 $0x1, s9;
	_ =	swait.ge @!p1 [sflag:s11], $0x400  }
0x2f: {  	s10 =	smov.u32 s8;
	p0 =	por !p0, !p0;
	[sflag:s11] =	ssyncset.done @!p1 $0x0  }
0x30: {  	s9 =	smov.u32 s13;
	s8 =	smov.u32 s12;
	[sflag:s11] =	ssyncadd.s32 @!p1 $0xFFFFFC00  }
.LBB1_1:
0x31: {  	p1 =	sge.u32 s9, s5  }
0x32: {  	s11 =	sand.u32 @!p1 $0x1FFFFFF, s8  }
0x33: {  	s12 =	smulhi.u32 @!p1 $0x14F8B59, s11;
	_ =	sdelay $0x1  }
0x34: {  	s12 =	sshrl.u32 @!p1 s12, $0xD  }
0x35: {  	s12 =	smul.u32 @!p1 $0x186A00, s12;
	_ =	sdelay $0x1  }
0x36: {  	s31 =	sadd.s32 $0xFFFFFFFF, s9;
	s13 =	sxor.u32 @!p1 $0xFFFFFFFF, s9;
	s11 =	ssub.s32 @!p1 s11, s12  }
0x37: {  	s14 =	simm.s32 @!p1 $0x80;
	s13 =	sshll.u32 @!p1 s13, $0xA;
	s11 =	sshll.u32 @!p1 s11, $0x4  }
0x38: {  	s12 =	sand.u32 @!p1 $0x400, s13;
	s13 =	simm.s32 @!p1 $0x8;
	s11 =	sadd.s32 @!p1 s6, s11  }
0x39: {  	[tilespmem:s12], [sflag:$0x1] =	stream.strided.gather @!p1 [hbm4b:s11+s13], $0x400, s14, s13, $0x38;
	[tilespmem:$0x1010] =	vst v63  }
0x3a: {  	p1 =	sge.u32 s31, s5  }
.Ltmp2:
0x3b: {  	_ = 	snop;
	(pc) =	sbr.rel @p1 .LBB1_5-.Ltmp2, $1  }
0x3c: {  	_ =	sdelay $0x3  }
0x3d: {  	s11 =	simm.s32 $0x1  }
0x3e: {  	_ =	swait.ge [sflag:s4], $0x400;
	s11 =	simm.s32 @!p0 $0x0  }
0x3f: {  	[sflag:s4] =	ssyncset.done $0x0;
	s12 =	sshll.u32 s11, $0xA  }
0x40: {  	[sflag:s4] =	ssyncadd.s32 $0xFFFFFC00;
	s20 =	sor.u32 $0x20, s12  }
0x41: {  	v0 =	vld.msk [tilespmem:s20+$0xFFFFFFE0], $0xff  }
0x42: {  	s11 =	smul.u32 $0x1020, s11;
	_ =	sdelay $0x1  }
0x43: {  	s11 =	sshrl.u32 s11, $0x2  }
0x44: {  	s11 =	sor.u32 $0x807, s11  }
0x45: {  	[tilespmem:s11+$0xFFFFFFF9 ss:$0x81] =	vst.msk $0xff, v0  }
0x46: {  	v0 =	vld.msk [tilespmem:s20+$0xFFFFFFE8], $0xff  }
0x47: {  	s14 =	sadd.s32 $0x40, s20  }
0x48: {  	v1 =	vld.msk [tilespmem:s14+$0xFFFFFFE0], $0xff;
	_ =	sdelay $0x2  }
0x49: {  	[tilespmem:s11+$0xFFFFFFFA ss:$0x81] =	vst.msk $0xff, v0  }
0x4a: {  	s12 =	sadd.s32 $0x8, s11;
	v0 =	vld.msk [tilespmem:s20+$0xFFFFFFF0], $0xff  }
0x4b: {  	[tilespmem:s12+$0xFFFFFFF9 ss:$0x81] =	vst.msk $0xff, v1  }
0x4c: {  	v1 =	vld.msk [tilespmem:s14+$0xFFFFFFE8], $0xff  }
0x4d: {  	s15 =	sadd.s32 $0x40, s14  }
0x4e: {  	v2 =	vld.msk [tilespmem:s15+$0xFFFFFFE0], $0xff  }
0x4f: {  	[tilespmem:s11+$0xFFFFFFFB ss:$0x81] =	vst.msk $0xff, v0  }
0x50: {  	v0 =	vld.msk [tilespmem:s20+$0xFFFFFFF8], $0xff  }
0x51: {  	[tilespmem:s12+$0xFFFFFFFA ss:$0x81] =	vst.msk $0xff, v1  }
0x52: {  	s13 =	sadd.s32 $0x8, s12;
	v1 =	vld.msk [tilespmem:s14+$0xFFFFFFF0], $0xff  }
0x53: {  	[tilespmem:s13+$0xFFFFFFF9 ss:$0x81] =	vst.msk $0xff, v2  }
0x54: {  	s17 =	sadd.s32 $0x40, s15;
	v2 =	vld.msk [tilespmem:s15+$0xFFFFFFE8], $0xff  }
0x55: {  	[tilespmem:s11+$0xFFFFFFFC ss:$0x81] =	vst.msk $0xff, v0;
	v0 =	vld.msk [tilespmem:s17+$0xFFFFFFE0], $0xff  }
0x56: {  	v3 =	vld.msk [tilespmem:s20+$0x0], $0xff  }
0x57: {  	[tilespmem:s12+$0xFFFFFFFB ss:$0x81] =	vst.msk $0xff, v1  }
0x58: {  	v1 =	vld.msk [tilespmem:s14+$0xFFFFFFF8], $0xff  }
0x59: {  	s16 =	sadd.s32 $0x8, s13;
	[tilespmem:s13+$0xFFFFFFFA ss:$0x81] =	vst.msk $0xff, v2  }
0x5a: {  	v2 =	vld.msk [tilespmem:s15+$0xFFFFFFF0], $0xff;
	[tilespmem:s16+$0xFFFFFFF9 ss:$0x81] =	vst.msk $0xff, v0  }
0x5b: {  	v0 =	vld.msk [tilespmem:s17+$0xFFFFFFE8], $0xff;
	[tilespmem:s11+$0xFFFFFFFD ss:$0x81] =	vst.msk $0xff, v3  }
0x5c: {  	s19 =	sadd.s32 $0x40, s17;
	v3 =	vld.msk [tilespmem:s20+$0x8], $0xff  }
0x5d: {  	[tilespmem:s12+$0xFFFFFFFC ss:$0x81] =	vst.msk $0xff, v1;
	v1 =	vld.msk [tilespmem:s19+$0xFFFFFFE0], $0xff  }
0x5e: {  	v4 =	vld.msk [tilespmem:s14+$0x0], $0xff  }
0x5f: {  	[tilespmem:s13+$0xFFFFFFFB ss:$0x81] =	vst.msk $0xff, v2  }
0x60: {  	v2 =	vld.msk [tilespmem:s15+$0xFFFFFFF8], $0xff;
	[tilespmem:s16+$0xFFFFFFFA ss:$0x81] =	vst.msk $0xff, v0  }
0x61: {  	s18 =	sadd.s32 $0x8, s16;
	v0 =	vld.msk [tilespmem:s17+$0xFFFFFFF0], $0xff;
	[tilespmem:s11+$0xFFFFFFFE ss:$0x81] =	vst.msk $0xff, v3  }
0x62: {  	[tilespmem:s18+$0xFFFFFFF9 ss:$0x81] =	vst.msk $0xff, v1;
	v1 =	vld.msk [tilespmem:s20+$0x10], $0xff  }
0x63: {  	[tilespmem:s12+$0xFFFFFFFD ss:$0x81] =	vst.msk $0xff, v4;
	v3 =	vld.msk [tilespmem:s19+$0xFFFFFFE8], $0xff  }
0x64: {  	s21 =	sadd.s32 $0x40, s19;
	v4 =	vld.msk [tilespmem:s14+$0x8], $0xff  }
0x65: {  	[tilespmem:s13+$0xFFFFFFFC ss:$0x81] =	vst.msk $0xff, v2;
	v2 =	vld.msk [tilespmem:s21+$0xFFFFFFE0], $0xff  }
0x66: {  	v5 =	vld.msk [tilespmem:s15+$0x0], $0xff;
	[tilespmem:s16+$0xFFFFFFFB ss:$0x81] =	vst.msk $0xff, v0  }
0x67: {  	v6 =	vld.msk [tilespmem:s17+$0xFFFFFFF8], $0xff;
	[tilespmem:s11+$0xFFFFFFFF ss:$0x81] =	vst.msk $0xff, v1  }
0x68: {  	s22 =	sand.u32 $0x1, s9;
	[tilespmem:s18+$0xFFFFFFFA ss:$0x81] =	vst.msk $0xff, v3;
	v0 =	vld.msk [tilespmem:s20+$0x18], $0xff  }
0x69: {  	s22 =	smul.u32 $0x1020, s22;
	[tilespmem:s12+$0xFFFFFFFE ss:$0x81] =	vst.msk $0xff, v4;
	v3 =	vld.msk [tilespmem:s19+$0xFFFFFFF0], $0xff;
	s20 =	sadd.s32 $0x8, s18  }
0x6a: {  	v1 =	vld.msk [tilespmem:s14+$0x10], $0xff;
	[tilespmem:s20+$0xFFFFFFF9 ss:$0x81] =	vst.msk $0xff, v2  }
0x6b: {  	s22 =	sshrl.u32 s22, $0x2;
	[tilespmem:s13+$0xFFFFFFFD ss:$0x81] =	vst.msk $0xff, v5;
	v4 =	vld.msk [tilespmem:s21+$0xFFFFFFE8], $0xff  }
0x6c: {  	s23 =	simm.s32 $0x28;
	s22 =	sor.u32 $0x800, s22;
	s24 =	sadd.s32 $0x40, s21;
	v2 =	vld.msk [tilespmem:s15+$0x8], $0xff;
	[tilespmem:s16+$0xFFFFFFFC ss:$0x81] =	vst.msk $0xff, v6  }
.LBB1_3:
0x6d: {  	v5 =	vld.msk [tilespmem:s24+$0xFFFFFFE0], $0xff;
	[tilespmem:s11+$0x0 ss:$0x81] =	vst.msk $0xff, v0;
	s11 =	smov.u32 s12;
	s12 =	smov.u32 s13;
	s13 =	smov.u32 s16  }
0x6e: {  	s23 =	sadd.s32 $0x8, s23;
	s16 =	smov.u32 s18;
	[tilespmem:s18+$0xFFFFFFFB ss:$0x81] =	vst.msk $0xff, v3;
	v6 =	vld.msk [tilespmem:s17+$0x0], $0xff;
	s18 =	smov.u32 s20  }
0x6f: {  	p1 =	slt.u32 s23, $0x78;
	v7 =	vld.msk [tilespmem:s19+$0xFFFFFFF8], $0xff;
	[tilespmem:s11+$0xFFFFFFFF ss:$0x81] =	vst.msk $0xff, v1  }
.Ltmp3:
0x70: {  	[tilespmem:s20+$0xFFFFFFFA ss:$0x81] =	vst.msk $0xff, v4;
	v0 =	vld.msk [tilespmem:s14+$0x18], $0xff;
	s14 =	smov.u32 s15;
	s15 =	smov.u32 s17;
	(pc) =	sbr.rel @p1 .LBB1_3-.Ltmp3, $4  }
0x71: {  	s20 =	sadd.s32 $0x8, s20;
	s17 =	smov.u32 s19;
	s19 =	smov.u32 s21;
	v3 =	vld.msk [tilespmem:s21+$0xFFFFFFF0], $0xff;
	[tilespmem:s12+$0xFFFFFFFE ss:$0x81] =	vst.msk $0xff, v2  }
0x72: {  	s21 =	smov.u32 s24;
	[tilespmem:s20+$0xFFFFFFF9 ss:$0x81] =	vst.msk $0xff, v5;
	v1 =	vld.msk [tilespmem:s14+$0x10], $0xff  }
0x73: {  	v4 =	vld.msk [tilespmem:s24+$0xFFFFFFE8], $0xff;
	[tilespmem:s13+$0xFFFFFFFD ss:$0x81] =	vst.msk $0xff, v6  }
0x74: {  	s24 =	sadd.s32 $0x40, s24;
	[tilespmem:s16+$0xFFFFFFFC ss:$0x81] =	vst.msk $0xff, v7;
	v2 =	vld.msk [tilespmem:s15+$0x8], $0xff  }
.Ltmp4:
0x75: {  	_ = 	snop;
	(pc) =	sbr.rel .LBB1_4-.Ltmp4, $1  }
0x76: {  	_ =	sdelay $0x3  }
.LBB1_6:
0x77: {  	_ =	sfence.sel $0x180000  }
0x78: {  	s2 =	simm.s32 $0x1;
	[bflag:$0x0] =	sbarrier.arrive $0xFFFF  }
0x79: {  	s31 =	simm.s32 $0x2;
	[sflag:s2] =	ssyncpa.u1 $0x1  }
0x7a: {  	[sflag:s31] =	ssyncpa.u1 $0x1  }
0x7b: {  	p0 =	sne.s32 s0, $0x0;
	_ =	strace $0x90000050  }
0x7c: {  	s0 =	sadd.s32 @!p0 $0x100000, s1;
	[bflag:$0x2] =	sbarrier.arrive $0xFFFF  }
0x7d: {  	[sflag:s0] =	ssyncadd.tile.s32 @!p0 $0x1;
	_ =	shalt  }
.Lfunc_end1:
_tile_overlayer_lowered:
.L_overlay_start_2:
0x7e: {  	(tag) =	ssettag $0x2  }
0x7f: {  	s0 =	rddreg [dreg:$0x0];
	s2 =	stileid.u32  }
0x80: {  	s1 =	rddreg [dreg:$0x1];
	p0 =	sne.s32 s2, $0x0  }
0x81: {  	s3 =	rddreg [dreg:$0x2];
	[bflag:$0x3] =	sbarrier.arrive $0xFFFF;
	s2 =	simm.s32 @!p0 $0x1C01  }
0x82: {  	[timem:s3], [sflag:s2] =	dma.local @!p0 [hbm:s0], s1  }
0x83: {  	s0 =	simm.s32 @!p0 $0x1  }
0x84: {  	_ =	swait.ge @!p0 [sflag:s0], s1  }
0x85: {  	s1 =	ssub.s32 @!p0 $0x0, s1;
	[sflag:s0] =	ssyncset.done @!p0 $0x0  }
0x86: {  	[sflag:s0] =	ssyncadd.s32 @!p0 s1  }
0x87: {  	[bflag:$0x3] =	sbarrier.arrive $0xFFFF  }
0x88: {  	_ =	shalt  }

</sc_bundles>
